<compile_context>
chip_gen: v7x
topology: tpu7x:2x2x1
jax: 0.10.2.dev20260603
libtpu: 0.0.44.dev20260713+nightly
codegen_flags: <defaults>
</compile_context>

<pallas_src>
import functools

import jax
import jax.numpy as jnp
from jax import lax
from jax.experimental import pallas as pl
from jax.experimental.pallas import tpu as pltpu
from jax.experimental.pallas import tpu_sc as plsc

N = 100000
N_NODES = 10000
NUM_GRAPHS = 10
E = 3200000
D_IN = 9

NPAD = 100096
NGP = 10240
NG = NUM_GRAPHS * NGP
NW = 32
STRIPE = NPAD // 16
STRIPE_A = NG // 16
CHUNK = 4000
EPW_CHUNKS = E // (NW * CHUNK)

_PLB = 3328
_PGRID = -(-N // _PLB)


def _prologue_body(xt_ref, bt_ref, projt_ref, pmax_ref):
    xt = xt_ref[...]
    bt = bt_ref[...]
    r = lax.dot_general(bt, xt, (((1,), (0,)), ((), ())),
                        preferred_element_type=jnp.float32)
    projt_ref[...] = r
    col = lax.broadcasted_iota(jnp.int32, r.shape, 1) + pl.program_id(0) * _PLB
    rm = jnp.where(col < N, r, -3.4e38)
    pmax_ref[...] = jnp.max(rm, axis=1).reshape(1, 1, 3)


def _prologue(xt, btmat):
    return pl.pallas_call(
        _prologue_body,
        grid=(_PGRID,),
        in_specs=[
            pl.BlockSpec((D_IN, _PLB), lambda g: (0, g)),
            pl.BlockSpec((3, D_IN), lambda g: (0, 0)),
        ],
        out_specs=[
            pl.BlockSpec((3, _PLB), lambda g: (0, g)),
            pl.BlockSpec((1, 1, 3), lambda g: (g, 0, 0)),
        ],
        out_shape=[
            jax.ShapeDtypeStruct((3, NPAD), jnp.float32),
            jax.ShapeDtypeStruct((_PGRID, 1, 3), jnp.float32),
        ],
    )(xt, btmat)


def _sc_edge_kernel(e1, e2, p1f, p2f, mvec1, mvec2, zeros):
    mesh = plsc.VectorSubcoreMesh(core_axis_name="c", subcore_axis_name="s")

    out_type = [jax.ShapeDtypeStruct((2 * NG,), jnp.float32)] * 4
    scratch = [
        pltpu.VMEM_SHARED((NPAD,), jnp.float32),
        pltpu.VMEM_SHARED((NPAD,), jnp.float32),
        pltpu.VMEM_SHARED((NPAD,), jnp.float32),
        pltpu.VMEM_SHARED((NPAD,), jnp.float32),
        pltpu.VMEM_SHARED((NPAD,), jnp.float32),
        pltpu.VMEM_SHARED((NPAD,), jnp.float32),
        pltpu.VMEM_SHARED((NG,), jnp.float32),
        pltpu.VMEM_SHARED((NG,), jnp.float32),
        pltpu.VMEM_SHARED((NG,), jnp.float32),
        pltpu.VMEM_SHARED((NG,), jnp.float32),
        pltpu.VMEM((CHUNK,), jnp.int32),
        pltpu.VMEM((CHUNK,), jnp.int32),
        pltpu.VMEM((CHUNK,), jnp.int32),
        pltpu.VMEM((CHUNK,), jnp.float32),
        pltpu.VMEM((CHUNK,), jnp.float32),
        pltpu.VMEM((CHUNK,), jnp.float32),
        pltpu.VMEM((CHUNK,), jnp.float32),
        pltpu.VMEM((CHUNK,), jnp.float32),
        pltpu.VMEM((16,), jnp.float32),
        pltpu.VMEM((16,), jnp.float32),
        pltpu.VMEM((STRIPE_A,), jnp.float32),
        pltpu.SemaphoreType.DMA,
        pltpu.SemaphoreType.DMA,
        pltpu.SemaphoreType.DMA,
    ]

    @functools.partial(pl.kernel, out_type=out_type, mesh=mesh,
                       scratch_types=scratch)
    def k(e1_h, e2_h, p1_h, p2_h, m1_h, m2_h, zeros_h,
          oden1, onum1, oden2, onum2,
          sp_a1, sp_d1, sp_s1, sp_a2, sp_d2, sp_s2,
          acc_d1, acc_n1, acc_d2, acc_n2,
          v_src, v_dst, v_dstp, v_ga, v_gs, v_gd, v_p, v_ps,
          v_m1, v_m2, v_stage, sem0, sem1, sem2):
        c = lax.axis_index("c")
        s = lax.axis_index("s")
        wid = s * 2 + c
        off = s * STRIPE
        offa = s * STRIPE_A
        sl = pl.ds(off, STRIPE)
        sla = pl.ds(offa, STRIPE_A)

        for t, sp in ((0, sp_a1), (1, sp_d1), (2, sp_s1)):
            pltpu.sync_copy(p1_h.at[pl.ds(t * NPAD + off, STRIPE)],
                            v_stage.at[pl.ds(0, STRIPE)])
            pltpu.sync_copy(v_stage.at[pl.ds(0, STRIPE)], sp.at[sl])
        for t, sp in ((0, sp_a2), (1, sp_d2), (2, sp_s2)):
            pltpu.sync_copy(p2_h.at[pl.ds(t * NPAD + off, STRIPE)],
                            v_stage.at[pl.ds(0, STRIPE)])
            pltpu.sync_copy(v_stage.at[pl.ds(0, STRIPE)], sp.at[sl])
        pltpu.sync_copy(zeros_h.at[sla], v_stage)
        for acc in (acc_d1, acc_n1, acc_d2, acc_n2):
            pltpu.sync_copy(v_stage, acc.at[sla])
        pltpu.sync_copy(m1_h, v_m1)
        pltpu.sync_copy(m2_h, v_m2)
        plsc.subcore_barrier()

        m1 = v_m1[...]
        m2 = v_m2[...]

        def do_conv(e_h, sp_a, sp_d, sp_s, acc_d, acc_n, mv):
            def chunk_body(kk, _):
                base = (wid * EPW_CHUNKS + kk) * CHUNK
                pltpu.sync_copy(e_h.at[pl.ds(base, CHUNK)], v_src)
                pltpu.sync_copy(e_h.at[pl.ds(E + base, CHUNK)], v_dst)
                cp0 = pltpu.async_copy(sp_a.at[v_src], v_ga, sem0)
                cp1 = pltpu.async_copy(sp_s.at[v_src], v_gs, sem1)
                cp2 = pltpu.async_copy(sp_d.at[v_dst], v_gd, sem2)
                cp0.wait()
                cp1.wait()
                cp2.wait()

                def vec_group(j0):
                    vsl = pl.ds(j0, 16)
                    e = v_ga[vsl] + v_gd[vsl]
                    e = jnp.where(e >= 0.0, e, 0.2 * e)
                    p = jnp.exp(e - mv)
                    v_p[vsl] = p
                    v_ps[vsl] = p * v_gs[vsl]
                    d = v_dst[vsl]
                    g = (d.astype(jnp.float32)
                         * jnp.float32(1.0 / N_NODES)).astype(jnp.int32)
                    v_dstp[vsl] = d + (NGP - N_NODES) * g

                def vec_body(i, _):
                    for j in range(8):
                        vec_group(i * 128 + j * 16)
                    return 0

                lax.fori_loop(0, CHUNK // 128, vec_body, 0)
                for j in range(CHUNK % 128 // 16):
                    vec_group(CHUNK - CHUNK % 128 + j * 16)

                pltpu.sync_copy(v_p, acc_d.at[v_dstp], add=True)
                pltpu.sync_copy(v_ps, acc_n.at[v_dstp], add=True)
                return 0

            lax.fori_loop(0, EPW_CHUNKS, chunk_body, 0)

        do_conv(e1_h, sp_a1, sp_d1, sp_s1, acc_d1, acc_n1, m1)
        do_conv(e2_h, sp_a2, sp_d2, sp_s2, acc_d2, acc_n2, m2)

        plsc.subcore_barrier()
        hsl = pl.ds(c * NG + offa, STRIPE_A)
        for acc, out in ((acc_d1, oden1), (acc_n1, onum1),
                         (acc_d2, oden2), (acc_n2, onum2)):
            pltpu.sync_copy(acc.at[sla], v_stage)
            pltpu.sync_copy(v_stage, out.at[hsl])

    return k(e1, e2, p1f, p2f, mvec1, mvec2, zeros)


def _epilogue_body(d1_ref, n1_ref, d2_ref, n2_ref, out_ref):
    d1 = d1_ref[0] + d1_ref[1]
    n1 = n1_ref[0] + n1_ref[1]
    d2 = d2_ref[0] + d2_ref[1]
    n2 = n2_ref[0] + n2_ref[1]
    score = n1 / (d1 + 1e-16) + n2 / (d2 + 1e-16)
    col = lax.broadcasted_iota(jnp.int32, score.shape, 1)
    score = jnp.where(col < N_NODES, score, -3.4e38)
    mx = jnp.max(score, axis=-1, keepdims=True)
    ex = jnp.exp(score - mx)
    probs = ex / jnp.sum(ex, axis=-1, keepdims=True)
    out_ref[...] = probs[:, :N_NODES]


def _epilogue(den1, num1, den2, num2):
    return pl.pallas_call(
        _epilogue_body,
        out_shape=jax.ShapeDtypeStruct((NUM_GRAPHS, N_NODES), jnp.float32),
    )(den1, num1, den2, num2)


def kernel(x_1, x_2, edge_index_1, edge_index_2,
           W1, a_src1, a_dst1, b1,
           W2, a_src2, a_dst2, b2,
           lin1_W, lin1_b, lin2_W, lin2_b):
    w_eff = (lin1_W @ lin2_W)[:, 0]
    bt_1 = (W1 @ jnp.stack([a_src1, a_dst1, w_eff], axis=1)).T
    bt_2 = (W2 @ jnp.stack([a_src2, a_dst2, w_eff], axis=1)).T

    projt1, pmax1 = _prologue(x_1.T, bt_1)
    projt2, pmax2 = _prologue(x_2.T, bt_2)

    m1 = jnp.max(pmax1[:, 0, 0]) + jnp.max(pmax1[:, 0, 1])
    m2 = jnp.max(pmax2[:, 0, 0]) + jnp.max(pmax2[:, 0, 1])
    mvec1 = jnp.full((16,), m1, jnp.float32)
    mvec2 = jnp.full((16,), m2, jnp.float32)

    e1 = edge_index_1.reshape(-1)
    e2 = edge_index_2.reshape(-1)
    zeros = jnp.zeros((NG,), jnp.float32)

    den1, num1, den2, num2 = _sc_edge_kernel(
        e1, e2, projt1.reshape(-1), projt2.reshape(-1),
        mvec1, mvec2, zeros)

    def _rs(a):
        return a.reshape(2, NUM_GRAPHS, NGP)

    return _epilogue(_rs(den1), _rs(num1), _rs(den2), _rs(num2))

# --- scband reference (transcript-rebuilt; emitter-appended) ---
"""Pipeline reference for scband-encode-chrom-87797721464881 (READ-ONLY COPY).

The authoritative reference and input builder live on the scoring server;
editing this copy changes nothing except your own understanding.
"""

import jax, jax.numpy as jnp
import numpy as np

N = 100000          # total nodes = num_graphs * n_nodes
N_NODES = 10000     # per-graph nodes (init arg)
NUM_GRAPHS = 10
E = 3200000         # edges per graph
D_IN = 9
D_H = 64


def setup_inputs(seed: int = 0):
    key = jax.random.key(seed)
    ks = jax.random.split(key, 16)
    s_in = 1.0 / np.sqrt(D_IN)
    s_h = 1.0 / np.sqrt(D_H)
    inp = {
        "x_1": jax.random.normal(ks[0], (N, D_IN), dtype=jnp.float32),
        "x_2": jax.random.normal(ks[1], (N, D_IN), dtype=jnp.float32),
        "edge_index_1": jax.random.randint(ks[2], (2, E), 0, N, dtype=jnp.int32),
        "edge_index_2": jax.random.randint(ks[3], (2, E), 0, N, dtype=jnp.int32),
        # GATConv 1 params
        "W1": jax.random.uniform(ks[4], (D_IN, D_H), jnp.float32, -s_in, s_in),
        "a_src1": jax.random.uniform(ks[5], (D_H,), jnp.float32, -s_h, s_h),
        "a_dst1": jax.random.uniform(ks[6], (D_H,), jnp.float32, -s_h, s_h),
        "b1": jnp.zeros((D_H,), jnp.float32),
        # GATConv 2 params
        "W2": jax.random.uniform(ks[7], (D_IN, D_H), jnp.float32, -s_in, s_in),
        "a_src2": jax.random.uniform(ks[8], (D_H,), jnp.float32, -s_h, s_h),
        "a_dst2": jax.random.uniform(ks[9], (D_H,), jnp.float32, -s_h, s_h),
        "b2": jnp.zeros((D_H,), jnp.float32),
        # Linear layers
        "lin1_W": jax.random.uniform(ks[10], (64, 128), jnp.float32, -s_h, s_h),
        "lin1_b": jnp.zeros((128,), jnp.float32),
        "lin2_W": jax.random.uniform(ks[11], (128, 1), jnp.float32, -1.0 / np.sqrt(128), 1.0 / np.sqrt(128)),
        "lin2_b": jnp.zeros((1,), jnp.float32),
    }
    return inp


def _gat_conv(x, edge_index, W, a_src, a_dst, b):
    # Single-head GATConv (PyG semantics): messages src -> dst,
    # attention = softmax over incoming edges of each dst node.
    src = edge_index[0]
    dst = edge_index[1]
    h = x @ W                          # [N, 64]
    alpha_src = h @ a_src              # [N]
    alpha_dst = h @ a_dst              # [N]
    e = alpha_src[src] + alpha_dst[dst]
    e = jax.nn.leaky_relu(e, negative_slope=0.2)
    m = jax.ops.segment_max(e, dst, num_segments=N)
    m = jnp.where(jnp.isfinite(m), m, 0.0)
    ex = jnp.exp(e - m[dst])
    denom = jax.ops.segment_sum(ex, dst, num_segments=N)
    alpha = ex / (denom[dst] + 1e-16)
    out = jax.ops.segment_sum(h[src] * alpha[:, None], dst, num_segments=N)
    return out + b


def reference(x_1, x_2, edge_index_1, edge_index_2,
              W1, a_src1, a_dst1, b1,
              W2, a_src2, a_dst2, b2,
              lin1_W, lin1_b, lin2_W, lin2_b):
    out_1 = _gat_conv(x_1, edge_index_1, W1, a_src1, a_dst1, b1)
    out_2 = _gat_conv(x_2, edge_index_2, W2, a_src2, a_dst2, b2)
    out = out_1 + out_2                       # [N, 64]
    out = out.reshape(NUM_GRAPHS, N_NODES, D_H)
    out = out @ lin1_W + lin1_b               # [G, n, 128]
    out = out @ lin2_W + lin2_b               # [G, n, 1]
    out = jnp.squeeze(out, axis=-1)           # [G, n]
    probs = jax.nn.softmax(out, axis=-1)      # Categorical probs
    return probs

if __name__ == "__main__":
    import jax
    _d = setup_inputs()
    print(jax.jit(kernel)(*tuple(_d.values())))

</pallas_src>

<mosaic_0001>
#map = affine_map<(d0, d1) -> (0)>
module attributes {stable_mosaic.version = 14 : i64} {
  func.func @k(%arg0: i32, %arg1: i32, %arg2: memref<6400000xi32, #tpu.memory_space<hbm>>, %arg3: memref<6400000xi32, #tpu.memory_space<hbm>>, %arg4: memref<300288xf32, #tpu.memory_space<hbm>>, %arg5: memref<300288xf32, #tpu.memory_space<hbm>>, %arg6: memref<16xf32, #tpu.memory_space<hbm>>, %arg7: memref<16xf32, #tpu.memory_space<hbm>>, %arg8: memref<102400xf32, #tpu.memory_space<hbm>>, %arg9: memref<204800xf32, #tpu.memory_space<hbm>>, %arg10: memref<204800xf32, #tpu.memory_space<hbm>>, %arg11: memref<204800xf32, #tpu.memory_space<hbm>>, %arg12: memref<204800xf32, #tpu.memory_space<hbm>>, %arg13: memref<100096xf32, #tpu.memory_space<vmem_shared>>, %arg14: memref<100096xf32, #tpu.memory_space<vmem_shared>>, %arg15: memref<100096xf32, #tpu.memory_space<vmem_shared>>, %arg16: memref<100096xf32, #tpu.memory_space<vmem_shared>>, %arg17: memref<100096xf32, #tpu.memory_space<vmem_shared>>, %arg18: memref<100096xf32, #tpu.memory_space<vmem_shared>>, %arg19: memref<102400xf32, #tpu.memory_space<vmem_shared>>, %arg20: memref<102400xf32, #tpu.memory_space<vmem_shared>>, %arg21: memref<102400xf32, #tpu.memory_space<vmem_shared>>, %arg22: memref<102400xf32, #tpu.memory_space<vmem_shared>>, %arg23: memref<4000xi32, #tpu.memory_space<vmem>>, %arg24: memref<4000xi32, #tpu.memory_space<vmem>>, %arg25: memref<4000xi32, #tpu.memory_space<vmem>>, %arg26: memref<4000xf32, #tpu.memory_space<vmem>>, %arg27: memref<4000xf32, #tpu.memory_space<vmem>>, %arg28: memref<4000xf32, #tpu.memory_space<vmem>>, %arg29: memref<4000xf32, #tpu.memory_space<vmem>>, %arg30: memref<4000xf32, #tpu.memory_space<vmem>>, %arg31: memref<16xf32, #tpu.memory_space<vmem>>, %arg32: memref<16xf32, #tpu.memory_space<vmem>>, %arg33: memref<6400xf32, #tpu.memory_space<vmem>>, %arg34: memref<!tpu.dma_semaphore, #tpu.memory_space<semaphore_mem>>, %arg35: memref<!tpu.dma_semaphore, #tpu.memory_space<semaphore_mem>>, %arg36: memref<!tpu.dma_semaphore, #tpu.memory_space<semaphore_mem>>) attributes {dimension_semantics = [#tpu.dimension_semantics<core_parallel>, #tpu.dimension_semantics<subcore_parallel>], iteration_bounds = array<i64: 2, 16>, scalar_prefetch = 0 : i64, scratch_operands = 24 : i64, tpu.core_type = #tpu.core_type<sc_vector_subcore>, window_params = [{transform_indices = #map}, {transform_indices = #map}, {transform_indices = #map}, {transform_indices = #map}, {transform_indices = #map}, {transform_indices = #map}, {transform_indices = #map}, {transform_indices = #map}, {transform_indices = #map}, {transform_indices = #map}, {transform_indices = #map}]} {
    %mul3A = arith.constant 2 : i32
    %mul3A_0 = arith.muli %arg1, %mul3A : i32
    %add3A = arith.addi %mul3A_0, %arg0 : i32
    %mul3A_1 = arith.constant 6256 : i32
    %mul3A_2 = arith.muli %arg1, %mul3A_1 : i32
    %mul3A_3 = arith.constant 6400 : i32
    %mul3A_4 = arith.muli %arg1, %mul3A_3 : i32
    %add3A_5 = arith.constant 0 : i32
    %add3A_6 = arith.addi %add3A_5, %mul3A_2 : i32
    "tpu.region"() ({
      %run_scoped3A = tpu.sem_alloc : memref<!tpu.dma_semaphore, #tpu.memory_space<semaphore_mem>>
      %dma_start3A = arith.constant 0 : i32
      %dma_start3A_39 = tpu.memref_slice %arg33[%dma_start3A] : memref<6400xf32, #tpu.memory_space<vmem>> -> memref<6256xf32, #tpu.memory_space<vmem>>
      %dma_start3A_40 = tpu.memref_slice %arg4[%add3A_6] : memref<300288xf32, #tpu.memory_space<hbm>> -> memref<6256xf32, #tpu.memory_space<hbm>>
      %dma_start3A_41 = arith.constant 0 : i32
      %dma_start3A_42 = tpu.memref_slice %arg33[%dma_start3A_41] : memref<6400xf32, #tpu.memory_space<vmem>> -> memref<6256xf32, #tpu.memory_space<vmem>>
      %dma_start3A_43 = tpu.memref_slice %arg4[%add3A_6] : memref<300288xf32, #tpu.memory_space<hbm>> -> memref<6256xf32, #tpu.memory_space<hbm>>
      tpu.enqueue_dma source(%dma_start3A_43 : memref<6256xf32, #tpu.memory_space<hbm>>) target(%dma_start3A_42 : memref<6256xf32, #tpu.memory_space<vmem>>) target_semaphore(%run_scoped3A : memref<!tpu.dma_semaphore, #tpu.memory_space<semaphore_mem>>)
      %dma_wait3A = arith.constant 0 : i32
      %dma_wait3A_44 = tpu.memref_slice %arg33[%dma_wait3A] : memref<6400xf32, #tpu.memory_space<vmem>> -> memref<6256xf32, #tpu.memory_space<vmem>>
      %dma_wait3A_45 = tpu.memref_slice %arg4[%add3A_6] : memref<300288xf32, #tpu.memory_space<hbm>> -> memref<6256xf32, #tpu.memory_space<hbm>>
      %dma_wait3A_46 = arith.constant 0 : i32
      %dma_wait3A_47 = tpu.memref_slice %arg33[%dma_wait3A_46] : memref<6400xf32, #tpu.memory_space<vmem>> -> memref<6256xf32, #tpu.memory_space<vmem>>
      %dma_wait3A_48 = tpu.memref_slice %arg4[%add3A_6] : memref<300288xf32, #tpu.memory_space<hbm>> -> memref<6256xf32, #tpu.memory_space<hbm>>
      tpu.wait_dma2 semaphore(%run_scoped3A : memref<!tpu.dma_semaphore, #tpu.memory_space<semaphore_mem>>) src(%dma_wait3A_48 : memref<6256xf32, #tpu.memory_space<hbm>>) dst(%dma_wait3A_47 : memref<6256xf32, #tpu.memory_space<vmem>>)
      tpu.yield
    }) : () -> ()
    "tpu.region"() ({
      %run_scoped3A = tpu.sem_alloc : memref<!tpu.dma_semaphore, #tpu.memory_space<semaphore_mem>>
      %dma_start3A = arith.constant 0 : i32
      %dma_start3A_39 = tpu.memref_slice %arg33[%dma_start3A] : memref<6400xf32, #tpu.memory_space<vmem>> -> memref<6256xf32, #tpu.memory_space<vmem>>
      %dma_start3A_40 = tpu.memref_slice %arg13[%mul3A_2] : memref<100096xf32, #tpu.memory_space<vmem_shared>> -> memref<6256xf32, #tpu.memory_space<vmem_shared>>
      %dma_start3A_41 = tpu.memref_slice %arg13[%mul3A_2] : memref<100096xf32, #tpu.memory_space<vmem_shared>> -> memref<6256xf32, #tpu.memory_space<vmem_shared>>
      %dma_start3A_42 = arith.constant 0 : i32
      %dma_start3A_43 = tpu.memref_slice %arg33[%dma_start3A_42] : memref<6400xf32, #tpu.memory_space<vmem>> -> memref<6256xf32, #tpu.memory_space<vmem>>
      tpu.enqueue_dma source(%dma_start3A_43 : memref<6256xf32, #tpu.memory_space<vmem>>) target(%dma_start3A_41 : memref<6256xf32, #tpu.memory_space<vmem_shared>>) target_semaphore(%run_scoped3A : memref<!tpu.dma_semaphore, #tpu.memory_space<semaphore_mem>>)
      %dma_wait3A = arith.constant 0 : i32
      %dma_wait3A_44 = tpu.memref_slice %arg33[%dma_wait3A] : memref<6400xf32, #tpu.memory_space<vmem>> -> memref<6256xf32, #tpu.memory_space<vmem>>
      %dma_wait3A_45 = tpu.memref_slice %arg13[%mul3A_2] : memref<100096xf32, #tpu.memory_space<vmem_shared>> -> memref<6256xf32, #tpu.memory_space<vmem_shared>>
      %dma_wait3A_46 = tpu.memref_slice %arg13[%mul3A_2] : memref<100096xf32, #tpu.memory_space<vmem_shared>> -> memref<6256xf32, #tpu.memory_space<vmem_shared>>
      %dma_wait3A_47 = arith.constant 0 : i32
      %dma_wait3A_48 = tpu.memref_slice %arg33[%dma_wait3A_47] : memref<6400xf32, #tpu.memory_space<vmem>> -> memref<6256xf32, #tpu.memory_space<vmem>>
      tpu.wait_dma2 semaphore(%run_scoped3A : memref<!tpu.dma_semaphore, #tpu.memory_space<semaphore_mem>>) src(%dma_wait3A_48 : memref<6256xf32, #tpu.memory_space<vmem>>) dst(%dma_wait3A_46 : memref<6256xf32, #tpu.memory_space<vmem_shared>>)
      tpu.yield
    }) : () -> ()
    %add3A_7 = arith.constant 100096 : i32
    %add3A_8 = arith.addi %add3A_7, %mul3A_2 : i32
    "tpu.region"() ({
      %run_scoped3A = tpu.sem_alloc : memref<!tpu.dma_semaphore, #tpu.memory_space<semaphore_mem>>
      %dma_start3A = arith.constant 0 : i32
      %dma_start3A_39 = tpu.memref_slice %arg33[%dma_start3A] : memref<6400xf32, #tpu.memory_space<vmem>> -> memref<6256xf32, #tpu.memory_space<vmem>>
      %dma_start3A_40 = tpu.memref_slice %arg4[%add3A_8] : memref<300288xf32, #tpu.memory_space<hbm>> -> memref<6256xf32, #tpu.memory_space<hbm>>
      %dma_start3A_41 = arith.constant 0 : i32
      %dma_start3A_42 = tpu.memref_slice %arg33[%dma_start3A_41] : memref<6400xf32, #tpu.memory_space<vmem>> -> memref<6256xf32, #tpu.memory_space<vmem>>
      %dma_start3A_43 = tpu.memref_slice %arg4[%add3A_8] : memref<300288xf32, #tpu.memory_space<hbm>> -> memref<6256xf32, #tpu.memory_space<hbm>>
      tpu.enqueue_dma source(%dma_start3A_43 : memref<6256xf32, #tpu.memory_space<hbm>>) target(%dma_start3A_42 : memref<6256xf32, #tpu.memory_space<vmem>>) target_semaphore(%run_scoped3A : memref<!tpu.dma_semaphore, #tpu.memory_space<semaphore_mem>>)
      %dma_wait3A = arith.constant 0 : i32
      %dma_wait3A_44 = tpu.memref_slice %arg33[%dma_wait3A] : memref<6400xf32, #tpu.memory_space<vmem>> -> memref<6256xf32, #tpu.memory_space<vmem>>
      %dma_wait3A_45 = tpu.memref_slice %arg4[%add3A_8] : memref<300288xf32, #tpu.memory_space<hbm>> -> memref<6256xf32, #tpu.memory_space<hbm>>
      %dma_wait3A_46 = arith.constant 0 : i32
      %dma_wait3A_47 = tpu.memref_slice %arg33[%dma_wait3A_46] : memref<6400xf32, #tpu.memory_space<vmem>> -> memref<6256xf32, #tpu.memory_space<vmem>>
      %dma_wait3A_48 = tpu.memref_slice %arg4[%add3A_8] : memref<300288xf32, #tpu.memory_space<hbm>> -> memref<6256xf32, #tpu.memory_space<hbm>>
      tpu.wait_dma2 semaphore(%run_scoped3A : memref<!tpu.dma_semaphore, #tpu.memory_space<semaphore_mem>>) src(%dma_wait3A_48 : memref<6256xf32, #tpu.memory_space<hbm>>) dst(%dma_wait3A_47 : memref<6256xf32, #tpu.memory_space<vmem>>)
      tpu.yield
    }) : () -> ()
    "tpu.region"() ({
      %run_scoped3A = tpu.sem_alloc : memref<!tpu.dma_semaphore, #tpu.memory_space<semaphore_mem>>
      %dma_start3A = arith.constant 0 : i32
      %dma_start3A_39 = tpu.memref_slice %arg33[%dma_start3A] : memref<6400xf32, #tpu.memory_space<vmem>> -> memref<6256xf32, #tpu.memory_space<vmem>>
      %dma_start3A_40 = tpu.memref_slice %arg14[%mul3A_2] : memref<100096xf32, #tpu.memory_space<vmem_shared>> -> memref<6256xf32, #tpu.memory_space<vmem_shared>>
      %dma_start3A_41 = tpu.memref_slice %arg14[%mul3A_2] : memref<100096xf32, #tpu.memory_space<vmem_shared>> -> memref<6256xf32, #tpu.memory_space<vmem_shared>>
      %dma_start3A_42 = arith.constant 0 : i32
      %dma_start3A_43 = tpu.memref_slice %arg33[%dma_start3A_42] : memref<6400xf32, #tpu.memory_space<vmem>> -> memref<6256xf32, #tpu.memory_space<vmem>>
      tpu.enqueue_dma source(%dma_start3A_43 : memref<6256xf32, #tpu.memory_space<vmem>>) target(%dma_start3A_41 : memref<6256xf32, #tpu.memory_space<vmem_shared>>) target_semaphore(%run_scoped3A : memref<!tpu.dma_semaphore, #tpu.memory_space<semaphore_mem>>)
      %dma_wait3A = arith.constant 0 : i32
      %dma_wait3A_44 = tpu.memref_slice %arg33[%dma_wait3A] : memref<6400xf32, #tpu.memory_space<vmem>> -> memref<6256xf32, #tpu.memory_space<vmem>>
      %dma_wait3A_45 = tpu.memref_slice %arg14[%mul3A_2] : memref<100096xf32, #tpu.memory_space<vmem_shared>> -> memref<6256xf32, #tpu.memory_space<vmem_shared>>
      %dma_wait3A_46 = tpu.memref_slice %arg14[%mul3A_2] : memref<100096xf32, #tpu.memory_space<vmem_shared>> -> memref<6256xf32, #tpu.memory_space<vmem_shared>>
      %dma_wait3A_47 = arith.constant 0 : i32
      %dma_wait3A_48 = tpu.memref_slice %arg33[%dma_wait3A_47] : memref<6400xf32, #tpu.memory_space<vmem>> -> memref<6256xf32, #tpu.memory_space<vmem>>
      tpu.wait_dma2 semaphore(%run_scoped3A : memref<!tpu.dma_semaphore, #tpu.memory_space<semaphore_mem>>) src(%dma_wait3A_48 : memref<6256xf32, #tpu.memory_space<vmem>>) dst(%dma_wait3A_46 : memref<6256xf32, #tpu.memory_space<vmem_shared>>)
      tpu.yield
    }) : () -> ()
    %add3A_9 = arith.constant 200192 : i32
    %add3A_10 = arith.addi %add3A_9, %mul3A_2 : i32
    "tpu.region"() ({
      %run_scoped3A = tpu.sem_alloc : memref<!tpu.dma_semaphore, #tpu.memory_space<semaphore_mem>>
      %dma_start3A = arith.constant 0 : i32
      %dma_start3A_39 = tpu.memref_slice %arg33[%dma_start3A] : memref<6400xf32, #tpu.memory_space<vmem>> -> memref<6256xf32, #tpu.memory_space<vmem>>
      %dma_start3A_40 = tpu.memref_slice %arg4[%add3A_10] : memref<300288xf32, #tpu.memory_space<hbm>> -> memref<6256xf32, #tpu.memory_space<hbm>>
      %dma_start3A_41 = arith.constant 0 : i32
      %dma_start3A_42 = tpu.memref_slice %arg33[%dma_start3A_41] : memref<6400xf32, #tpu.memory_space<vmem>> -> memref<6256xf32, #tpu.memory_space<vmem>>
      %dma_start3A_43 = tpu.memref_slice %arg4[%add3A_10] : memref<300288xf32, #tpu.memory_space<hbm>> -> memref<6256xf32, #tpu.memory_space<hbm>>
      tpu.enqueue_dma source(%dma_start3A_43 : memref<6256xf32, #tpu.memory_space<hbm>>) target(%dma_start3A_42 : memref<6256xf32, #tpu.memory_space<vmem>>) target_semaphore(%run_scoped3A : memref<!tpu.dma_semaphore, #tpu.memory_space<semaphore_mem>>)
      %dma_wait3A = arith.constant 0 : i32
      %dma_wait3A_44 = tpu.memref_slice %arg33[%dma_wait3A] : memref<6400xf32, #tpu.memory_space<vmem>> -> memref<6256xf32, #tpu.memory_space<vmem>>
      %dma_wait3A_45 = tpu.memref_slice %arg4[%add3A_10] : memref<300288xf32, #tpu.memory_space<hbm>> -> memref<6256xf32, #tpu.memory_space<hbm>>
      %dma_wait3A_46 = arith.constant 0 : i32
      %dma_wait3A_47 = tpu.memref_slice %arg33[%dma_wait3A_46] : memref<6400xf32, #tpu.memory_space<vmem>> -> memref<6256xf32, #tpu.memory_space<vmem>>
      %dma_wait3A_48 = tpu.memref_slice %arg4[%add3A_10] : memref<300288xf32, #tpu.memory_space<hbm>> -> memref<6256xf32, #tpu.memory_space<hbm>>
      tpu.wait_dma2 semaphore(%run_scoped3A : memref<!tpu.dma_semaphore, #tpu.memory_space<semaphore_mem>>) src(%dma_wait3A_48 : memref<6256xf32, #tpu.memory_space<hbm>>) dst(%dma_wait3A_47 : memref<6256xf32, #tpu.memory_space<vmem>>)
      tpu.yield
    }) : () -> ()
    "tpu.region"() ({
      %run_scoped3A = tpu.sem_alloc : memref<!tpu.dma_semaphore, #tpu.memory_space<semaphore_mem>>
      %dma_start3A = arith.constant 0 : i32
      %dma_start3A_39 = tpu.memref_slice %arg33[%dma_start3A] : memref<6400xf32, #tpu.memory_space<vmem>> -> memref<6256xf32, #tpu.memory_space<vmem>>
      %dma_start3A_40 = tpu.memref_slice %arg15[%mul3A_2] : memref<100096xf32, #tpu.memory_space<vmem_shared>> -> memref<6256xf32, #tpu.memory_space<vmem_shared>>
      %dma_start3A_41 = tpu.memref_slice %arg15[%mul3A_2] : memref<100096xf32, #tpu.memory_space<vmem_shared>> -> memref<6256xf32, #tpu.memory_space<vmem_shared>>
      %dma_start3A_42 = arith.constant 0 : i32
      %dma_start3A_43 = tpu.memref_slice %arg33[%dma_start3A_42] : memref<6400xf32, #tpu.memory_space<vmem>> -> memref<6256xf32, #tpu.memory_space<vmem>>
      tpu.enqueue_dma source(%dma_start3A_43 : memref<6256xf32, #tpu.memory_space<vmem>>) target(%dma_start3A_41 : memref<6256xf32, #tpu.memory_space<vmem_shared>>) target_semaphore(%run_scoped3A : memref<!tpu.dma_semaphore, #tpu.memory_space<semaphore_mem>>)
      %dma_wait3A = arith.constant 0 : i32
      %dma_wait3A_44 = tpu.memref_slice %arg33[%dma_wait3A] : memref<6400xf32, #tpu.memory_space<vmem>> -> memref<6256xf32, #tpu.memory_space<vmem>>
      %dma_wait3A_45 = tpu.memref_slice %arg15[%mul3A_2] : memref<100096xf32, #tpu.memory_space<vmem_shared>> -> memref<6256xf32, #tpu.memory_space<vmem_shared>>
      %dma_wait3A_46 = tpu.memref_slice %arg15[%mul3A_2] : memref<100096xf32, #tpu.memory_space<vmem_shared>> -> memref<6256xf32, #tpu.memory_space<vmem_shared>>
      %dma_wait3A_47 = arith.constant 0 : i32
      %dma_wait3A_48 = tpu.memref_slice %arg33[%dma_wait3A_47] : memref<6400xf32, #tpu.memory_space<vmem>> -> memref<6256xf32, #tpu.memory_space<vmem>>
      tpu.wait_dma2 semaphore(%run_scoped3A : memref<!tpu.dma_semaphore, #tpu.memory_space<semaphore_mem>>) src(%dma_wait3A_48 : memref<6256xf32, #tpu.memory_space<vmem>>) dst(%dma_wait3A_46 : memref<6256xf32, #tpu.memory_space<vmem_shared>>)
      tpu.yield
    }) : () -> ()
    %add3A_11 = arith.constant 0 : i32
    %add3A_12 = arith.addi %add3A_11, %mul3A_2 : i32
    "tpu.region"() ({
      %run_scoped3A = tpu.sem_alloc : memref<!tpu.dma_semaphore, #tpu.memory_space<semaphore_mem>>
      %dma_start3A = arith.constant 0 : i32
      %dma_start3A_39 = tpu.memref_slice %arg33[%dma_start3A] : memref<6400xf32, #tpu.memory_space<vmem>> -> memref<6256xf32, #tpu.memory_space<vmem>>
      %dma_start3A_40 = tpu.memref_slice %arg5[%add3A_12] : memref<300288xf32, #tpu.memory_space<hbm>> -> memref<6256xf32, #tpu.memory_space<hbm>>
      %dma_start3A_41 = arith.constant 0 : i32
      %dma_start3A_42 = tpu.memref_slice %arg33[%dma_start3A_41] : memref<6400xf32, #tpu.memory_space<vmem>> -> memref<6256xf32, #tpu.memory_space<vmem>>
      %dma_start3A_43 = tpu.memref_slice %arg5[%add3A_12] : memref<300288xf32, #tpu.memory_space<hbm>> -> memref<6256xf32, #tpu.memory_space<hbm>>
      tpu.enqueue_dma source(%dma_start3A_43 : memref<6256xf32, #tpu.memory_space<hbm>>) target(%dma_start3A_42 : memref<6256xf32, #tpu.memory_space<vmem>>) target_semaphore(%run_scoped3A : memref<!tpu.dma_semaphore, #tpu.memory_space<semaphore_mem>>)
      %dma_wait3A = arith.constant 0 : i32
      %dma_wait3A_44 = tpu.memref_slice %arg33[%dma_wait3A] : memref<6400xf32, #tpu.memory_space<vmem>> -> memref<6256xf32, #tpu.memory_space<vmem>>
      %dma_wait3A_45 = tpu.memref_slice %arg5[%add3A_12] : memref<300288xf32, #tpu.memory_space<hbm>> -> memref<6256xf32, #tpu.memory_space<hbm>>
      %dma_wait3A_46 = arith.constant 0 : i32
      %dma_wait3A_47 = tpu.memref_slice %arg33[%dma_wait3A_46] : memref<6400xf32, #tpu.memory_space<vmem>> -> memref<6256xf32, #tpu.memory_space<vmem>>
      %dma_wait3A_48 = tpu.memref_slice %arg5[%add3A_12] : memref<300288xf32, #tpu.memory_space<hbm>> -> memref<6256xf32, #tpu.memory_space<hbm>>
      tpu.wait_dma2 semaphore(%run_scoped3A : memref<!tpu.dma_semaphore, #tpu.memory_space<semaphore_mem>>) src(%dma_wait3A_48 : memref<6256xf32, #tpu.memory_space<hbm>>) dst(%dma_wait3A_47 : memref<6256xf32, #tpu.memory_space<vmem>>)
      tpu.yield
    }) : () -> ()
    "tpu.region"() ({
      %run_scoped3A = tpu.sem_alloc : memref<!tpu.dma_semaphore, #tpu.memory_space<semaphore_mem>>
      %dma_start3A = arith.constant 0 : i32
      %dma_start3A_39 = tpu.memref_slice %arg33[%dma_start3A] : memref<6400xf32, #tpu.memory_space<vmem>> -> memref<6256xf32, #tpu.memory_space<vmem>>
      %dma_start3A_40 = tpu.memref_slice %arg16[%mul3A_2] : memref<100096xf32, #tpu.memory_space<vmem_shared>> -> memref<6256xf32, #tpu.memory_space<vmem_shared>>
      %dma_start3A_41 = tpu.memref_slice %arg16[%mul3A_2] : memref<100096xf32, #tpu.memory_space<vmem_shared>> -> memref<6256xf32, #tpu.memory_space<vmem_shared>>
      %dma_start3A_42 = arith.constant 0 : i32
      %dma_start3A_43 = tpu.memref_slice %arg33[%dma_start3A_42] : memref<6400xf32, #tpu.memory_space<vmem>> -> memref<6256xf32, #tpu.memory_space<vmem>>
      tpu.enqueue_dma source(%dma_start3A_43 : memref<6256xf32, #tpu.memory_space<vmem>>) target(%dma_start3A_41 : memref<6256xf32, #tpu.memory_space<vmem_shared>>) target_semaphore(%run_scoped3A : memref<!tpu.dma_semaphore, #tpu.memory_space<semaphore_mem>>)
      %dma_wait3A = arith.constant 0 : i32
      %dma_wait3A_44 = tpu.memref_slice %arg33[%dma_wait3A] : memref<6400xf32, #tpu.memory_space<vmem>> -> memref<6256xf32, #tpu.memory_space<vmem>>
      %dma_wait3A_45 = tpu.memref_slice %arg16[%mul3A_2] : memref<100096xf32, #tpu.memory_space<vmem_shared>> -> memref<6256xf32, #tpu.memory_space<vmem_shared>>
      %dma_wait3A_46 = tpu.memref_slice %arg16[%mul3A_2] : memref<100096xf32, #tpu.memory_space<vmem_shared>> -> memref<6256xf32, #tpu.memory_space<vmem_shared>>
      %dma_wait3A_47 = arith.constant 0 : i32
      %dma_wait3A_48 = tpu.memref_slice %arg33[%dma_wait3A_47] : memref<6400xf32, #tpu.memory_space<vmem>> -> memref<6256xf32, #tpu.memory_space<vmem>>
      tpu.wait_dma2 semaphore(%run_scoped3A : memref<!tpu.dma_semaphore, #tpu.memory_space<semaphore_mem>>) src(%dma_wait3A_48 : memref<6256xf32, #tpu.memory_space<vmem>>) dst(%dma_wait3A_46 : memref<6256xf32, #tpu.memory_space<vmem_shared>>)
      tpu.yield
    }) : () -> ()
    %add3A_13 = arith.constant 100096 : i32
    %add3A_14 = arith.addi %add3A_13, %mul3A_2 : i32
    "tpu.region"() ({
      %run_scoped3A = tpu.sem_alloc : memref<!tpu.dma_semaphore, #tpu.memory_space<semaphore_mem>>
      %dma_start3A = arith.constant 0 : i32
      %dma_start3A_39 = tpu.memref_slice %arg33[%dma_start3A] : memref<6400xf32, #tpu.memory_space<vmem>> -> memref<6256xf32, #tpu.memory_space<vmem>>
      %dma_start3A_40 = tpu.memref_slice %arg5[%add3A_14] : memref<300288xf32, #tpu.memory_space<hbm>> -> memref<6256xf32, #tpu.memory_space<hbm>>
      %dma_start3A_41 = arith.constant 0 : i32
      %dma_start3A_42 = tpu.memref_slice %arg33[%dma_start3A_41] : memref<6400xf32, #tpu.memory_space<vmem>> -> memref<6256xf32, #tpu.memory_space<vmem>>
      %dma_start3A_43 = tpu.memref_slice %arg5[%add3A_14] : memref<300288xf32, #tpu.memory_space<hbm>> -> memref<6256xf32, #tpu.memory_space<hbm>>
      tpu.enqueue_dma source(%dma_start3A_43 : memref<6256xf32, #tpu.memory_space<hbm>>) target(%dma_start3A_42 : memref<6256xf32, #tpu.memory_space<vmem>>) target_semaphore(%run_scoped3A : memref<!tpu.dma_semaphore, #tpu.memory_space<semaphore_mem>>)
      %dma_wait3A = arith.constant 0 : i32
      %dma_wait3A_44 = tpu.memref_slice %arg33[%dma_wait3A] : memref<6400xf32, #tpu.memory_space<vmem>> -> memref<6256xf32, #tpu.memory_space<vmem>>
      %dma_wait3A_45 = tpu.memref_slice %arg5[%add3A_14] : memref<300288xf32, #tpu.memory_space<hbm>> -> memref<6256xf32, #tpu.memory_space<hbm>>
      %dma_wait3A_46 = arith.constant 0 : i32
      %dma_wait3A_47 = tpu.memref_slice %arg33[%dma_wait3A_46] : memref<6400xf32, #tpu.memory_space<vmem>> -> memref<6256xf32, #tpu.memory_space<vmem>>
      %dma_wait3A_48 = tpu.memref_slice %arg5[%add3A_14] : memref<300288xf32, #tpu.memory_space<hbm>> -> memref<6256xf32, #tpu.memory_space<hbm>>
      tpu.wait_dma2 semaphore(%run_scoped3A : memref<!tpu.dma_semaphore, #tpu.memory_space<semaphore_mem>>) src(%dma_wait3A_48 : memref<6256xf32, #tpu.memory_space<hbm>>) dst(%dma_wait3A_47 : memref<6256xf32, #tpu.memory_space<vmem>>)
      tpu.yield
    }) : () -> ()
    "tpu.region"() ({
      %run_scoped3A = tpu.sem_alloc : memref<!tpu.dma_semaphore, #tpu.memory_space<semaphore_mem>>
      %dma_start3A = arith.constant 0 : i32
      %dma_start3A_39 = tpu.memref_slice %arg33[%dma_start3A] : memref<6400xf32, #tpu.memory_space<vmem>> -> memref<6256xf32, #tpu.memory_space<vmem>>
      %dma_start3A_40 = tpu.memref_slice %arg17[%mul3A_2] : memref<100096xf32, #tpu.memory_space<vmem_shared>> -> memref<6256xf32, #tpu.memory_space<vmem_shared>>
      %dma_start3A_41 = tpu.memref_slice %arg17[%mul3A_2] : memref<100096xf32, #tpu.memory_space<vmem_shared>> -> memref<6256xf32, #tpu.memory_space<vmem_shared>>
      %dma_start3A_42 = arith.constant 0 : i32
      %dma_start3A_43 = tpu.memref_slice %arg33[%dma_start3A_42] : memref<6400xf32, #tpu.memory_space<vmem>> -> memref<6256xf32, #tpu.memory_space<vmem>>
      tpu.enqueue_dma source(%dma_start3A_43 : memref<6256xf32, #tpu.memory_space<vmem>>) target(%dma_start3A_41 : memref<6256xf32, #tpu.memory_space<vmem_shared>>) target_semaphore(%run_scoped3A : memref<!tpu.dma_semaphore, #tpu.memory_space<semaphore_mem>>)
      %dma_wait3A = arith.constant 0 : i32
      %dma_wait3A_44 = tpu.memref_slice %arg33[%dma_wait3A] : memref<6400xf32, #tpu.memory_space<vmem>> -> memref<6256xf32, #tpu.memory_space<vmem>>
      %dma_wait3A_45 = tpu.memref_slice %arg17[%mul3A_2] : memref<100096xf32, #tpu.memory_space<vmem_shared>> -> memref<6256xf32, #tpu.memory_space<vmem_shared>>
      %dma_wait3A_46 = tpu.memref_slice %arg17[%mul3A_2] : memref<100096xf32, #tpu.memory_space<vmem_shared>> -> memref<6256xf32, #tpu.memory_space<vmem_shared>>
      %dma_wait3A_47 = arith.constant 0 : i32
      %dma_wait3A_48 = tpu.memref_slice %arg33[%dma_wait3A_47] : memref<6400xf32, #tpu.memory_space<vmem>> -> memref<6256xf32, #tpu.memory_space<vmem>>
      tpu.wait_dma2 semaphore(%run_scoped3A : memref<!tpu.dma_semaphore, #tpu.memory_space<semaphore_mem>>) src(%dma_wait3A_48 : memref<6256xf32, #tpu.memory_space<vmem>>) dst(%dma_wait3A_46 : memref<6256xf32, #tpu.memory_space<vmem_shared>>)
      tpu.yield
    }) : () -> ()
    %add3A_15 = arith.constant 200192 : i32
    %add3A_16 = arith.addi %add3A_15, %mul3A_2 : i32
    "tpu.region"() ({
      %run_scoped3A = tpu.sem_alloc : memref<!tpu.dma_semaphore, #tpu.memory_space<semaphore_mem>>
      %dma_start3A = arith.constant 0 : i32
      %dma_start3A_39 = tpu.memref_slice %arg33[%dma_start3A] : memref<6400xf32, #tpu.memory_space<vmem>> -> memref<6256xf32, #tpu.memory_space<vmem>>
      %dma_start3A_40 = tpu.memref_slice %arg5[%add3A_16] : memref<300288xf32, #tpu.memory_space<hbm>> -> memref<6256xf32, #tpu.memory_space<hbm>>
      %dma_start3A_41 = arith.constant 0 : i32
      %dma_start3A_42 = tpu.memref_slice %arg33[%dma_start3A_41] : memref<6400xf32, #tpu.memory_space<vmem>> -> memref<6256xf32, #tpu.memory_space<vmem>>
      %dma_start3A_43 = tpu.memref_slice %arg5[%add3A_16] : memref<300288xf32, #tpu.memory_space<hbm>> -> memref<6256xf32, #tpu.memory_space<hbm>>
      tpu.enqueue_dma source(%dma_start3A_43 : memref<6256xf32, #tpu.memory_space<hbm>>) target(%dma_start3A_42 : memref<6256xf32, #tpu.memory_space<vmem>>) target_semaphore(%run_scoped3A : memref<!tpu.dma_semaphore, #tpu.memory_space<semaphore_mem>>)
      %dma_wait3A = arith.constant 0 : i32
      %dma_wait3A_44 = tpu.memref_slice %arg33[%dma_wait3A] : memref<6400xf32, #tpu.memory_space<vmem>> -> memref<6256xf32, #tpu.memory_space<vmem>>
      %dma_wait3A_45 = tpu.memref_slice %arg5[%add3A_16] : memref<300288xf32, #tpu.memory_space<hbm>> -> memref<6256xf32, #tpu.memory_space<hbm>>
      %dma_wait3A_46 = arith.constant 0 : i32
      %dma_wait3A_47 = tpu.memref_slice %arg33[%dma_wait3A_46] : memref<6400xf32, #tpu.memory_space<vmem>> -> memref<6256xf32, #tpu.memory_space<vmem>>
      %dma_wait3A_48 = tpu.memref_slice %arg5[%add3A_16] : memref<300288xf32, #tpu.memory_space<hbm>> -> memref<6256xf32, #tpu.memory_space<hbm>>
      tpu.wait_dma2 semaphore(%run_scoped3A : memref<!tpu.dma_semaphore, #tpu.memory_space<semaphore_mem>>) src(%dma_wait3A_48 : memref<6256xf32, #tpu.memory_space<hbm>>) dst(%dma_wait3A_47 : memref<6256xf32, #tpu.memory_space<vmem>>)
      tpu.yield
    }) : () -> ()
    "tpu.region"() ({
      %run_scoped3A = tpu.sem_alloc : memref<!tpu.dma_semaphore, #tpu.memory_space<semaphore_mem>>
      %dma_start3A = arith.constant 0 : i32
      %dma_start3A_39 = tpu.memref_slice %arg33[%dma_start3A] : memref<6400xf32, #tpu.memory_space<vmem>> -> memref<6256xf32, #tpu.memory_space<vmem>>
      %dma_start3A_40 = tpu.memref_slice %arg18[%mul3A_2] : memref<100096xf32, #tpu.memory_space<vmem_shared>> -> memref<6256xf32, #tpu.memory_space<vmem_shared>>
      %dma_start3A_41 = tpu.memref_slice %arg18[%mul3A_2] : memref<100096xf32, #tpu.memory_space<vmem_shared>> -> memref<6256xf32, #tpu.memory_space<vmem_shared>>
      %dma_start3A_42 = arith.constant 0 : i32
      %dma_start3A_43 = tpu.memref_slice %arg33[%dma_start3A_42] : memref<6400xf32, #tpu.memory_space<vmem>> -> memref<6256xf32, #tpu.memory_space<vmem>>
      tpu.enqueue_dma source(%dma_start3A_43 : memref<6256xf32, #tpu.memory_space<vmem>>) target(%dma_start3A_41 : memref<6256xf32, #tpu.memory_space<vmem_shared>>) target_semaphore(%run_scoped3A : memref<!tpu.dma_semaphore, #tpu.memory_space<semaphore_mem>>)
      %dma_wait3A = arith.constant 0 : i32
      %dma_wait3A_44 = tpu.memref_slice %arg33[%dma_wait3A] : memref<6400xf32, #tpu.memory_space<vmem>> -> memref<6256xf32, #tpu.memory_space<vmem>>
      %dma_wait3A_45 = tpu.memref_slice %arg18[%mul3A_2] : memref<100096xf32, #tpu.memory_space<vmem_shared>> -> memref<6256xf32, #tpu.memory_space<vmem_shared>>
      %dma_wait3A_46 = tpu.memref_slice %arg18[%mul3A_2] : memref<100096xf32, #tpu.memory_space<vmem_shared>> -> memref<6256xf32, #tpu.memory_space<vmem_shared>>
      %dma_wait3A_47 = arith.constant 0 : i32
      %dma_wait3A_48 = tpu.memref_slice %arg33[%dma_wait3A_47] : memref<6400xf32, #tpu.memory_space<vmem>> -> memref<6256xf32, #tpu.memory_space<vmem>>
      tpu.wait_dma2 semaphore(%run_scoped3A : memref<!tpu.dma_semaphore, #tpu.memory_space<semaphore_mem>>) src(%dma_wait3A_48 : memref<6256xf32, #tpu.memory_space<vmem>>) dst(%dma_wait3A_46 : memref<6256xf32, #tpu.memory_space<vmem_shared>>)
      tpu.yield
    }) : () -> ()
    "tpu.region"() ({
      %run_scoped3A = tpu.sem_alloc : memref<!tpu.dma_semaphore, #tpu.memory_space<semaphore_mem>>
      %dma_start3A = tpu.memref_slice %arg8[%mul3A_4] : memref<102400xf32, #tpu.memory_space<hbm>> -> memref<6400xf32, #tpu.memory_space<hbm>>
      %dma_start3A_39 = tpu.memref_slice %arg8[%mul3A_4] : memref<102400xf32, #tpu.memory_space<hbm>> -> memref<6400xf32, #tpu.memory_space<hbm>>
      tpu.enqueue_dma source(%dma_start3A_39 : memref<6400xf32, #tpu.memory_space<hbm>>) target(%arg33 : memref<6400xf32, #tpu.memory_space<vmem>>) target_semaphore(%run_scoped3A : memref<!tpu.dma_semaphore, #tpu.memory_space<semaphore_mem>>)
      %dma_wait3A = tpu.memref_slice %arg8[%mul3A_4] : memref<102400xf32, #tpu.memory_space<hbm>> -> memref<6400xf32, #tpu.memory_space<hbm>>
      %dma_wait3A_40 = tpu.memref_slice %arg8[%mul3A_4] : memref<102400xf32, #tpu.memory_space<hbm>> -> memref<6400xf32, #tpu.memory_space<hbm>>
      tpu.wait_dma2 semaphore(%run_scoped3A : memref<!tpu.dma_semaphore, #tpu.memory_space<semaphore_mem>>) src(%dma_wait3A_40 : memref<6400xf32, #tpu.memory_space<hbm>>) dst(%arg33 : memref<6400xf32, #tpu.memory_space<vmem>>)
      tpu.yield
    }) : () -> ()
    "tpu.region"() ({
      %run_scoped3A = tpu.sem_alloc : memref<!tpu.dma_semaphore, #tpu.memory_space<semaphore_mem>>
      %dma_start3A = tpu.memref_slice %arg19[%mul3A_4] : memref<102400xf32, #tpu.memory_space<vmem_shared>> -> memref<6400xf32, #tpu.memory_space<vmem_shared>>
      %dma_start3A_39 = tpu.memref_slice %arg19[%mul3A_4] : memref<102400xf32, #tpu.memory_space<vmem_shared>> -> memref<6400xf32, #tpu.memory_space<vmem_shared>>
      tpu.enqueue_dma source(%arg33 : memref<6400xf32, #tpu.memory_space<vmem>>) target(%dma_start3A_39 : memref<6400xf32, #tpu.memory_space<vmem_shared>>) target_semaphore(%run_scoped3A : memref<!tpu.dma_semaphore, #tpu.memory_space<semaphore_mem>>)
      %dma_wait3A = tpu.memref_slice %arg19[%mul3A_4] : memref<102400xf32, #tpu.memory_space<vmem_shared>> -> memref<6400xf32, #tpu.memory_space<vmem_shared>>
      %dma_wait3A_40 = tpu.memref_slice %arg19[%mul3A_4] : memref<102400xf32, #tpu.memory_space<vmem_shared>> -> memref<6400xf32, #tpu.memory_space<vmem_shared>>
      tpu.wait_dma2 semaphore(%run_scoped3A : memref<!tpu.dma_semaphore, #tpu.memory_space<semaphore_mem>>) src(%arg33 : memref<6400xf32, #tpu.memory_space<vmem>>) dst(%dma_wait3A_40 : memref<6400xf32, #tpu.memory_space<vmem_shared>>)
      tpu.yield
    }) : () -> ()
    "tpu.region"() ({
      %run_scoped3A = tpu.sem_alloc : memref<!tpu.dma_semaphore, #tpu.memory_space<semaphore_mem>>
      %dma_start3A = tpu.memref_slice %arg20[%mul3A_4] : memref<102400xf32, #tpu.memory_space<vmem_shared>> -> memref<6400xf32, #tpu.memory_space<vmem_shared>>
      %dma_start3A_39 = tpu.memref_slice %arg20[%mul3A_4] : memref<102400xf32, #tpu.memory_space<vmem_shared>> -> memref<6400xf32, #tpu.memory_space<vmem_shared>>
      tpu.enqueue_dma source(%arg33 : memref<6400xf32, #tpu.memory_space<vmem>>) target(%dma_start3A_39 : memref<6400xf32, #tpu.memory_space<vmem_shared>>) target_semaphore(%run_scoped3A : memref<!tpu.dma_semaphore, #tpu.memory_space<semaphore_mem>>)
      %dma_wait3A = tpu.memref_slice %arg20[%mul3A_4] : memref<102400xf32, #tpu.memory_space<vmem_shared>> -> memref<6400xf32, #tpu.memory_space<vmem_shared>>
      %dma_wait3A_40 = tpu.memref_slice %arg20[%mul3A_4] : memref<102400xf32, #tpu.memory_space<vmem_shared>> -> memref<6400xf32, #tpu.memory_space<vmem_shared>>
      tpu.wait_dma2 semaphore(%run_scoped3A : memref<!tpu.dma_semaphore, #tpu.memory_space<semaphore_mem>>) src(%arg33 : memref<6400xf32, #tpu.memory_space<vmem>>) dst(%dma_wait3A_40 : memref<6400xf32, #tpu.memory_space<vmem_shared>>)
      tpu.yield
    }) : () -> ()
    "tpu.region"() ({
      %run_scoped3A = tpu.sem_alloc : memref<!tpu.dma_semaphore, #tpu.memory_space<semaphore_mem>>
      %dma_start3A = tpu.memref_slice %arg21[%mul3A_4] : memref<102400xf32, #tpu.memory_space<vmem_shared>> -> memref<6400xf32, #tpu.memory_space<vmem_shared>>
      %dma_start3A_39 = tpu.memref_slice %arg21[%mul3A_4] : memref<102400xf32, #tpu.memory_space<vmem_shared>> -> memref<6400xf32, #tpu.memory_space<vmem_shared>>
      tpu.enqueue_dma source(%arg33 : memref<6400xf32, #tpu.memory_space<vmem>>) target(%dma_start3A_39 : memref<6400xf32, #tpu.memory_space<vmem_shared>>) target_semaphore(%run_scoped3A : memref<!tpu.dma_semaphore, #tpu.memory_space<semaphore_mem>>)
      %dma_wait3A = tpu.memref_slice %arg21[%mul3A_4] : memref<102400xf32, #tpu.memory_space<vmem_shared>> -> memref<6400xf32, #tpu.memory_space<vmem_shared>>
      %dma_wait3A_40 = tpu.memref_slice %arg21[%mul3A_4] : memref<102400xf32, #tpu.memory_space<vmem_shared>> -> memref<6400xf32, #tpu.memory_space<vmem_shared>>
      tpu.wait_dma2 semaphore(%run_scoped3A : memref<!tpu.dma_semaphore, #tpu.memory_space<semaphore_mem>>) src(%arg33 : memref<6400xf32, #tpu.memory_space<vmem>>) dst(%dma_wait3A_40 : memref<6400xf32, #tpu.memory_space<vmem_shared>>)
      tpu.yield
    }) : () -> ()
    "tpu.region"() ({
      %run_scoped3A = tpu.sem_alloc : memref<!tpu.dma_semaphore, #tpu.memory_space<semaphore_mem>>
      %dma_start3A = tpu.memref_slice %arg22[%mul3A_4] : memref<102400xf32, #tpu.memory_space<vmem_shared>> -> memref<6400xf32, #tpu.memory_space<vmem_shared>>
      %dma_start3A_39 = tpu.memref_slice %arg22[%mul3A_4] : memref<102400xf32, #tpu.memory_space<vmem_shared>> -> memref<6400xf32, #tpu.memory_space<vmem_shared>>
      tpu.enqueue_dma source(%arg33 : memref<6400xf32, #tpu.memory_space<vmem>>) target(%dma_start3A_39 : memref<6400xf32, #tpu.memory_space<vmem_shared>>) target_semaphore(%run_scoped3A : memref<!tpu.dma_semaphore, #tpu.memory_space<semaphore_mem>>)
      %dma_wait3A = tpu.memref_slice %arg22[%mul3A_4] : memref<102400xf32, #tpu.memory_space<vmem_shared>> -> memref<6400xf32, #tpu.memory_space<vmem_shared>>
      %dma_wait3A_40 = tpu.memref_slice %arg22[%mul3A_4] : memref<102400xf32, #tpu.memory_space<vmem_shared>> -> memref<6400xf32, #tpu.memory_space<vmem_shared>>
      tpu.wait_dma2 semaphore(%run_scoped3A : memref<!tpu.dma_semaphore, #tpu.memory_space<semaphore_mem>>) src(%arg33 : memref<6400xf32, #tpu.memory_space<vmem>>) dst(%dma_wait3A_40 : memref<6400xf32, #tpu.memory_space<vmem_shared>>)
      tpu.yield
    }) : () -> ()
    "tpu.region"() ({
      %run_scoped3A = tpu.sem_alloc : memref<!tpu.dma_semaphore, #tpu.memory_space<semaphore_mem>>
      tpu.enqueue_dma source(%arg6 : memref<16xf32, #tpu.memory_space<hbm>>) target(%arg31 : memref<16xf32, #tpu.memory_space<vmem>>) target_semaphore(%run_scoped3A : memref<!tpu.dma_semaphore, #tpu.memory_space<semaphore_mem>>)
      tpu.wait_dma2 semaphore(%run_scoped3A : memref<!tpu.dma_semaphore, #tpu.memory_space<semaphore_mem>>) src(%arg6 : memref<16xf32, #tpu.memory_space<hbm>>) dst(%arg31 : memref<16xf32, #tpu.memory_space<vmem>>)
      tpu.yield
    }) : () -> ()
    "tpu.region"() ({
      %run_scoped3A = tpu.sem_alloc : memref<!tpu.dma_semaphore, #tpu.memory_space<semaphore_mem>>
      tpu.enqueue_dma source(%arg7 : memref<16xf32, #tpu.memory_space<hbm>>) target(%arg32 : memref<16xf32, #tpu.memory_space<vmem>>) target_semaphore(%run_scoped3A : memref<!tpu.dma_semaphore, #tpu.memory_space<semaphore_mem>>)
      tpu.wait_dma2 semaphore(%run_scoped3A : memref<!tpu.dma_semaphore, #tpu.memory_space<semaphore_mem>>) src(%arg7 : memref<16xf32, #tpu.memory_space<hbm>>) dst(%arg32 : memref<16xf32, #tpu.memory_space<vmem>>)
      tpu.yield
    }) : () -> ()
    %barrier3A = arith.constant 0 : index
    tpu.barrier barrier_id(%barrier3A)
    %get3A = arith.constant 0 : index
    %get3A_17 = tpu.vector_load %arg31[%get3A] {strides = array<i32>} : memref<16xf32, #tpu.memory_space<vmem>>, vector<16xf32>,
    %get3A_18 = vector.shape_cast %get3A_17 : vector<16xf32> to vector<16xf32>
    %get3A_19 = arith.constant 0 : index
    %get3A_20 = tpu.vector_load %arg32[%get3A_19] {strides = array<i32>} : memref<16xf32, #tpu.memory_space<vmem>>, vector<16xf32>,
    %get3A_21 = vector.shape_cast %get3A_20 : vector<16xf32> to vector<16xf32>
    %scan3A = arith.constant 0 : i32
    %scan3A_22 = arith.constant 0 : i32
    %scan3A_23 = arith.constant 25 : i32
    %scan3A_24 = arith.addi %scan3A_22, %scan3A_23 : i32
    %scan3A_25 = arith.constant 1 : i32
    %scan3A_26 = scf.for %scan3A_39 = %scan3A_22 to %scan3A_24 step %scan3A_25 iter_args(%scan3A_40 = %scan3A) -> (i32)  : i32 {
      %mul3A_41 = arith.constant 25 : i32
      %mul3A_42 = arith.muli %add3A, %mul3A_41 : i32
      %add3A_43 = arith.addi %mul3A_42, %scan3A_39 : i32
      %mul3A_44 = arith.constant 4000 : i32
      %mul3A_45 = arith.muli %add3A_43, %mul3A_44 : i32
      "tpu.region"() ({
        %run_scoped3A = tpu.sem_alloc : memref<!tpu.dma_semaphore, #tpu.memory_space<semaphore_mem>>
        %dma_start3A_148 = tpu.memref_slice %arg2[%mul3A_45] : memref<6400000xi32, #tpu.memory_space<hbm>> -> memref<4000xi32, #tpu.memory_space<hbm>>
        %dma_start3A_149 = tpu.memref_slice %arg2[%mul3A_45] : memref<6400000xi32, #tpu.memory_space<hbm>> -> memref<4000xi32, #tpu.memory_space<hbm>>
        tpu.enqueue_dma source(%dma_start3A_149 : memref<4000xi32, #tpu.memory_space<hbm>>) target(%arg23 : memref<4000xi32, #tpu.memory_space<vmem>>) target_semaphore(%run_scoped3A : memref<!tpu.dma_semaphore, #tpu.memory_space<semaphore_mem>>)
        %dma_wait3A_150 = tpu.memref_slice %arg2[%mul3A_45] : memref<6400000xi32, #tpu.memory_space<hbm>> -> memref<4000xi32, #tpu.memory_space<hbm>>
        %dma_wait3A_151 = tpu.memref_slice %arg2[%mul3A_45] : memref<6400000xi32, #tpu.memory_space<hbm>> -> memref<4000xi32, #tpu.memory_space<hbm>>
        tpu.wait_dma2 semaphore(%run_scoped3A : memref<!tpu.dma_semaphore, #tpu.memory_space<semaphore_mem>>) src(%dma_wait3A_151 : memref<4000xi32, #tpu.memory_space<hbm>>) dst(%arg23 : memref<4000xi32, #tpu.memory_space<vmem>>)
        tpu.yield
      }) : () -> ()
      %add3A_46 = arith.constant 3200000 : i32
      %add3A_47 = arith.addi %add3A_46, %mul3A_45 : i32
      "tpu.region"() ({
        %run_scoped3A = tpu.sem_alloc : memref<!tpu.dma_semaphore, #tpu.memory_space<semaphore_mem>>
        %dma_start3A_148 = tpu.memref_slice %arg2[%add3A_47] : memref<6400000xi32, #tpu.memory_space<hbm>> -> memref<4000xi32, #tpu.memory_space<hbm>>
        %dma_start3A_149 = tpu.memref_slice %arg2[%add3A_47] : memref<6400000xi32, #tpu.memory_space<hbm>> -> memref<4000xi32, #tpu.memory_space<hbm>>
        tpu.enqueue_dma source(%dma_start3A_149 : memref<4000xi32, #tpu.memory_space<hbm>>) target(%arg24 : memref<4000xi32, #tpu.memory_space<vmem>>) target_semaphore(%run_scoped3A : memref<!tpu.dma_semaphore, #tpu.memory_space<semaphore_mem>>)
        %dma_wait3A_150 = tpu.memref_slice %arg2[%add3A_47] : memref<6400000xi32, #tpu.memory_space<hbm>> -> memref<4000xi32, #tpu.memory_space<hbm>>
        %dma_wait3A_151 = tpu.memref_slice %arg2[%add3A_47] : memref<6400000xi32, #tpu.memory_space<hbm>> -> memref<4000xi32, #tpu.memory_space<hbm>>
        tpu.wait_dma2 semaphore(%run_scoped3A : memref<!tpu.dma_semaphore, #tpu.memory_space<semaphore_mem>>) src(%dma_wait3A_151 : memref<4000xi32, #tpu.memory_space<hbm>>) dst(%arg24 : memref<4000xi32, #tpu.memory_space<vmem>>)
        tpu.yield
      }) : () -> ()
      %dma_start3A = arith.constant 0 : i32
      %dma_start3A_48 = tpu.memref_slice %arg13[%dma_start3A] : memref<100096xf32, #tpu.memory_space<vmem_shared>> -> memref<100096xf32, #tpu.memory_space<vmem_shared>>
      tpu.enqueue_indirect_dma source(%dma_start3A_48 : memref<100096xf32, #tpu.memory_space<vmem_shared>>) target(%arg26 : memref<4000xf32, #tpu.memory_space<vmem>>) offsets(%arg23 : memref<4000xi32, #tpu.memory_space<vmem>>) semaphore(%arg34 : memref<!tpu.dma_semaphore, #tpu.memory_space<semaphore_mem>>)
      %dma_start3A_49 = arith.constant 0 : i32
      %dma_start3A_50 = tpu.memref_slice %arg15[%dma_start3A_49] : memref<100096xf32, #tpu.memory_space<vmem_shared>> -> memref<100096xf32, #tpu.memory_space<vmem_shared>>
      tpu.enqueue_indirect_dma source(%dma_start3A_50 : memref<100096xf32, #tpu.memory_space<vmem_shared>>) target(%arg27 : memref<4000xf32, #tpu.memory_space<vmem>>) offsets(%arg23 : memref<4000xi32, #tpu.memory_space<vmem>>) semaphore(%arg35 : memref<!tpu.dma_semaphore, #tpu.memory_space<semaphore_mem>>)
      %dma_start3A_51 = arith.constant 0 : i32
      %dma_start3A_52 = tpu.memref_slice %arg14[%dma_start3A_51] : memref<100096xf32, #tpu.memory_space<vmem_shared>> -> memref<100096xf32, #tpu.memory_space<vmem_shared>>
      tpu.enqueue_indirect_dma source(%dma_start3A_52 : memref<100096xf32, #tpu.memory_space<vmem_shared>>) target(%arg28 : memref<4000xf32, #tpu.memory_space<vmem>>) offsets(%arg24 : memref<4000xi32, #tpu.memory_space<vmem>>) semaphore(%arg36 : memref<!tpu.dma_semaphore, #tpu.memory_space<semaphore_mem>>)
      %dma_wait3A = arith.constant 0 : i32
      %dma_wait3A_53 = tpu.memref_slice %arg13[%dma_wait3A] : memref<100096xf32, #tpu.memory_space<vmem_shared>> -> memref<100096xf32, #tpu.memory_space<vmem_shared>>
      tpu.wait_indirect_dma semaphore(%arg34 : memref<!tpu.dma_semaphore, #tpu.memory_space<semaphore_mem>>) src(%dma_wait3A_53 : memref<100096xf32, #tpu.memory_space<vmem_shared>>) dst(%arg26 : memref<4000xf32, #tpu.memory_space<vmem>>)
      %dma_wait3A_54 = arith.constant 0 : i32
      %dma_wait3A_55 = tpu.memref_slice %arg15[%dma_wait3A_54] : memref<100096xf32, #tpu.memory_space<vmem_shared>> -> memref<100096xf32, #tpu.memory_space<vmem_shared>>
      tpu.wait_indirect_dma semaphore(%arg35 : memref<!tpu.dma_semaphore, #tpu.memory_space<semaphore_mem>>) src(%dma_wait3A_55 : memref<100096xf32, #tpu.memory_space<vmem_shared>>) dst(%arg27 : memref<4000xf32, #tpu.memory_space<vmem>>)
      %dma_wait3A_56 = arith.constant 0 : i32
      %dma_wait3A_57 = tpu.memref_slice %arg14[%dma_wait3A_56] : memref<100096xf32, #tpu.memory_space<vmem_shared>> -> memref<100096xf32, #tpu.memory_space<vmem_shared>>
      tpu.wait_indirect_dma semaphore(%arg36 : memref<!tpu.dma_semaphore, #tpu.memory_space<semaphore_mem>>) src(%dma_wait3A_57 : memref<100096xf32, #tpu.memory_space<vmem_shared>>) dst(%arg28 : memref<4000xf32, #tpu.memory_space<vmem>>)
      %scan3A_58 = arith.constant 0 : i32
      %scan3A_59 = arith.constant 0 : i32
      %scan3A_60 = arith.constant 31 : i32
      %scan3A_61 = arith.addi %scan3A_59, %scan3A_60 : i32
      %scan3A_62 = arith.constant 1 : i32
      %scan3A_63 = scf.for %scan3A_148 = %scan3A_59 to %scan3A_61 step %scan3A_62 iter_args(%scan3A_149 = %scan3A_58) -> (i32)  : i32 {
        %mul3A_150 = arith.constant 128 : i32
        %mul3A_151 = arith.muli %scan3A_148, %mul3A_150 : i32
        %add3A_152 = arith.constant 0 : i32
        %add3A_153 = arith.addi %mul3A_151, %add3A_152 : i32
        %get3A_154 = arith.index_cast %add3A_153 : i32 to index
        %get3A_155 = tpu.vector_load %arg26[%get3A_154] {strides = array<i32>} : memref<4000xf32, #tpu.memory_space<vmem>>, vector<16xf32>,
        %get3A_156 = vector.shape_cast %get3A_155 : vector<16xf32> to vector<16xf32>
        %get3A_157 = arith.index_cast %add3A_153 : i32 to index
        %get3A_158 = tpu.vector_load %arg28[%get3A_157] {strides = array<i32>} : memref<4000xf32, #tpu.memory_space<vmem>>, vector<16xf32>,
        %get3A_159 = vector.shape_cast %get3A_158 : vector<16xf32> to vector<16xf32>
        %add3A_160 = arith.addf %get3A_156, %get3A_159 : vector<16xf32>
        %ge3A_161 = arith.constant 0.000000e+00 : f32
        %ge3A_162 = vector.broadcast %ge3A_161 : f32 to vector<16xf32>
        %ge3A_163 = arith.cmpf oge, %add3A_160, %ge3A_162 : vector<16xf32>
        %mul3A_164 = arith.constant 2.000000e-01 : f32
        %mul3A_165 = vector.broadcast %mul3A_164 : f32 to vector<16xf32>
        %mul3A_166 = arith.mulf %mul3A_165, %add3A_160 : vector<16xf32>
        %select_n3A_167 = arith.select %ge3A_163, %add3A_160, %mul3A_166 : vector<16xi1>, vector<16xf32>
        %sub3A_168 = arith.subf %select_n3A_167, %get3A_18 : vector<16xf32>
        %exp3A_169 = math.exp %sub3A_168 : vector<16xf32>
        %swap3A_170 = arith.index_cast %add3A_153 : i32 to index
        %swap3A_171 = tpu.vector_load %arg29[%swap3A_170] {strides = array<i32>} : memref<4000xf32, #tpu.memory_space<vmem>>, vector<16xf32>,
        %swap3A_172 = vector.shape_cast %swap3A_171 : vector<16xf32> to vector<16xf32>
        %swap3A_173 = vector.shape_cast %exp3A_169 : vector<16xf32> to vector<16xf32>
        tpu.vector_store %arg29[%swap3A_170], %swap3A_173 {strides = array<i32>} : memref<4000xf32, #tpu.memory_space<vmem>>, vector<16xf32>,
        %get3A_174 = arith.index_cast %add3A_153 : i32 to index
        %get3A_175 = tpu.vector_load %arg27[%get3A_174] {strides = array<i32>} : memref<4000xf32, #tpu.memory_space<vmem>>, vector<16xf32>,
        %get3A_176 = vector.shape_cast %get3A_175 : vector<16xf32> to vector<16xf32>
        %mul3A_177 = arith.mulf %exp3A_169, %get3A_176 : vector<16xf32>
        %swap3A_178 = arith.index_cast %add3A_153 : i32 to index
        %swap3A_179 = tpu.vector_load %arg30[%swap3A_178] {strides = array<i32>} : memref<4000xf32, #tpu.memory_space<vmem>>, vector<16xf32>,
        %swap3A_180 = vector.shape_cast %swap3A_179 : vector<16xf32> to vector<16xf32>
        %swap3A_181 = vector.shape_cast %mul3A_177 : vector<16xf32> to vector<16xf32>
        tpu.vector_store %arg30[%swap3A_178], %swap3A_181 {strides = array<i32>} : memref<4000xf32, #tpu.memory_space<vmem>>, vector<16xf32>,
        %get3A_182 = arith.index_cast %add3A_153 : i32 to index
        %get3A_183 = tpu.vector_load %arg24[%get3A_182] {strides = array<i32>} : memref<4000xi32, #tpu.memory_space<vmem>>, vector<16xi32>,
        %get3A_184 = vector.shape_cast %get3A_183 : vector<16xi32> to vector<16xi32>
        %convert_element_type3A_185 = arith.sitofp %get3A_184 : vector<16xi32> to vector<16xf32>
        %mul3A_186 = arith.constant 9.99999974E-5 : f32
        %mul3A_187 = vector.broadcast %mul3A_186 : f32 to vector<16xf32>
        %mul3A_188 = arith.mulf %convert_element_type3A_185, %mul3A_187 : vector<16xf32>
        %convert_element_type3A_189 = arith.fptosi %mul3A_188 : vector<16xf32> to vector<16xi32>
        %mul3A_190 = arith.constant 240 : i32
        %mul3A_191 = vector.broadcast %mul3A_190 : i32 to vector<16xi32>
        %mul3A_192 = arith.muli %mul3A_191, %convert_element_type3A_189 : vector<16xi32>
        %add3A_193 = arith.addi %get3A_184, %mul3A_192 : vector<16xi32>
        %swap3A_194 = arith.index_cast %add3A_153 : i32 to index
        %swap3A_195 = tpu.vector_load %arg25[%swap3A_194] {strides = array<i32>} : memref<4000xi32, #tpu.memory_space<vmem>>, vector<16xi32>,
        %swap3A_196 = vector.shape_cast %swap3A_195 : vector<16xi32> to vector<16xi32>
        %swap3A_197 = vector.shape_cast %add3A_193 : vector<16xi32> to vector<16xi32>
        tpu.vector_store %arg25[%swap3A_194], %swap3A_197 {strides = array<i32>} : memref<4000xi32, #tpu.memory_space<vmem>>, vector<16xi32>,
        %mul3A_198 = arith.constant 128 : i32
        %mul3A_199 = arith.muli %scan3A_148, %mul3A_198 : i32
        %add3A_200 = arith.constant 16 : i32
        %add3A_201 = arith.addi %mul3A_199, %add3A_200 : i32
        %get3A_202 = arith.index_cast %add3A_201 : i32 to index
        %get3A_203 = tpu.vector_load %arg26[%get3A_202] {strides = array<i32>} : memref<4000xf32, #tpu.memory_space<vmem>>, vector<16xf32>,
        %get3A_204 = vector.shape_cast %get3A_203 : vector<16xf32> to vector<16xf32>
        %get3A_205 = arith.index_cast %add3A_201 : i32 to index
        %get3A_206 = tpu.vector_load %arg28[%get3A_205] {strides = array<i32>} : memref<4000xf32, #tpu.memory_space<vmem>>, vector<16xf32>,
        %get3A_207 = vector.shape_cast %get3A_206 : vector<16xf32> to vector<16xf32>
        %add3A_208 = arith.addf %get3A_204, %get3A_207 : vector<16xf32>
        %ge3A_209 = arith.constant 0.000000e+00 : f32
        %ge3A_210 = vector.broadcast %ge3A_209 : f32 to vector<16xf32>
        %ge3A_211 = arith.cmpf oge, %add3A_208, %ge3A_210 : vector<16xf32>
        %mul3A_212 = arith.constant 2.000000e-01 : f32
        %mul3A_213 = vector.broadcast %mul3A_212 : f32 to vector<16xf32>
        %mul3A_214 = arith.mulf %mul3A_213, %add3A_208 : vector<16xf32>
        %select_n3A_215 = arith.select %ge3A_211, %add3A_208, %mul3A_214 : vector<16xi1>, vector<16xf32>
        %sub3A_216 = arith.subf %select_n3A_215, %get3A_18 : vector<16xf32>
        %exp3A_217 = math.exp %sub3A_216 : vector<16xf32>
        %swap3A_218 = arith.index_cast %add3A_201 : i32 to index
        %swap3A_219 = tpu.vector_load %arg29[%swap3A_218] {strides = array<i32>} : memref<4000xf32, #tpu.memory_space<vmem>>, vector<16xf32>,
        %swap3A_220 = vector.shape_cast %swap3A_219 : vector<16xf32> to vector<16xf32>
        %swap3A_221 = vector.shape_cast %exp3A_217 : vector<16xf32> to vector<16xf32>
        tpu.vector_store %arg29[%swap3A_218], %swap3A_221 {strides = array<i32>} : memref<4000xf32, #tpu.memory_space<vmem>>, vector<16xf32>,
        %get3A_222 = arith.index_cast %add3A_201 : i32 to index
        %get3A_223 = tpu.vector_load %arg27[%get3A_222] {strides = array<i32>} : memref<4000xf32, #tpu.memory_space<vmem>>, vector<16xf32>,
        %get3A_224 = vector.shape_cast %get3A_223 : vector<16xf32> to vector<16xf32>
        %mul3A_225 = arith.mulf %exp3A_217, %get3A_224 : vector<16xf32>
        %swap3A_226 = arith.index_cast %add3A_201 : i32 to index
        %swap3A_227 = tpu.vector_load %arg30[%swap3A_226] {strides = array<i32>} : memref<4000xf32, #tpu.memory_space<vmem>>, vector<16xf32>,
        %swap3A_228 = vector.shape_cast %swap3A_227 : vector<16xf32> to vector<16xf32>
        %swap3A_229 = vector.shape_cast %mul3A_225 : vector<16xf32> to vector<16xf32>
        tpu.vector_store %arg30[%swap3A_226], %swap3A_229 {strides = array<i32>} : memref<4000xf32, #tpu.memory_space<vmem>>, vector<16xf32>,
        %get3A_230 = arith.index_cast %add3A_201 : i32 to index
        %get3A_231 = tpu.vector_load %arg24[%get3A_230] {strides = array<i32>} : memref<4000xi32, #tpu.memory_space<vmem>>, vector<16xi32>,
        %get3A_232 = vector.shape_cast %get3A_231 : vector<16xi32> to vector<16xi32>
        %convert_element_type3A_233 = arith.sitofp %get3A_232 : vector<16xi32> to vector<16xf32>
        %mul3A_234 = arith.constant 9.99999974E-5 : f32
        %mul3A_235 = vector.broadcast %mul3A_234 : f32 to vector<16xf32>
        %mul3A_236 = arith.mulf %convert_element_type3A_233, %mul3A_235 : vector<16xf32>
        %convert_element_type3A_237 = arith.fptosi %mul3A_236 : vector<16xf32> to vector<16xi32>
        %mul3A_238 = arith.constant 240 : i32
        %mul3A_239 = vector.broadcast %mul3A_238 : i32 to vector<16xi32>
        %mul3A_240 = arith.muli %mul3A_239, %convert_element_type3A_237 : vector<16xi32>
        %add3A_241 = arith.addi %get3A_232, %mul3A_240 : vector<16xi32>
        %swap3A_242 = arith.index_cast %add3A_201 : i32 to index
        %swap3A_243 = tpu.vector_load %arg25[%swap3A_242] {strides = array<i32>} : memref<4000xi32, #tpu.memory_space<vmem>>, vector<16xi32>,
        %swap3A_244 = vector.shape_cast %swap3A_243 : vector<16xi32> to vector<16xi32>
        %swap3A_245 = vector.shape_cast %add3A_241 : vector<16xi32> to vector<16xi32>
        tpu.vector_store %arg25[%swap3A_242], %swap3A_245 {strides = array<i32>} : memref<4000xi32, #tpu.memory_space<vmem>>, vector<16xi32>,
        %mul3A_246 = arith.constant 128 : i32
        %mul3A_247 = arith.muli %scan3A_148, %mul3A_246 : i32
        %add3A_248 = arith.constant 32 : i32
        %add3A_249 = arith.addi %mul3A_247, %add3A_248 : i32
        %get3A_250 = arith.index_cast %add3A_249 : i32 to index
        %get3A_251 = tpu.vector_load %arg26[%get3A_250] {strides = array<i32>} : memref<4000xf32, #tpu.memory_space<vmem>>, vector<16xf32>,
        %get3A_252 = vector.shape_cast %get3A_251 : vector<16xf32> to vector<16xf32>
        %get3A_253 = arith.index_cast %add3A_249 : i32 to index
        %get3A_254 = tpu.vector_load %arg28[%get3A_253] {strides = array<i32>} : memref<4000xf32, #tpu.memory_space<vmem>>, vector<16xf32>,
        %get3A_255 = vector.shape_cast %get3A_254 : vector<16xf32> to vector<16xf32>
        %add3A_256 = arith.addf %get3A_252, %get3A_255 : vector<16xf32>
        %ge3A_257 = arith.constant 0.000000e+00 : f32
        %ge3A_258 = vector.broadcast %ge3A_257 : f32 to vector<16xf32>
        %ge3A_259 = arith.cmpf oge, %add3A_256, %ge3A_258 : vector<16xf32>
        %mul3A_260 = arith.constant 2.000000e-01 : f32
        %mul3A_261 = vector.broadcast %mul3A_260 : f32 to vector<16xf32>
        %mul3A_262 = arith.mulf %mul3A_261, %add3A_256 : vector<16xf32>
        %select_n3A_263 = arith.select %ge3A_259, %add3A_256, %mul3A_262 : vector<16xi1>, vector<16xf32>
        %sub3A_264 = arith.subf %select_n3A_263, %get3A_18 : vector<16xf32>
        %exp3A_265 = math.exp %sub3A_264 : vector<16xf32>
        %swap3A_266 = arith.index_cast %add3A_249 : i32 to index
        %swap3A_267 = tpu.vector_load %arg29[%swap3A_266] {strides = array<i32>} : memref<4000xf32, #tpu.memory_space<vmem>>, vector<16xf32>,
        %swap3A_268 = vector.shape_cast %swap3A_267 : vector<16xf32> to vector<16xf32>
        %swap3A_269 = vector.shape_cast %exp3A_265 : vector<16xf32> to vector<16xf32>
        tpu.vector_store %arg29[%swap3A_266], %swap3A_269 {strides = array<i32>} : memref<4000xf32, #tpu.memory_space<vmem>>, vector<16xf32>,
        %get3A_270 = arith.index_cast %add3A_249 : i32 to index
        %get3A_271 = tpu.vector_load %arg27[%get3A_270] {strides = array<i32>} : memref<4000xf32, #tpu.memory_space<vmem>>, vector<16xf32>,
        %get3A_272 = vector.shape_cast %get3A_271 : vector<16xf32> to vector<16xf32>
        %mul3A_273 = arith.mulf %exp3A_265, %get3A_272 : vector<16xf32>
        %swap3A_274 = arith.index_cast %add3A_249 : i32 to index
        %swap3A_275 = tpu.vector_load %arg30[%swap3A_274] {strides = array<i32>} : memref<4000xf32, #tpu.memory_space<vmem>>, vector<16xf32>,
        %swap3A_276 = vector.shape_cast %swap3A_275 : vector<16xf32> to vector<16xf32>
        %swap3A_277 = vector.shape_cast %mul3A_273 : vector<16xf32> to vector<16xf32>
        tpu.vector_store %arg30[%swap3A_274], %swap3A_277 {strides = array<i32>} : memref<4000xf32, #tpu.memory_space<vmem>>, vector<16xf32>,
        %get3A_278 = arith.index_cast %add3A_249 : i32 to index
        %get3A_279 = tpu.vector_load %arg24[%get3A_278] {strides = array<i32>} : memref<4000xi32, #tpu.memory_space<vmem>>, vector<16xi32>,
        %get3A_280 = vector.shape_cast %get3A_279 : vector<16xi32> to vector<16xi32>
        %convert_element_type3A_281 = arith.sitofp %get3A_280 : vector<16xi32> to vector<16xf32>
        %mul3A_282 = arith.constant 9.99999974E-5 : f32
        %mul3A_283 = vector.broadcast %mul3A_282 : f32 to vector<16xf32>
        %mul3A_284 = arith.mulf %convert_element_type3A_281, %mul3A_283 : vector<16xf32>
        %convert_element_type3A_285 = arith.fptosi %mul3A_284 : vector<16xf32> to vector<16xi32>
        %mul3A_286 = arith.constant 240 : i32
        %mul3A_287 = vector.broadcast %mul3A_286 : i32 to vector<16xi32>
        %mul3A_288 = arith.muli %mul3A_287, %convert_element_type3A_285 : vector<16xi32>
        %add3A_289 = arith.addi %get3A_280, %mul3A_288 : vector<16xi32>
        %swap3A_290 = arith.index_cast %add3A_249 : i32 to index
        %swap3A_291 = tpu.vector_load %arg25[%swap3A_290] {strides = array<i32>} : memref<4000xi32, #tpu.memory_space<vmem>>, vector<16xi32>,
        %swap3A_292 = vector.shape_cast %swap3A_291 : vector<16xi32> to vector<16xi32>
        %swap3A_293 = vector.shape_cast %add3A_289 : vector<16xi32> to vector<16xi32>
        tpu.vector_store %arg25[%swap3A_290], %swap3A_293 {strides = array<i32>} : memref<4000xi32, #tpu.memory_space<vmem>>, vector<16xi32>,
        %mul3A_294 = arith.constant 128 : i32
        %mul3A_295 = arith.muli %scan3A_148, %mul3A_294 : i32
        %add3A_296 = arith.constant 48 : i32
        %add3A_297 = arith.addi %mul3A_295, %add3A_296 : i32
        %get3A_298 = arith.index_cast %add3A_297 : i32 to index
        %get3A_299 = tpu.vector_load %arg26[%get3A_298] {strides = array<i32>} : memref<4000xf32, #tpu.memory_space<vmem>>, vector<16xf32>,
        %get3A_300 = vector.shape_cast %get3A_299 : vector<16xf32> to vector<16xf32>
        %get3A_301 = arith.index_cast %add3A_297 : i32 to index
        %get3A_302 = tpu.vector_load %arg28[%get3A_301] {strides = array<i32>} : memref<4000xf32, #tpu.memory_space<vmem>>, vector<16xf32>,
        %get3A_303 = vector.shape_cast %get3A_302 : vector<16xf32> to vector<16xf32>
        %add3A_304 = arith.addf %get3A_300, %get3A_303 : vector<16xf32>
        %ge3A_305 = arith.constant 0.000000e+00 : f32
        %ge3A_306 = vector.broadcast %ge3A_305 : f32 to vector<16xf32>
        %ge3A_307 = arith.cmpf oge, %add3A_304, %ge3A_306 : vector<16xf32>
        %mul3A_308 = arith.constant 2.000000e-01 : f32
        %mul3A_309 = vector.broadcast %mul3A_308 : f32 to vector<16xf32>
        %mul3A_310 = arith.mulf %mul3A_309, %add3A_304 : vector<16xf32>
        %select_n3A_311 = arith.select %ge3A_307, %add3A_304, %mul3A_310 : vector<16xi1>, vector<16xf32>
        %sub3A_312 = arith.subf %select_n3A_311, %get3A_18 : vector<16xf32>
        %exp3A_313 = math.exp %sub3A_312 : vector<16xf32>
        %swap3A_314 = arith.index_cast %add3A_297 : i32 to index
        %swap3A_315 = tpu.vector_load %arg29[%swap3A_314] {strides = array<i32>} : memref<4000xf32, #tpu.memory_space<vmem>>, vector<16xf32>,
        %swap3A_316 = vector.shape_cast %swap3A_315 : vector<16xf32> to vector<16xf32>
        %swap3A_317 = vector.shape_cast %exp3A_313 : vector<16xf32> to vector<16xf32>
        tpu.vector_store %arg29[%swap3A_314], %swap3A_317 {strides = array<i32>} : memref<4000xf32, #tpu.memory_space<vmem>>, vector<16xf32>,
        %get3A_318 = arith.index_cast %add3A_297 : i32 to index
        %get3A_319 = tpu.vector_load %arg27[%get3A_318] {strides = array<i32>} : memref<4000xf32, #tpu.memory_space<vmem>>, vector<16xf32>,
        %get3A_320 = vector.shape_cast %get3A_319 : vector<16xf32> to vector<16xf32>
        %mul3A_321 = arith.mulf %exp3A_313, %get3A_320 : vector<16xf32>
        %swap3A_322 = arith.index_cast %add3A_297 : i32 to index
        %swap3A_323 = tpu.vector_load %arg30[%swap3A_322] {strides = array<i32>} : memref<4000xf32, #tpu.memory_space<vmem>>, vector<16xf32>,
        %swap3A_324 = vector.shape_cast %swap3A_323 : vector<16xf32> to vector<16xf32>
        %swap3A_325 = vector.shape_cast %mul3A_321 : vector<16xf32> to vector<16xf32>
        tpu.vector_store %arg30[%swap3A_322], %swap3A_325 {strides = array<i32>} : memref<4000xf32, #tpu.memory_space<vmem>>, vector<16xf32>,
        %get3A_326 = arith.index_cast %add3A_297 : i32 to index
        %get3A_327 = tpu.vector_load %arg24[%get3A_326] {strides = array<i32>} : memref<4000xi32, #tpu.memory_space<vmem>>, vector<16xi32>,
        %get3A_328 = vector.shape_cast %get3A_327 : vector<16xi32> to vector<16xi32>
        %convert_element_type3A_329 = arith.sitofp %get3A_328 : vector<16xi32> to vector<16xf32>
        %mul3A_330 = arith.constant 9.99999974E-5 : f32
        %mul3A_331 = vector.broadcast %mul3A_330 : f32 to vector<16xf32>
        %mul3A_332 = arith.mulf %convert_element_type3A_329, %mul3A_331 : vector<16xf32>
        %convert_element_type3A_333 = arith.fptosi %mul3A_332 : vector<16xf32> to vector<16xi32>
        %mul3A_334 = arith.constant 240 : i32
        %mul3A_335 = vector.broadcast %mul3A_334 : i32 to vector<16xi32>
        %mul3A_336 = arith.muli %mul3A_335, %convert_element_type3A_333 : vector<16xi32>
        %add3A_337 = arith.addi %get3A_328, %mul3A_336 : vector<16xi32>
        %swap3A_338 = arith.index_cast %add3A_297 : i32 to index
        %swap3A_339 = tpu.vector_load %arg25[%swap3A_338] {strides = array<i32>} : memref<4000xi32, #tpu.memory_space<vmem>>, vector<16xi32>,
        %swap3A_340 = vector.shape_cast %swap3A_339 : vector<16xi32> to vector<16xi32>
        %swap3A_341 = vector.shape_cast %add3A_337 : vector<16xi32> to vector<16xi32>
        tpu.vector_store %arg25[%swap3A_338], %swap3A_341 {strides = array<i32>} : memref<4000xi32, #tpu.memory_space<vmem>>, vector<16xi32>,
        %mul3A_342 = arith.constant 128 : i32
        %mul3A_343 = arith.muli %scan3A_148, %mul3A_342 : i32
        %add3A_344 = arith.constant 64 : i32
        %add3A_345 = arith.addi %mul3A_343, %add3A_344 : i32
        %get3A_346 = arith.index_cast %add3A_345 : i32 to index
        %get3A_347 = tpu.vector_load %arg26[%get3A_346] {strides = array<i32>} : memref<4000xf32, #tpu.memory_space<vmem>>, vector<16xf32>,
        %get3A_348 = vector.shape_cast %get3A_347 : vector<16xf32> to vector<16xf32>
        %get3A_349 = arith.index_cast %add3A_345 : i32 to index
        %get3A_350 = tpu.vector_load %arg28[%get3A_349] {strides = array<i32>} : memref<4000xf32, #tpu.memory_space<vmem>>, vector<16xf32>,
        %get3A_351 = vector.shape_cast %get3A_350 : vector<16xf32> to vector<16xf32>
        %add3A_352 = arith.addf %get3A_348, %get3A_351 : vector<16xf32>
        %ge3A_353 = arith.constant 0.000000e+00 : f32
        %ge3A_354 = vector.broadcast %ge3A_353 : f32 to vector<16xf32>
        %ge3A_355 = arith.cmpf oge, %add3A_352, %ge3A_354 : vector<16xf32>
        %mul3A_356 = arith.constant 2.000000e-01 : f32
        %mul3A_357 = vector.broadcast %mul3A_356 : f32 to vector<16xf32>
        %mul3A_358 = arith.mulf %mul3A_357, %add3A_352 : vector<16xf32>
        %select_n3A_359 = arith.select %ge3A_355, %add3A_352, %mul3A_358 : vector<16xi1>, vector<16xf32>
        %sub3A_360 = arith.subf %select_n3A_359, %get3A_18 : vector<16xf32>
        %exp3A_361 = math.exp %sub3A_360 : vector<16xf32>
        %swap3A_362 = arith.index_cast %add3A_345 : i32 to index
        %swap3A_363 = tpu.vector_load %arg29[%swap3A_362] {strides = array<i32>} : memref<4000xf32, #tpu.memory_space<vmem>>, vector<16xf32>,
        %swap3A_364 = vector.shape_cast %swap3A_363 : vector<16xf32> to vector<16xf32>
        %swap3A_365 = vector.shape_cast %exp3A_361 : vector<16xf32> to vector<16xf32>
        tpu.vector_store %arg29[%swap3A_362], %swap3A_365 {strides = array<i32>} : memref<4000xf32, #tpu.memory_space<vmem>>, vector<16xf32>,
        %get3A_366 = arith.index_cast %add3A_345 : i32 to index
        %get3A_367 = tpu.vector_load %arg27[%get3A_366] {strides = array<i32>} : memref<4000xf32, #tpu.memory_space<vmem>>, vector<16xf32>,
        %get3A_368 = vector.shape_cast %get3A_367 : vector<16xf32> to vector<16xf32>
        %mul3A_369 = arith.mulf %exp3A_361, %get3A_368 : vector<16xf32>
        %swap3A_370 = arith.index_cast %add3A_345 : i32 to index
        %swap3A_371 = tpu.vector_load %arg30[%swap3A_370] {strides = array<i32>} : memref<4000xf32, #tpu.memory_space<vmem>>, vector<16xf32>,
        %swap3A_372 = vector.shape_cast %swap3A_371 : vector<16xf32> to vector<16xf32>
        %swap3A_373 = vector.shape_cast %mul3A_369 : vector<16xf32> to vector<16xf32>
        tpu.vector_store %arg30[%swap3A_370], %swap3A_373 {strides = array<i32>} : memref<4000xf32, #tpu.memory_space<vmem>>, vector<16xf32>,
        %get3A_374 = arith.index_cast %add3A_345 : i32 to index
        %get3A_375 = tpu.vector_load %arg24[%get3A_374] {strides = array<i32>} : memref<4000xi32, #tpu.memory_space<vmem>>, vector<16xi32>,
        %get3A_376 = vector.shape_cast %get3A_375 : vector<16xi32> to vector<16xi32>
        %convert_element_type3A_377 = arith.sitofp %get3A_376 : vector<16xi32> to vector<16xf32>
        %mul3A_378 = arith.constant 9.99999974E-5 : f32
        %mul3A_379 = vector.broadcast %mul3A_378 : f32 to vector<16xf32>
        %mul3A_380 = arith.mulf %convert_element_type3A_377, %mul3A_379 : vector<16xf32>
        %convert_element_type3A_381 = arith.fptosi %mul3A_380 : vector<16xf32> to vector<16xi32>
        %mul3A_382 = arith.constant 240 : i32
        %mul3A_383 = vector.broadcast %mul3A_382 : i32 to vector<16xi32>
        %mul3A_384 = arith.muli %mul3A_383, %convert_element_type3A_381 : vector<16xi32>
        %add3A_385 = arith.addi %get3A_376, %mul3A_384 : vector<16xi32>
        %swap3A_386 = arith.index_cast %add3A_345 : i32 to index
        %swap3A_387 = tpu.vector_load %arg25[%swap3A_386] {strides = array<i32>} : memref<4000xi32, #tpu.memory_space<vmem>>, vector<16xi32>,
        %swap3A_388 = vector.shape_cast %swap3A_387 : vector<16xi32> to vector<16xi32>
        %swap3A_389 = vector.shape_cast %add3A_385 : vector<16xi32> to vector<16xi32>
        tpu.vector_store %arg25[%swap3A_386], %swap3A_389 {strides = array<i32>} : memref<4000xi32, #tpu.memory_space<vmem>>, vector<16xi32>,
        %mul3A_390 = arith.constant 128 : i32
        %mul3A_391 = arith.muli %scan3A_148, %mul3A_390 : i32
        %add3A_392 = arith.constant 80 : i32
        %add3A_393 = arith.addi %mul3A_391, %add3A_392 : i32
        %get3A_394 = arith.index_cast %add3A_393 : i32 to index
        %get3A_395 = tpu.vector_load %arg26[%get3A_394] {strides = array<i32>} : memref<4000xf32, #tpu.memory_space<vmem>>, vector<16xf32>,
        %get3A_396 = vector.shape_cast %get3A_395 : vector<16xf32> to vector<16xf32>
        %get3A_397 = arith.index_cast %add3A_393 : i32 to index
        %get3A_398 = tpu.vector_load %arg28[%get3A_397] {strides = array<i32>} : memref<4000xf32, #tpu.memory_space<vmem>>, vector<16xf32>,
        %get3A_399 = vector.shape_cast %get3A_398 : vector<16xf32> to vector<16xf32>
        %add3A_400 = arith.addf %get3A_396, %get3A_399 : vector<16xf32>
        %ge3A_401 = arith.constant 0.000000e+00 : f32
        %ge3A_402 = vector.broadcast %ge3A_401 : f32 to vector<16xf32>
        %ge3A_403 = arith.cmpf oge, %add3A_400, %ge3A_402 : vector<16xf32>
        %mul3A_404 = arith.constant 2.000000e-01 : f32
        %mul3A_405 = vector.broadcast %mul3A_404 : f32 to vector<16xf32>
        %mul3A_406 = arith.mulf %mul3A_405, %add3A_400 : vector<16xf32>
        %select_n3A_407 = arith.select %ge3A_403, %add3A_400, %mul3A_406 : vector<16xi1>, vector<16xf32>
        %sub3A_408 = arith.subf %select_n3A_407, %get3A_18 : vector<16xf32>
        %exp3A_409 = math.exp %sub3A_408 : vector<16xf32>
        %swap3A_410 = arith.index_cast %add3A_393 : i32 to index
        %swap3A_411 = tpu.vector_load %arg29[%swap3A_410] {strides = array<i32>} : memref<4000xf32, #tpu.memory_space<vmem>>, vector<16xf32>,
        %swap3A_412 = vector.shape_cast %swap3A_411 : vector<16xf32> to vector<16xf32>
        %swap3A_413 = vector.shape_cast %exp3A_409 : vector<16xf32> to vector<16xf32>
        tpu.vector_store %arg29[%swap3A_410], %swap3A_413 {strides = array<i32>} : memref<4000xf32, #tpu.memory_space<vmem>>, vector<16xf32>,
        %get3A_414 = arith.index_cast %add3A_393 : i32 to index
        %get3A_415 = tpu.vector_load %arg27[%get3A_414] {strides = array<i32>} : memref<4000xf32, #tpu.memory_space<vmem>>, vector<16xf32>,
        %get3A_416 = vector.shape_cast %get3A_415 : vector<16xf32> to vector<16xf32>
        %mul3A_417 = arith.mulf %exp3A_409, %get3A_416 : vector<16xf32>
        %swap3A_418 = arith.index_cast %add3A_393 : i32 to index
        %swap3A_419 = tpu.vector_load %arg30[%swap3A_418] {strides = array<i32>} : memref<4000xf32, #tpu.memory_space<vmem>>, vector<16xf32>,
        %swap3A_420 = vector.shape_cast %swap3A_419 : vector<16xf32> to vector<16xf32>
        %swap3A_421 = vector.shape_cast %mul3A_417 : vector<16xf32> to vector<16xf32>
        tpu.vector_store %arg30[%swap3A_418], %swap3A_421 {strides = array<i32>} : memref<4000xf32, #tpu.memory_space<vmem>>, vector<16xf32>,
        %get3A_422 = arith.index_cast %add3A_393 : i32 to index
        %get3A_423 = tpu.vector_load %arg24[%get3A_422] {strides = array<i32>} : memref<4000xi32, #tpu.memory_space<vmem>>, vector<16xi32>,
        %get3A_424 = vector.shape_cast %get3A_423 : vector<16xi32> to vector<16xi32>
        %convert_element_type3A_425 = arith.sitofp %get3A_424 : vector<16xi32> to vector<16xf32>
        %mul3A_426 = arith.constant 9.99999974E-5 : f32
        %mul3A_427 = vector.broadcast %mul3A_426 : f32 to vector<16xf32>
        %mul3A_428 = arith.mulf %convert_element_type3A_425, %mul3A_427 : vector<16xf32>
        %convert_element_type3A_429 = arith.fptosi %mul3A_428 : vector<16xf32> to vector<16xi32>
        %mul3A_430 = arith.constant 240 : i32
        %mul3A_431 = vector.broadcast %mul3A_430 : i32 to vector<16xi32>
        %mul3A_432 = arith.muli %mul3A_431, %convert_element_type3A_429 : vector<16xi32>
        %add3A_433 = arith.addi %get3A_424, %mul3A_432 : vector<16xi32>
        %swap3A_434 = arith.index_cast %add3A_393 : i32 to index
        %swap3A_435 = tpu.vector_load %arg25[%swap3A_434] {strides = array<i32>} : memref<4000xi32, #tpu.memory_space<vmem>>, vector<16xi32>,
        %swap3A_436 = vector.shape_cast %swap3A_435 : vector<16xi32> to vector<16xi32>
        %swap3A_437 = vector.shape_cast %add3A_433 : vector<16xi32> to vector<16xi32>
        tpu.vector_store %arg25[%swap3A_434], %swap3A_437 {strides = array<i32>} : memref<4000xi32, #tpu.memory_space<vmem>>, vector<16xi32>,
        %mul3A_438 = arith.constant 128 : i32
        %mul3A_439 = arith.muli %scan3A_148, %mul3A_438 : i32
        %add3A_440 = arith.constant 96 : i32
        %add3A_441 = arith.addi %mul3A_439, %add3A_440 : i32
        %get3A_442 = arith.index_cast %add3A_441 : i32 to index
        %get3A_443 = tpu.vector_load %arg26[%get3A_442] {strides = array<i32>} : memref<4000xf32, #tpu.memory_space<vmem>>, vector<16xf32>,
        %get3A_444 = vector.shape_cast %get3A_443 : vector<16xf32> to vector<16xf32>
        %get3A_445 = arith.index_cast %add3A_441 : i32 to index
        %get3A_446 = tpu.vector_load %arg28[%get3A_445] {strides = array<i32>} : memref<4000xf32, #tpu.memory_space<vmem>>, vector<16xf32>,
        %get3A_447 = vector.shape_cast %get3A_446 : vector<16xf32> to vector<16xf32>
        %add3A_448 = arith.addf %get3A_444, %get3A_447 : vector<16xf32>
        %ge3A_449 = arith.constant 0.000000e+00 : f32
        %ge3A_450 = vector.broadcast %ge3A_449 : f32 to vector<16xf32>
        %ge3A_451 = arith.cmpf oge, %add3A_448, %ge3A_450 : vector<16xf32>
        %mul3A_452 = arith.constant 2.000000e-01 : f32
        %mul3A_453 = vector.broadcast %mul3A_452 : f32 to vector<16xf32>
        %mul3A_454 = arith.mulf %mul3A_453, %add3A_448 : vector<16xf32>
        %select_n3A_455 = arith.select %ge3A_451, %add3A_448, %mul3A_454 : vector<16xi1>, vector<16xf32>
        %sub3A_456 = arith.subf %select_n3A_455, %get3A_18 : vector<16xf32>
        %exp3A_457 = math.exp %sub3A_456 : vector<16xf32>
        %swap3A_458 = arith.index_cast %add3A_441 : i32 to index
        %swap3A_459 = tpu.vector_load %arg29[%swap3A_458] {strides = array<i32>} : memref<4000xf32, #tpu.memory_space<vmem>>, vector<16xf32>,
        %swap3A_460 = vector.shape_cast %swap3A_459 : vector<16xf32> to vector<16xf32>
        %swap3A_461 = vector.shape_cast %exp3A_457 : vector<16xf32> to vector<16xf32>
        tpu.vector_store %arg29[%swap3A_458], %swap3A_461 {strides = array<i32>} : memref<4000xf32, #tpu.memory_space<vmem>>, vector<16xf32>,
        %get3A_462 = arith.index_cast %add3A_441 : i32 to index
        %get3A_463 = tpu.vector_load %arg27[%get3A_462] {strides = array<i32>} : memref<4000xf32, #tpu.memory_space<vmem>>, vector<16xf32>,
        %get3A_464 = vector.shape_cast %get3A_463 : vector<16xf32> to vector<16xf32>
        %mul3A_465 = arith.mulf %exp3A_457, %get3A_464 : vector<16xf32>
        %swap3A_466 = arith.index_cast %add3A_441 : i32 to index
        %swap3A_467 = tpu.vector_load %arg30[%swap3A_466] {strides = array<i32>} : memref<4000xf32, #tpu.memory_space<vmem>>, vector<16xf32>,
        %swap3A_468 = vector.shape_cast %swap3A_467 : vector<16xf32> to vector<16xf32>
        %swap3A_469 = vector.shape_cast %mul3A_465 : vector<16xf32> to vector<16xf32>
        tpu.vector_store %arg30[%swap3A_466], %swap3A_469 {strides = array<i32>} : memref<4000xf32, #tpu.memory_space<vmem>>, vector<16xf32>,
        %get3A_470 = arith.index_cast %add3A_441 : i32 to index
        %get3A_471 = tpu.vector_load %arg24[%get3A_470] {strides = array<i32>} : memref<4000xi32, #tpu.memory_space<vmem>>, vector<16xi32>,
        %get3A_472 = vector.shape_cast %get3A_471 : vector<16xi32> to vector<16xi32>
        %convert_element_type3A_473 = arith.sitofp %get3A_472 : vector<16xi32> to vector<16xf32>
        %mul3A_474 = arith.constant 9.99999974E-5 : f32
        %mul3A_475 = vector.broadcast %mul3A_474 : f32 to vector<16xf32>
        %mul3A_476 = arith.mulf %convert_element_type3A_473, %mul3A_475 : vector<16xf32>
        %convert_element_type3A_477 = arith.fptosi %mul3A_476 : vector<16xf32> to vector<16xi32>
        %mul3A_478 = arith.constant 240 : i32
        %mul3A_479 = vector.broadcast %mul3A_478 : i32 to vector<16xi32>
        %mul3A_480 = arith.muli %mul3A_479, %convert_element_type3A_477 : vector<16xi32>
        %add3A_481 = arith.addi %get3A_472, %mul3A_480 : vector<16xi32>
        %swap3A_482 = arith.index_cast %add3A_441 : i32 to index
        %swap3A_483 = tpu.vector_load %arg25[%swap3A_482] {strides = array<i32>} : memref<4000xi32, #tpu.memory_space<vmem>>, vector<16xi32>,
        %swap3A_484 = vector.shape_cast %swap3A_483 : vector<16xi32> to vector<16xi32>
        %swap3A_485 = vector.shape_cast %add3A_481 : vector<16xi32> to vector<16xi32>
        tpu.vector_store %arg25[%swap3A_482], %swap3A_485 {strides = array<i32>} : memref<4000xi32, #tpu.memory_space<vmem>>, vector<16xi32>,
        %mul3A_486 = arith.constant 128 : i32
        %mul3A_487 = arith.muli %scan3A_148, %mul3A_486 : i32
        %add3A_488 = arith.constant 112 : i32
        %add3A_489 = arith.addi %mul3A_487, %add3A_488 : i32
        %get3A_490 = arith.index_cast %add3A_489 : i32 to index
        %get3A_491 = tpu.vector_load %arg26[%get3A_490] {strides = array<i32>} : memref<4000xf32, #tpu.memory_space<vmem>>, vector<16xf32>,
        %get3A_492 = vector.shape_cast %get3A_491 : vector<16xf32> to vector<16xf32>
        %get3A_493 = arith.index_cast %add3A_489 : i32 to index
        %get3A_494 = tpu.vector_load %arg28[%get3A_493] {strides = array<i32>} : memref<4000xf32, #tpu.memory_space<vmem>>, vector<16xf32>,
        %get3A_495 = vector.shape_cast %get3A_494 : vector<16xf32> to vector<16xf32>
        %add3A_496 = arith.addf %get3A_492, %get3A_495 : vector<16xf32>
        %ge3A_497 = arith.constant 0.000000e+00 : f32
        %ge3A_498 = vector.broadcast %ge3A_497 : f32 to vector<16xf32>
        %ge3A_499 = arith.cmpf oge, %add3A_496, %ge3A_498 : vector<16xf32>
        %mul3A_500 = arith.constant 2.000000e-01 : f32
        %mul3A_501 = vector.broadcast %mul3A_500 : f32 to vector<16xf32>
        %mul3A_502 = arith.mulf %mul3A_501, %add3A_496 : vector<16xf32>
        %select_n3A_503 = arith.select %ge3A_499, %add3A_496, %mul3A_502 : vector<16xi1>, vector<16xf32>
        %sub3A_504 = arith.subf %select_n3A_503, %get3A_18 : vector<16xf32>
        %exp3A_505 = math.exp %sub3A_504 : vector<16xf32>
        %swap3A_506 = arith.index_cast %add3A_489 : i32 to index
        %swap3A_507 = tpu.vector_load %arg29[%swap3A_506] {strides = array<i32>} : memref<4000xf32, #tpu.memory_space<vmem>>, vector<16xf32>,
        %swap3A_508 = vector.shape_cast %swap3A_507 : vector<16xf32> to vector<16xf32>
        %swap3A_509 = vector.shape_cast %exp3A_505 : vector<16xf32> to vector<16xf32>
        tpu.vector_store %arg29[%swap3A_506], %swap3A_509 {strides = array<i32>} : memref<4000xf32, #tpu.memory_space<vmem>>, vector<16xf32>,
        %get3A_510 = arith.index_cast %add3A_489 : i32 to index
        %get3A_511 = tpu.vector_load %arg27[%get3A_510] {strides = array<i32>} : memref<4000xf32, #tpu.memory_space<vmem>>, vector<16xf32>,
        %get3A_512 = vector.shape_cast %get3A_511 : vector<16xf32> to vector<16xf32>
        %mul3A_513 = arith.mulf %exp3A_505, %get3A_512 : vector<16xf32>
        %swap3A_514 = arith.index_cast %add3A_489 : i32 to index
        %swap3A_515 = tpu.vector_load %arg30[%swap3A_514] {strides = array<i32>} : memref<4000xf32, #tpu.memory_space<vmem>>, vector<16xf32>,
        %swap3A_516 = vector.shape_cast %swap3A_515 : vector<16xf32> to vector<16xf32>
        %swap3A_517 = vector.shape_cast %mul3A_513 : vector<16xf32> to vector<16xf32>
        tpu.vector_store %arg30[%swap3A_514], %swap3A_517 {strides = array<i32>} : memref<4000xf32, #tpu.memory_space<vmem>>, vector<16xf32>,
        %get3A_518 = arith.index_cast %add3A_489 : i32 to index
        %get3A_519 = tpu.vector_load %arg24[%get3A_518] {strides = array<i32>} : memref<4000xi32, #tpu.memory_space<vmem>>, vector<16xi32>,
        %get3A_520 = vector.shape_cast %get3A_519 : vector<16xi32> to vector<16xi32>
        %convert_element_type3A_521 = arith.sitofp %get3A_520 : vector<16xi32> to vector<16xf32>
        %mul3A_522 = arith.constant 9.99999974E-5 : f32
        %mul3A_523 = vector.broadcast %mul3A_522 : f32 to vector<16xf32>
        %mul3A_524 = arith.mulf %convert_element_type3A_521, %mul3A_523 : vector<16xf32>
        %convert_element_type3A_525 = arith.fptosi %mul3A_524 : vector<16xf32> to vector<16xi32>
        %mul3A_526 = arith.constant 240 : i32
        %mul3A_527 = vector.broadcast %mul3A_526 : i32 to vector<16xi32>
        %mul3A_528 = arith.muli %mul3A_527, %convert_element_type3A_525 : vector<16xi32>
        %add3A_529 = arith.addi %get3A_520, %mul3A_528 : vector<16xi32>
        %swap3A_530 = arith.index_cast %add3A_489 : i32 to index
        %swap3A_531 = tpu.vector_load %arg25[%swap3A_530] {strides = array<i32>} : memref<4000xi32, #tpu.memory_space<vmem>>, vector<16xi32>,
        %swap3A_532 = vector.shape_cast %swap3A_531 : vector<16xi32> to vector<16xi32>
        %swap3A_533 = vector.shape_cast %add3A_529 : vector<16xi32> to vector<16xi32>
        tpu.vector_store %arg25[%swap3A_530], %swap3A_533 {strides = array<i32>} : memref<4000xi32, #tpu.memory_space<vmem>>, vector<16xi32>,
        %scan3A_534 = arith.constant 0 : i32
        scf.yield %scan3A_534 : i32
      }
      %scan3A_64 = arith.constant 31 : i32
      %get3A_65 = arith.constant 3968 : index
      %get3A_66 = tpu.vector_load %arg26[%get3A_65] {strides = array<i32>} : memref<4000xf32, #tpu.memory_space<vmem>>, vector<16xf32>,
      %get3A_67 = vector.shape_cast %get3A_66 : vector<16xf32> to vector<16xf32>
      %get3A_68 = arith.constant 3968 : index
      %get3A_69 = tpu.vector_load %arg28[%get3A_68] {strides = array<i32>} : memref<4000xf32, #tpu.memory_space<vmem>>, vector<16xf32>,
      %get3A_70 = vector.shape_cast %get3A_69 : vector<16xf32> to vector<16xf32>
      %add3A_71 = arith.addf %get3A_67, %get3A_70 : vector<16xf32>
      %ge3A = arith.constant 0.000000e+00 : f32
      %ge3A_72 = vector.broadcast %ge3A : f32 to vector<16xf32>
      %ge3A_73 = arith.cmpf oge, %add3A_71, %ge3A_72 : vector<16xf32>
      %mul3A_74 = arith.constant 2.000000e-01 : f32
      %mul3A_75 = vector.broadcast %mul3A_74 : f32 to vector<16xf32>
      %mul3A_76 = arith.mulf %mul3A_75, %add3A_71 : vector<16xf32>
      %select_n3A = arith.select %ge3A_73, %add3A_71, %mul3A_76 : vector<16xi1>, vector<16xf32>
      %sub3A = arith.subf %select_n3A, %get3A_18 : vector<16xf32>
      %exp3A = math.exp %sub3A : vector<16xf32>
      %swap3A = arith.constant 3968 : index
      %swap3A_77 = tpu.vector_load %arg29[%swap3A] {strides = array<i32>} : memref<4000xf32, #tpu.memory_space<vmem>>, vector<16xf32>,
      %swap3A_78 = vector.shape_cast %swap3A_77 : vector<16xf32> to vector<16xf32>
      %swap3A_79 = vector.shape_cast %exp3A : vector<16xf32> to vector<16xf32>
      tpu.vector_store %arg29[%swap3A], %swap3A_79 {strides = array<i32>} : memref<4000xf32, #tpu.memory_space<vmem>>, vector<16xf32>,
      %get3A_80 = arith.constant 3968 : index
      %get3A_81 = tpu.vector_load %arg27[%get3A_80] {strides = array<i32>} : memref<4000xf32, #tpu.memory_space<vmem>>, vector<16xf32>,
      %get3A_82 = vector.shape_cast %get3A_81 : vector<16xf32> to vector<16xf32>
      %mul3A_83 = arith.mulf %exp3A, %get3A_82 : vector<16xf32>
      %swap3A_84 = arith.constant 3968 : index
      %swap3A_85 = tpu.vector_load %arg30[%swap3A_84] {strides = array<i32>} : memref<4000xf32, #tpu.memory_space<vmem>>, vector<16xf32>,
      %swap3A_86 = vector.shape_cast %swap3A_85 : vector<16xf32> to vector<16xf32>
      %swap3A_87 = vector.shape_cast %mul3A_83 : vector<16xf32> to vector<16xf32>
      tpu.vector_store %arg30[%swap3A_84], %swap3A_87 {strides = array<i32>} : memref<4000xf32, #tpu.memory_space<vmem>>, vector<16xf32>,
      %get3A_88 = arith.constant 3968 : index
      %get3A_89 = tpu.vector_load %arg24[%get3A_88] {strides = array<i32>} : memref<4000xi32, #tpu.memory_space<vmem>>, vector<16xi32>,
      %get3A_90 = vector.shape_cast %get3A_89 : vector<16xi32> to vector<16xi32>
      %convert_element_type3A = arith.sitofp %get3A_90 : vector<16xi32> to vector<16xf32>
      %mul3A_91 = arith.constant 9.99999974E-5 : f32
      %mul3A_92 = vector.broadcast %mul3A_91 : f32 to vector<16xf32>
      %mul3A_93 = arith.mulf %convert_element_type3A, %mul3A_92 : vector<16xf32>
      %convert_element_type3A_94 = arith.fptosi %mul3A_93 : vector<16xf32> to vector<16xi32>
      %mul3A_95 = arith.constant 240 : i32
      %mul3A_96 = vector.broadcast %mul3A_95 : i32 to vector<16xi32>
      %mul3A_97 = arith.muli %mul3A_96, %convert_element_type3A_94 : vector<16xi32>
      %add3A_98 = arith.addi %get3A_90, %mul3A_97 : vector<16xi32>
      %swap3A_99 = arith.constant 3968 : index
      %swap3A_100 = tpu.vector_load %arg25[%swap3A_99] {strides = array<i32>} : memref<4000xi32, #tpu.memory_space<vmem>>, vector<16xi32>,
      %swap3A_101 = vector.shape_cast %swap3A_100 : vector<16xi32> to vector<16xi32>
      %swap3A_102 = vector.shape_cast %add3A_98 : vector<16xi32> to vector<16xi32>
      tpu.vector_store %arg25[%swap3A_99], %swap3A_102 {strides = array<i32>} : memref<4000xi32, #tpu.memory_space<vmem>>, vector<16xi32>,
      %get3A_103 = arith.constant 3984 : index
      %get3A_104 = tpu.vector_load %arg26[%get3A_103] {strides = array<i32>} : memref<4000xf32, #tpu.memory_space<vmem>>, vector<16xf32>,
      %get3A_105 = vector.shape_cast %get3A_104 : vector<16xf32> to vector<16xf32>
      %get3A_106 = arith.constant 3984 : index
      %get3A_107 = tpu.vector_load %arg28[%get3A_106] {strides = array<i32>} : memref<4000xf32, #tpu.memory_space<vmem>>, vector<16xf32>,
      %get3A_108 = vector.shape_cast %get3A_107 : vector<16xf32> to vector<16xf32>
      %add3A_109 = arith.addf %get3A_105, %get3A_108 : vector<16xf32>
      %ge3A_110 = arith.constant 0.000000e+00 : f32
      %ge3A_111 = vector.broadcast %ge3A_110 : f32 to vector<16xf32>
      %ge3A_112 = arith.cmpf oge, %add3A_109, %ge3A_111 : vector<16xf32>
      %mul3A_113 = arith.constant 2.000000e-01 : f32
      %mul3A_114 = vector.broadcast %mul3A_113 : f32 to vector<16xf32>
      %mul3A_115 = arith.mulf %mul3A_114, %add3A_109 : vector<16xf32>
      %select_n3A_116 = arith.select %ge3A_112, %add3A_109, %mul3A_115 : vector<16xi1>, vector<16xf32>
      %sub3A_117 = arith.subf %select_n3A_116, %get3A_18 : vector<16xf32>
      %exp3A_118 = math.exp %sub3A_117 : vector<16xf32>
      %swap3A_119 = arith.constant 3984 : index
      %swap3A_120 = tpu.vector_load %arg29[%swap3A_119] {strides = array<i32>} : memref<4000xf32, #tpu.memory_space<vmem>>, vector<16xf32>,
      %swap3A_121 = vector.shape_cast %swap3A_120 : vector<16xf32> to vector<16xf32>
      %swap3A_122 = vector.shape_cast %exp3A_118 : vector<16xf32> to vector<16xf32>
      tpu.vector_store %arg29[%swap3A_119], %swap3A_122 {strides = array<i32>} : memref<4000xf32, #tpu.memory_space<vmem>>, vector<16xf32>,
      %get3A_123 = arith.constant 3984 : index
      %get3A_124 = tpu.vector_load %arg27[%get3A_123] {strides = array<i32>} : memref<4000xf32, #tpu.memory_space<vmem>>, vector<16xf32>,
      %get3A_125 = vector.shape_cast %get3A_124 : vector<16xf32> to vector<16xf32>
      %mul3A_126 = arith.mulf %exp3A_118, %get3A_125 : vector<16xf32>
      %swap3A_127 = arith.constant 3984 : index
      %swap3A_128 = tpu.vector_load %arg30[%swap3A_127] {strides = array<i32>} : memref<4000xf32, #tpu.memory_space<vmem>>, vector<16xf32>,
      %swap3A_129 = vector.shape_cast %swap3A_128 : vector<16xf32> to vector<16xf32>
      %swap3A_130 = vector.shape_cast %mul3A_126 : vector<16xf32> to vector<16xf32>
      tpu.vector_store %arg30[%swap3A_127], %swap3A_130 {strides = array<i32>} : memref<4000xf32, #tpu.memory_space<vmem>>, vector<16xf32>,
      %get3A_131 = arith.constant 3984 : index
      %get3A_132 = tpu.vector_load %arg24[%get3A_131] {strides = array<i32>} : memref<4000xi32, #tpu.memory_space<vmem>>, vector<16xi32>,
      %get3A_133 = vector.shape_cast %get3A_132 : vector<16xi32> to vector<16xi32>
      %convert_element_type3A_134 = arith.sitofp %get3A_133 : vector<16xi32> to vector<16xf32>
      %mul3A_135 = arith.constant 9.99999974E-5 : f32
      %mul3A_136 = vector.broadcast %mul3A_135 : f32 to vector<16xf32>
      %mul3A_137 = arith.mulf %convert_element_type3A_134, %mul3A_136 : vector<16xf32>
      %convert_element_type3A_138 = arith.fptosi %mul3A_137 : vector<16xf32> to vector<16xi32>
      %mul3A_139 = arith.constant 240 : i32
      %mul3A_140 = vector.broadcast %mul3A_139 : i32 to vector<16xi32>
      %mul3A_141 = arith.muli %mul3A_140, %convert_element_type3A_138 : vector<16xi32>
      %add3A_142 = arith.addi %get3A_133, %mul3A_141 : vector<16xi32>
      %swap3A_143 = arith.constant 3984 : index
      %swap3A_144 = tpu.vector_load %arg25[%swap3A_143] {strides = array<i32>} : memref<4000xi32, #tpu.memory_space<vmem>>, vector<16xi32>,
      %swap3A_145 = vector.shape_cast %swap3A_144 : vector<16xi32> to vector<16xi32>
      %swap3A_146 = vector.shape_cast %add3A_142 : vector<16xi32> to vector<16xi32>
      tpu.vector_store %arg25[%swap3A_143], %swap3A_146 {strides = array<i32>} : memref<4000xi32, #tpu.memory_space<vmem>>, vector<16xi32>,
      "tpu.region"() ({
        %run_scoped3A = tpu.sem_alloc : memref<!tpu.dma_semaphore, #tpu.memory_space<semaphore_mem>>
        %dma_start3A_148 = arith.constant 0 : i32
        %dma_start3A_149 = tpu.memref_slice %arg19[%dma_start3A_148] : memref<102400xf32, #tpu.memory_space<vmem_shared>> -> memref<102400xf32, #tpu.memory_space<vmem_shared>>
        tpu.enqueue_indirect_dma source(%arg29 : memref<4000xf32, #tpu.memory_space<vmem>>) target(%dma_start3A_149 : memref<102400xf32, #tpu.memory_space<vmem_shared>>) offsets(%arg25 : memref<4000xi32, #tpu.memory_space<vmem>>) semaphore(%run_scoped3A : memref<!tpu.dma_semaphore, #tpu.memory_space<semaphore_mem>>) {add = true}
        %dma_wait3A_150 = arith.constant 0 : i32
        %dma_wait3A_151 = tpu.memref_slice %arg19[%dma_wait3A_150] : memref<102400xf32, #tpu.memory_space<vmem_shared>> -> memref<102400xf32, #tpu.memory_space<vmem_shared>>
        tpu.wait_indirect_dma semaphore(%run_scoped3A : memref<!tpu.dma_semaphore, #tpu.memory_space<semaphore_mem>>) src(%arg29 : memref<4000xf32, #tpu.memory_space<vmem>>) dst(%dma_wait3A_151 : memref<102400xf32, #tpu.memory_space<vmem_shared>>)
        tpu.yield
      }) : () -> ()
      "tpu.region"() ({
        %run_scoped3A = tpu.sem_alloc : memref<!tpu.dma_semaphore, #tpu.memory_space<semaphore_mem>>
        %dma_start3A_148 = arith.constant 0 : i32
        %dma_start3A_149 = tpu.memref_slice %arg20[%dma_start3A_148] : memref<102400xf32, #tpu.memory_space<vmem_shared>> -> memref<102400xf32, #tpu.memory_space<vmem_shared>>
        tpu.enqueue_indirect_dma source(%arg30 : memref<4000xf32, #tpu.memory_space<vmem>>) target(%dma_start3A_149 : memref<102400xf32, #tpu.memory_space<vmem_shared>>) offsets(%arg25 : memref<4000xi32, #tpu.memory_space<vmem>>) semaphore(%run_scoped3A : memref<!tpu.dma_semaphore, #tpu.memory_space<semaphore_mem>>) {add = true}
        %dma_wait3A_150 = arith.constant 0 : i32
        %dma_wait3A_151 = tpu.memref_slice %arg20[%dma_wait3A_150] : memref<102400xf32, #tpu.memory_space<vmem_shared>> -> memref<102400xf32, #tpu.memory_space<vmem_shared>>
        tpu.wait_indirect_dma semaphore(%run_scoped3A : memref<!tpu.dma_semaphore, #tpu.memory_space<semaphore_mem>>) src(%arg30 : memref<4000xf32, #tpu.memory_space<vmem>>) dst(%dma_wait3A_151 : memref<102400xf32, #tpu.memory_space<vmem_shared>>)
        tpu.yield
      }) : () -> ()
      %scan3A_147 = arith.constant 0 : i32
      scf.yield %scan3A_147 : i32
    }
    %scan3A_27 = arith.constant 25 : i32
    %scan3A_28 = arith.constant 0 : i32
    %scan3A_29 = arith.constant 0 : i32
    %scan3A_30 = arith.constant 25 : i32
    %scan3A_31 = arith.addi %scan3A_29, %scan3A_30 : i32
    %scan3A_32 = arith.constant 1 : i32
    %scan3A_33 = scf.for %scan3A_39 = %scan3A_29 to %scan3A_31 step %scan3A_32 iter_args(%scan3A_40 = %scan3A_28) -> (i32)  : i32 {
      %mul3A_41 = arith.constant 25 : i32
      %mul3A_42 = arith.muli %add3A, %mul3A_41 : i32
      %add3A_43 = arith.addi %mul3A_42, %scan3A_39 : i32
      %mul3A_44 = arith.constant 4000 : i32
      %mul3A_45 = arith.muli %add3A_43, %mul3A_44 : i32
      "tpu.region"() ({
        %run_scoped3A = tpu.sem_alloc : memref<!tpu.dma_semaphore, #tpu.memory_space<semaphore_mem>>
        %dma_start3A_148 = tpu.memref_slice %arg3[%mul3A_45] : memref<6400000xi32, #tpu.memory_space<hbm>> -> memref<4000xi32, #tpu.memory_space<hbm>>
        %dma_start3A_149 = tpu.memref_slice %arg3[%mul3A_45] : memref<6400000xi32, #tpu.memory_space<hbm>> -> memref<4000xi32, #tpu.memory_space<hbm>>
        tpu.enqueue_dma source(%dma_start3A_149 : memref<4000xi32, #tpu.memory_space<hbm>>) target(%arg23 : memref<4000xi32, #tpu.memory_space<vmem>>) target_semaphore(%run_scoped3A : memref<!tpu.dma_semaphore, #tpu.memory_space<semaphore_mem>>)
        %dma_wait3A_150 = tpu.memref_slice %arg3[%mul3A_45] : memref<6400000xi32, #tpu.memory_space<hbm>> -> memref<4000xi32, #tpu.memory_space<hbm>>
        %dma_wait3A_151 = tpu.memref_slice %arg3[%mul3A_45] : memref<6400000xi32, #tpu.memory_space<hbm>> -> memref<4000xi32, #tpu.memory_space<hbm>>
        tpu.wait_dma2 semaphore(%run_scoped3A : memref<!tpu.dma_semaphore, #tpu.memory_space<semaphore_mem>>) src(%dma_wait3A_151 : memref<4000xi32, #tpu.memory_space<hbm>>) dst(%arg23 : memref<4000xi32, #tpu.memory_space<vmem>>)
        tpu.yield
      }) : () -> ()
      %add3A_46 = arith.constant 3200000 : i32
      %add3A_47 = arith.addi %add3A_46, %mul3A_45 : i32
      "tpu.region"() ({
        %run_scoped3A = tpu.sem_alloc : memref<!tpu.dma_semaphore, #tpu.memory_space<semaphore_mem>>
        %dma_start3A_148 = tpu.memref_slice %arg3[%add3A_47] : memref<6400000xi32, #tpu.memory_space<hbm>> -> memref<4000xi32, #tpu.memory_space<hbm>>
        %dma_start3A_149 = tpu.memref_slice %arg3[%add3A_47] : memref<6400000xi32, #tpu.memory_space<hbm>> -> memref<4000xi32, #tpu.memory_space<hbm>>
        tpu.enqueue_dma source(%dma_start3A_149 : memref<4000xi32, #tpu.memory_space<hbm>>) target(%arg24 : memref<4000xi32, #tpu.memory_space<vmem>>) target_semaphore(%run_scoped3A : memref<!tpu.dma_semaphore, #tpu.memory_space<semaphore_mem>>)
        %dma_wait3A_150 = tpu.memref_slice %arg3[%add3A_47] : memref<6400000xi32, #tpu.memory_space<hbm>> -> memref<4000xi32, #tpu.memory_space<hbm>>
        %dma_wait3A_151 = tpu.memref_slice %arg3[%add3A_47] : memref<6400000xi32, #tpu.memory_space<hbm>> -> memref<4000xi32, #tpu.memory_space<hbm>>
        tpu.wait_dma2 semaphore(%run_scoped3A : memref<!tpu.dma_semaphore, #tpu.memory_space<semaphore_mem>>) src(%dma_wait3A_151 : memref<4000xi32, #tpu.memory_space<hbm>>) dst(%arg24 : memref<4000xi32, #tpu.memory_space<vmem>>)
        tpu.yield
      }) : () -> ()
      %dma_start3A = arith.constant 0 : i32
      %dma_start3A_48 = tpu.memref_slice %arg16[%dma_start3A] : memref<100096xf32, #tpu.memory_space<vmem_shared>> -> memref<100096xf32, #tpu.memory_space<vmem_shared>>
      tpu.enqueue_indirect_dma source(%dma_start3A_48 : memref<100096xf32, #tpu.memory_space<vmem_shared>>) target(%arg26 : memref<4000xf32, #tpu.memory_space<vmem>>) offsets(%arg23 : memref<4000xi32, #tpu.memory_space<vmem>>) semaphore(%arg34 : memref<!tpu.dma_semaphore, #tpu.memory_space<semaphore_mem>>)
      %dma_start3A_49 = arith.constant 0 : i32
      %dma_start3A_50 = tpu.memref_slice %arg18[%dma_start3A_49] : memref<100096xf32, #tpu.memory_space<vmem_shared>> -> memref<100096xf32, #tpu.memory_space<vmem_shared>>
      tpu.enqueue_indirect_dma source(%dma_start3A_50 : memref<100096xf32, #tpu.memory_space<vmem_shared>>) target(%arg27 : memref<4000xf32, #tpu.memory_space<vmem>>) offsets(%arg23 : memref<4000xi32, #tpu.memory_space<vmem>>) semaphore(%arg35 : memref<!tpu.dma_semaphore, #tpu.memory_space<semaphore_mem>>)
      %dma_start3A_51 = arith.constant 0 : i32
      %dma_start3A_52 = tpu.memref_slice %arg17[%dma_start3A_51] : memref<100096xf32, #tpu.memory_space<vmem_shared>> -> memref<100096xf32, #tpu.memory_space<vmem_shared>>
      tpu.enqueue_indirect_dma source(%dma_start3A_52 : memref<100096xf32, #tpu.memory_space<vmem_shared>>) target(%arg28 : memref<4000xf32, #tpu.memory_space<vmem>>) offsets(%arg24 : memref<4000xi32, #tpu.memory_space<vmem>>) semaphore(%arg36 : memref<!tpu.dma_semaphore, #tpu.memory_space<semaphore_mem>>)
      %dma_wait3A = arith.constant 0 : i32
      %dma_wait3A_53 = tpu.memref_slice %arg16[%dma_wait3A] : memref<100096xf32, #tpu.memory_space<vmem_shared>> -> memref<100096xf32, #tpu.memory_space<vmem_shared>>
      tpu.wait_indirect_dma semaphore(%arg34 : memref<!tpu.dma_semaphore, #tpu.memory_space<semaphore_mem>>) src(%dma_wait3A_53 : memref<100096xf32, #tpu.memory_space<vmem_shared>>) dst(%arg26 : memref<4000xf32, #tpu.memory_space<vmem>>)
      %dma_wait3A_54 = arith.constant 0 : i32
      %dma_wait3A_55 = tpu.memref_slice %arg18[%dma_wait3A_54] : memref<100096xf32, #tpu.memory_space<vmem_shared>> -> memref<100096xf32, #tpu.memory_space<vmem_shared>>
      tpu.wait_indirect_dma semaphore(%arg35 : memref<!tpu.dma_semaphore, #tpu.memory_space<semaphore_mem>>) src(%dma_wait3A_55 : memref<100096xf32, #tpu.memory_space<vmem_shared>>) dst(%arg27 : memref<4000xf32, #tpu.memory_space<vmem>>)
      %dma_wait3A_56 = arith.constant 0 : i32
      %dma_wait3A_57 = tpu.memref_slice %arg17[%dma_wait3A_56] : memref<100096xf32, #tpu.memory_space<vmem_shared>> -> memref<100096xf32, #tpu.memory_space<vmem_shared>>
      tpu.wait_indirect_dma semaphore(%arg36 : memref<!tpu.dma_semaphore, #tpu.memory_space<semaphore_mem>>) src(%dma_wait3A_57 : memref<100096xf32, #tpu.memory_space<vmem_shared>>) dst(%arg28 : memref<4000xf32, #tpu.memory_space<vmem>>)
      %scan3A_58 = arith.constant 0 : i32
      %scan3A_59 = arith.constant 0 : i32
      %scan3A_60 = arith.constant 31 : i32
      %scan3A_61 = arith.addi %scan3A_59, %scan3A_60 : i32
      %scan3A_62 = arith.constant 1 : i32
      %scan3A_63 = scf.for %scan3A_148 = %scan3A_59 to %scan3A_61 step %scan3A_62 iter_args(%scan3A_149 = %scan3A_58) -> (i32)  : i32 {
        %mul3A_150 = arith.constant 128 : i32
        %mul3A_151 = arith.muli %scan3A_148, %mul3A_150 : i32
        %add3A_152 = arith.constant 0 : i32
        %add3A_153 = arith.addi %mul3A_151, %add3A_152 : i32
        %get3A_154 = arith.index_cast %add3A_153 : i32 to index
        %get3A_155 = tpu.vector_load %arg26[%get3A_154] {strides = array<i32>} : memref<4000xf32, #tpu.memory_space<vmem>>, vector<16xf32>,
        %get3A_156 = vector.shape_cast %get3A_155 : vector<16xf32> to vector<16xf32>
        %get3A_157 = arith.index_cast %add3A_153 : i32 to index
        %get3A_158 = tpu.vector_load %arg28[%get3A_157] {strides = array<i32>} : memref<4000xf32, #tpu.memory_space<vmem>>, vector<16xf32>,
        %get3A_159 = vector.shape_cast %get3A_158 : vector<16xf32> to vector<16xf32>
        %add3A_160 = arith.addf %get3A_156, %get3A_159 : vector<16xf32>
        %ge3A_161 = arith.constant 0.000000e+00 : f32
        %ge3A_162 = vector.broadcast %ge3A_161 : f32 to vector<16xf32>
        %ge3A_163 = arith.cmpf oge, %add3A_160, %ge3A_162 : vector<16xf32>
        %mul3A_164 = arith.constant 2.000000e-01 : f32
        %mul3A_165 = vector.broadcast %mul3A_164 : f32 to vector<16xf32>
        %mul3A_166 = arith.mulf %mul3A_165, %add3A_160 : vector<16xf32>
        %select_n3A_167 = arith.select %ge3A_163, %add3A_160, %mul3A_166 : vector<16xi1>, vector<16xf32>
        %sub3A_168 = arith.subf %select_n3A_167, %get3A_21 : vector<16xf32>
        %exp3A_169 = math.exp %sub3A_168 : vector<16xf32>
        %swap3A_170 = arith.index_cast %add3A_153 : i32 to index
        %swap3A_171 = tpu.vector_load %arg29[%swap3A_170] {strides = array<i32>} : memref<4000xf32, #tpu.memory_space<vmem>>, vector<16xf32>,
        %swap3A_172 = vector.shape_cast %swap3A_171 : vector<16xf32> to vector<16xf32>
        %swap3A_173 = vector.shape_cast %exp3A_169 : vector<16xf32> to vector<16xf32>
        tpu.vector_store %arg29[%swap3A_170], %swap3A_173 {strides = array<i32>} : memref<4000xf32, #tpu.memory_space<vmem>>, vector<16xf32>,
        %get3A_174 = arith.index_cast %add3A_153 : i32 to index
        %get3A_175 = tpu.vector_load %arg27[%get3A_174] {strides = array<i32>} : memref<4000xf32, #tpu.memory_space<vmem>>, vector<16xf32>,
        %get3A_176 = vector.shape_cast %get3A_175 : vector<16xf32> to vector<16xf32>
        %mul3A_177 = arith.mulf %exp3A_169, %get3A_176 : vector<16xf32>
        %swap3A_178 = arith.index_cast %add3A_153 : i32 to index
        %swap3A_179 = tpu.vector_load %arg30[%swap3A_178] {strides = array<i32>} : memref<4000xf32, #tpu.memory_space<vmem>>, vector<16xf32>,
        %swap3A_180 = vector.shape_cast %swap3A_179 : vector<16xf32> to vector<16xf32>
        %swap3A_181 = vector.shape_cast %mul3A_177 : vector<16xf32> to vector<16xf32>
        tpu.vector_store %arg30[%swap3A_178], %swap3A_181 {strides = array<i32>} : memref<4000xf32, #tpu.memory_space<vmem>>, vector<16xf32>,
        %get3A_182 = arith.index_cast %add3A_153 : i32 to index
        %get3A_183 = tpu.vector_load %arg24[%get3A_182] {strides = array<i32>} : memref<4000xi32, #tpu.memory_space<vmem>>, vector<16xi32>,
        %get3A_184 = vector.shape_cast %get3A_183 : vector<16xi32> to vector<16xi32>
        %convert_element_type3A_185 = arith.sitofp %get3A_184 : vector<16xi32> to vector<16xf32>
        %mul3A_186 = arith.constant 9.99999974E-5 : f32
        %mul3A_187 = vector.broadcast %mul3A_186 : f32 to vector<16xf32>
        %mul3A_188 = arith.mulf %convert_element_type3A_185, %mul3A_187 : vector<16xf32>
        %convert_element_type3A_189 = arith.fptosi %mul3A_188 : vector<16xf32> to vector<16xi32>
        %mul3A_190 = arith.constant 240 : i32
        %mul3A_191 = vector.broadcast %mul3A_190 : i32 to vector<16xi32>
        %mul3A_192 = arith.muli %mul3A_191, %convert_element_type3A_189 : vector<16xi32>
        %add3A_193 = arith.addi %get3A_184, %mul3A_192 : vector<16xi32>
        %swap3A_194 = arith.index_cast %add3A_153 : i32 to index
        %swap3A_195 = tpu.vector_load %arg25[%swap3A_194] {strides = array<i32>} : memref<4000xi32, #tpu.memory_space<vmem>>, vector<16xi32>,
        %swap3A_196 = vector.shape_cast %swap3A_195 : vector<16xi32> to vector<16xi32>
        %swap3A_197 = vector.shape_cast %add3A_193 : vector<16xi32> to vector<16xi32>
        tpu.vector_store %arg25[%swap3A_194], %swap3A_197 {strides = array<i32>} : memref<4000xi32, #tpu.memory_space<vmem>>, vector<16xi32>,
        %mul3A_198 = arith.constant 128 : i32
        %mul3A_199 = arith.muli %scan3A_148, %mul3A_198 : i32
        %add3A_200 = arith.constant 16 : i32
        %add3A_201 = arith.addi %mul3A_199, %add3A_200 : i32
        %get3A_202 = arith.index_cast %add3A_201 : i32 to index
        %get3A_203 = tpu.vector_load %arg26[%get3A_202] {strides = array<i32>} : memref<4000xf32, #tpu.memory_space<vmem>>, vector<16xf32>,
        %get3A_204 = vector.shape_cast %get3A_203 : vector<16xf32> to vector<16xf32>
        %get3A_205 = arith.index_cast %add3A_201 : i32 to index
        %get3A_206 = tpu.vector_load %arg28[%get3A_205] {strides = array<i32>} : memref<4000xf32, #tpu.memory_space<vmem>>, vector<16xf32>,
        %get3A_207 = vector.shape_cast %get3A_206 : vector<16xf32> to vector<16xf32>
        %add3A_208 = arith.addf %get3A_204, %get3A_207 : vector<16xf32>
        %ge3A_209 = arith.constant 0.000000e+00 : f32
        %ge3A_210 = vector.broadcast %ge3A_209 : f32 to vector<16xf32>
        %ge3A_211 = arith.cmpf oge, %add3A_208, %ge3A_210 : vector<16xf32>
        %mul3A_212 = arith.constant 2.000000e-01 : f32
        %mul3A_213 = vector.broadcast %mul3A_212 : f32 to vector<16xf32>
        %mul3A_214 = arith.mulf %mul3A_213, %add3A_208 : vector<16xf32>
        %select_n3A_215 = arith.select %ge3A_211, %add3A_208, %mul3A_214 : vector<16xi1>, vector<16xf32>
        %sub3A_216 = arith.subf %select_n3A_215, %get3A_21 : vector<16xf32>
        %exp3A_217 = math.exp %sub3A_216 : vector<16xf32>
        %swap3A_218 = arith.index_cast %add3A_201 : i32 to index
        %swap3A_219 = tpu.vector_load %arg29[%swap3A_218] {strides = array<i32>} : memref<4000xf32, #tpu.memory_space<vmem>>, vector<16xf32>,
        %swap3A_220 = vector.shape_cast %swap3A_219 : vector<16xf32> to vector<16xf32>
        %swap3A_221 = vector.shape_cast %exp3A_217 : vector<16xf32> to vector<16xf32>
        tpu.vector_store %arg29[%swap3A_218], %swap3A_221 {strides = array<i32>} : memref<4000xf32, #tpu.memory_space<vmem>>, vector<16xf32>,
        %get3A_222 = arith.index_cast %add3A_201 : i32 to index
        %get3A_223 = tpu.vector_load %arg27[%get3A_222] {strides = array<i32>} : memref<4000xf32, #tpu.memory_space<vmem>>, vector<16xf32>,
        %get3A_224 = vector.shape_cast %get3A_223 : vector<16xf32> to vector<16xf32>
        %mul3A_225 = arith.mulf %exp3A_217, %get3A_224 : vector<16xf32>
        %swap3A_226 = arith.index_cast %add3A_201 : i32 to index
        %swap3A_227 = tpu.vector_load %arg30[%swap3A_226] {strides = array<i32>} : memref<4000xf32, #tpu.memory_space<vmem>>, vector<16xf32>,
        %swap3A_228 = vector.shape_cast %swap3A_227 : vector<16xf32> to vector<16xf32>
        %swap3A_229 = vector.shape_cast %mul3A_225 : vector<16xf32> to vector<16xf32>
        tpu.vector_store %arg30[%swap3A_226], %swap3A_229 {strides = array<i32>} : memref<4000xf32, #tpu.memory_space<vmem>>, vector<16xf32>,
        %get3A_230 = arith.index_cast %add3A_201 : i32 to index
        %get3A_231 = tpu.vector_load %arg24[%get3A_230] {strides = array<i32>} : memref<4000xi32, #tpu.memory_space<vmem>>, vector<16xi32>,
        %get3A_232 = vector.shape_cast %get3A_231 : vector<16xi32> to vector<16xi32>
        %convert_element_type3A_233 = arith.sitofp %get3A_232 : vector<16xi32> to vector<16xf32>
        %mul3A_234 = arith.constant 9.99999974E-5 : f32
        %mul3A_235 = vector.broadcast %mul3A_234 : f32 to vector<16xf32>
        %mul3A_236 = arith.mulf %convert_element_type3A_233, %mul3A_235 : vector<16xf32>
        %convert_element_type3A_237 = arith.fptosi %mul3A_236 : vector<16xf32> to vector<16xi32>
        %mul3A_238 = arith.constant 240 : i32
        %mul3A_239 = vector.broadcast %mul3A_238 : i32 to vector<16xi32>
        %mul3A_240 = arith.muli %mul3A_239, %convert_element_type3A_237 : vector<16xi32>
        %add3A_241 = arith.addi %get3A_232, %mul3A_240 : vector<16xi32>
        %swap3A_242 = arith.index_cast %add3A_201 : i32 to index
        %swap3A_243 = tpu.vector_load %arg25[%swap3A_242] {strides = array<i32>} : memref<4000xi32, #tpu.memory_space<vmem>>, vector<16xi32>,
        %swap3A_244 = vector.shape_cast %swap3A_243 : vector<16xi32> to vector<16xi32>
        %swap3A_245 = vector.shape_cast %add3A_241 : vector<16xi32> to vector<16xi32>
        tpu.vector_store %arg25[%swap3A_242], %swap3A_245 {strides = array<i32>} : memref<4000xi32, #tpu.memory_space<vmem>>, vector<16xi32>,
        %mul3A_246 = arith.constant 128 : i32
        %mul3A_247 = arith.muli %scan3A_148, %mul3A_246 : i32
        %add3A_248 = arith.constant 32 : i32
        %add3A_249 = arith.addi %mul3A_247, %add3A_248 : i32
        %get3A_250 = arith.index_cast %add3A_249 : i32 to index
        %get3A_251 = tpu.vector_load %arg26[%get3A_250] {strides = array<i32>} : memref<4000xf32, #tpu.memory_space<vmem>>, vector<16xf32>,
        %get3A_252 = vector.shape_cast %get3A_251 : vector<16xf32> to vector<16xf32>
        %get3A_253 = arith.index_cast %add3A_249 : i32 to index
        %get3A_254 = tpu.vector_load %arg28[%get3A_253] {strides = array<i32>} : memref<4000xf32, #tpu.memory_space<vmem>>, vector<16xf32>,
        %get3A_255 = vector.shape_cast %get3A_254 : vector<16xf32> to vector<16xf32>
        %add3A_256 = arith.addf %get3A_252, %get3A_255 : vector<16xf32>
        %ge3A_257 = arith.constant 0.000000e+00 : f32
        %ge3A_258 = vector.broadcast %ge3A_257 : f32 to vector<16xf32>
        %ge3A_259 = arith.cmpf oge, %add3A_256, %ge3A_258 : vector<16xf32>
        %mul3A_260 = arith.constant 2.000000e-01 : f32
        %mul3A_261 = vector.broadcast %mul3A_260 : f32 to vector<16xf32>
        %mul3A_262 = arith.mulf %mul3A_261, %add3A_256 : vector<16xf32>
        %select_n3A_263 = arith.select %ge3A_259, %add3A_256, %mul3A_262 : vector<16xi1>, vector<16xf32>
        %sub3A_264 = arith.subf %select_n3A_263, %get3A_21 : vector<16xf32>
        %exp3A_265 = math.exp %sub3A_264 : vector<16xf32>
        %swap3A_266 = arith.index_cast %add3A_249 : i32 to index
        %swap3A_267 = tpu.vector_load %arg29[%swap3A_266] {strides = array<i32>} : memref<4000xf32, #tpu.memory_space<vmem>>, vector<16xf32>,
        %swap3A_268 = vector.shape_cast %swap3A_267 : vector<16xf32> to vector<16xf32>
        %swap3A_269 = vector.shape_cast %exp3A_265 : vector<16xf32> to vector<16xf32>
        tpu.vector_store %arg29[%swap3A_266], %swap3A_269 {strides = array<i32>} : memref<4000xf32, #tpu.memory_space<vmem>>, vector<16xf32>,
        %get3A_270 = arith.index_cast %add3A_249 : i32 to index
        %get3A_271 = tpu.vector_load %arg27[%get3A_270] {strides = array<i32>} : memref<4000xf32, #tpu.memory_space<vmem>>, vector<16xf32>,
        %get3A_272 = vector.shape_cast %get3A_271 : vector<16xf32> to vector<16xf32>
        %mul3A_273 = arith.mulf %exp3A_265, %get3A_272 : vector<16xf32>
        %swap3A_274 = arith.index_cast %add3A_249 : i32 to index
        %swap3A_275 = tpu.vector_load %arg30[%swap3A_274] {strides = array<i32>} : memref<4000xf32, #tpu.memory_space<vmem>>, vector<16xf32>,
        %swap3A_276 = vector.shape_cast %swap3A_275 : vector<16xf32> to vector<16xf32>
        %swap3A_277 = vector.shape_cast %mul3A_273 : vector<16xf32> to vector<16xf32>
        tpu.vector_store %arg30[%swap3A_274], %swap3A_277 {strides = array<i32>} : memref<4000xf32, #tpu.memory_space<vmem>>, vector<16xf32>,
        %get3A_278 = arith.index_cast %add3A_249 : i32 to index
        %get3A_279 = tpu.vector_load %arg24[%get3A_278] {strides = array<i32>} : memref<4000xi32, #tpu.memory_space<vmem>>, vector<16xi32>,
        %get3A_280 = vector.shape_cast %get3A_279 : vector<16xi32> to vector<16xi32>
        %convert_element_type3A_281 = arith.sitofp %get3A_280 : vector<16xi32> to vector<16xf32>
        %mul3A_282 = arith.constant 9.99999974E-5 : f32
        %mul3A_283 = vector.broadcast %mul3A_282 : f32 to vector<16xf32>
        %mul3A_284 = arith.mulf %convert_element_type3A_281, %mul3A_283 : vector<16xf32>
        %convert_element_type3A_285 = arith.fptosi %mul3A_284 : vector<16xf32> to vector<16xi32>
        %mul3A_286 = arith.constant 240 : i32
        %mul3A_287 = vector.broadcast %mul3A_286 : i32 to vector<16xi32>
        %mul3A_288 = arith.muli %mul3A_287, %convert_element_type3A_285 : vector<16xi32>
        %add3A_289 = arith.addi %get3A_280, %mul3A_288 : vector<16xi32>
        %swap3A_290 = arith.index_cast %add3A_249 : i32 to index
        %swap3A_291 = tpu.vector_load %arg25[%swap3A_290] {strides = array<i32>} : memref<4000xi32, #tpu.memory_space<vmem>>, vector<16xi32>,
        %swap3A_292 = vector.shape_cast %swap3A_291 : vector<16xi32> to vector<16xi32>
        %swap3A_293 = vector.shape_cast %add3A_289 : vector<16xi32> to vector<16xi32>
        tpu.vector_store %arg25[%swap3A_290], %swap3A_293 {strides = array<i32>} : memref<4000xi32, #tpu.memory_space<vmem>>, vector<16xi32>,
        %mul3A_294 = arith.constant 128 : i32
        %mul3A_295 = arith.muli %scan3A_148, %mul3A_294 : i32
        %add3A_296 = arith.constant 48 : i32
        %add3A_297 = arith.addi %mul3A_295, %add3A_296 : i32
        %get3A_298 = arith.index_cast %add3A_297 : i32 to index
        %get3A_299 = tpu.vector_load %arg26[%get3A_298] {strides = array<i32>} : memref<4000xf32, #tpu.memory_space<vmem>>, vector<16xf32>,
        %get3A_300 = vector.shape_cast %get3A_299 : vector<16xf32> to vector<16xf32>
        %get3A_301 = arith.index_cast %add3A_297 : i32 to index
        %get3A_302 = tpu.vector_load %arg28[%get3A_301] {strides = array<i32>} : memref<4000xf32, #tpu.memory_space<vmem>>, vector<16xf32>,
        %get3A_303 = vector.shape_cast %get3A_302 : vector<16xf32> to vector<16xf32>
        %add3A_304 = arith.addf %get3A_300, %get3A_303 : vector<16xf32>
        %ge3A_305 = arith.constant 0.000000e+00 : f32
        %ge3A_306 = vector.broadcast %ge3A_305 : f32 to vector<16xf32>
        %ge3A_307 = arith.cmpf oge, %add3A_304, %ge3A_306 : vector<16xf32>
        %mul3A_308 = arith.constant 2.000000e-01 : f32
        %mul3A_309 = vector.broadcast %mul3A_308 : f32 to vector<16xf32>
        %mul3A_310 = arith.mulf %mul3A_309, %add3A_304 : vector<16xf32>
        %select_n3A_311 = arith.select %ge3A_307, %add3A_304, %mul3A_310 : vector<16xi1>, vector<16xf32>
        %sub3A_312 = arith.subf %select_n3A_311, %get3A_21 : vector<16xf32>
        %exp3A_313 = math.exp %sub3A_312 : vector<16xf32>
        %swap3A_314 = arith.index_cast %add3A_297 : i32 to index
        %swap3A_315 = tpu.vector_load %arg29[%swap3A_314] {strides = array<i32>} : memref<4000xf32, #tpu.memory_space<vmem>>, vector<16xf32>,
        %swap3A_316 = vector.shape_cast %swap3A_315 : vector<16xf32> to vector<16xf32>
        %swap3A_317 = vector.shape_cast %exp3A_313 : vector<16xf32> to vector<16xf32>
        tpu.vector_store %arg29[%swap3A_314], %swap3A_317 {strides = array<i32>} : memref<4000xf32, #tpu.memory_space<vmem>>, vector<16xf32>,
        %get3A_318 = arith.index_cast %add3A_297 : i32 to index
        %get3A_319 = tpu.vector_load %arg27[%get3A_318] {strides = array<i32>} : memref<4000xf32, #tpu.memory_space<vmem>>, vector<16xf32>,
        %get3A_320 = vector.shape_cast %get3A_319 : vector<16xf32> to vector<16xf32>
        %mul3A_321 = arith.mulf %exp3A_313, %get3A_320 : vector<16xf32>
        %swap3A_322 = arith.index_cast %add3A_297 : i32 to index
        %swap3A_323 = tpu.vector_load %arg30[%swap3A_322] {strides = array<i32>} : memref<4000xf32, #tpu.memory_space<vmem>>, vector<16xf32>,
        %swap3A_324 = vector.shape_cast %swap3A_323 : vector<16xf32> to vector<16xf32>
        %swap3A_325 = vector.shape_cast %mul3A_321 : vector<16xf32> to vector<16xf32>
        tpu.vector_store %arg30[%swap3A_322], %swap3A_325 {strides = array<i32>} : memref<4000xf32, #tpu.memory_space<vmem>>, vector<16xf32>,
        %get3A_326 = arith.index_cast %add3A_297 : i32 to index
        %get3A_327 = tpu.vector_load %arg24[%get3A_326] {strides = array<i32>} : memref<4000xi32, #tpu.memory_space<vmem>>, vector<16xi32>,
        %get3A_328 = vector.shape_cast %get3A_327 : vector<16xi32> to vector<16xi32>
        %convert_element_type3A_329 = arith.sitofp %get3A_328 : vector<16xi32> to vector<16xf32>
        %mul3A_330 = arith.constant 9.99999974E-5 : f32
        %mul3A_331 = vector.broadcast %mul3A_330 : f32 to vector<16xf32>
        %mul3A_332 = arith.mulf %convert_element_type3A_329, %mul3A_331 : vector<16xf32>
        %convert_element_type3A_333 = arith.fptosi %mul3A_332 : vector<16xf32> to vector<16xi32>
        %mul3A_334 = arith.constant 240 : i32
        %mul3A_335 = vector.broadcast %mul3A_334 : i32 to vector<16xi32>
        %mul3A_336 = arith.muli %mul3A_335, %convert_element_type3A_333 : vector<16xi32>
        %add3A_337 = arith.addi %get3A_328, %mul3A_336 : vector<16xi32>
        %swap3A_338 = arith.index_cast %add3A_297 : i32 to index
        %swap3A_339 = tpu.vector_load %arg25[%swap3A_338] {strides = array<i32>} : memref<4000xi32, #tpu.memory_space<vmem>>, vector<16xi32>,
        %swap3A_340 = vector.shape_cast %swap3A_339 : vector<16xi32> to vector<16xi32>
        %swap3A_341 = vector.shape_cast %add3A_337 : vector<16xi32> to vector<16xi32>
        tpu.vector_store %arg25[%swap3A_338], %swap3A_341 {strides = array<i32>} : memref<4000xi32, #tpu.memory_space<vmem>>, vector<16xi32>,
        %mul3A_342 = arith.constant 128 : i32
        %mul3A_343 = arith.muli %scan3A_148, %mul3A_342 : i32
        %add3A_344 = arith.constant 64 : i32
        %add3A_345 = arith.addi %mul3A_343, %add3A_344 : i32
        %get3A_346 = arith.index_cast %add3A_345 : i32 to index
        %get3A_347 = tpu.vector_load %arg26[%get3A_346] {strides = array<i32>} : memref<4000xf32, #tpu.memory_space<vmem>>, vector<16xf32>,
        %get3A_348 = vector.shape_cast %get3A_347 : vector<16xf32> to vector<16xf32>
        %get3A_349 = arith.index_cast %add3A_345 : i32 to index
        %get3A_350 = tpu.vector_load %arg28[%get3A_349] {strides = array<i32>} : memref<4000xf32, #tpu.memory_space<vmem>>, vector<16xf32>,
        %get3A_351 = vector.shape_cast %get3A_350 : vector<16xf32> to vector<16xf32>
        %add3A_352 = arith.addf %get3A_348, %get3A_351 : vector<16xf32>
        %ge3A_353 = arith.constant 0.000000e+00 : f32
        %ge3A_354 = vector.broadcast %ge3A_353 : f32 to vector<16xf32>
        %ge3A_355 = arith.cmpf oge, %add3A_352, %ge3A_354 : vector<16xf32>
        %mul3A_356 = arith.constant 2.000000e-01 : f32
        %mul3A_357 = vector.broadcast %mul3A_356 : f32 to vector<16xf32>
        %mul3A_358 = arith.mulf %mul3A_357, %add3A_352 : vector<16xf32>
        %select_n3A_359 = arith.select %ge3A_355, %add3A_352, %mul3A_358 : vector<16xi1>, vector<16xf32>
        %sub3A_360 = arith.subf %select_n3A_359, %get3A_21 : vector<16xf32>
        %exp3A_361 = math.exp %sub3A_360 : vector<16xf32>
        %swap3A_362 = arith.index_cast %add3A_345 : i32 to index
        %swap3A_363 = tpu.vector_load %arg29[%swap3A_362] {strides = array<i32>} : memref<4000xf32, #tpu.memory_space<vmem>>, vector<16xf32>,
        %swap3A_364 = vector.shape_cast %swap3A_363 : vector<16xf32> to vector<16xf32>
        %swap3A_365 = vector.shape_cast %exp3A_361 : vector<16xf32> to vector<16xf32>
        tpu.vector_store %arg29[%swap3A_362], %swap3A_365 {strides = array<i32>} : memref<4000xf32, #tpu.memory_space<vmem>>, vector<16xf32>,
        %get3A_366 = arith.index_cast %add3A_345 : i32 to index
        %get3A_367 = tpu.vector_load %arg27[%get3A_366] {strides = array<i32>} : memref<4000xf32, #tpu.memory_space<vmem>>, vector<16xf32>,
        %get3A_368 = vector.shape_cast %get3A_367 : vector<16xf32> to vector<16xf32>
        %mul3A_369 = arith.mulf %exp3A_361, %get3A_368 : vector<16xf32>
        %swap3A_370 = arith.index_cast %add3A_345 : i32 to index
        %swap3A_371 = tpu.vector_load %arg30[%swap3A_370] {strides = array<i32>} : memref<4000xf32, #tpu.memory_space<vmem>>, vector<16xf32>,
        %swap3A_372 = vector.shape_cast %swap3A_371 : vector<16xf32> to vector<16xf32>
        %swap3A_373 = vector.shape_cast %mul3A_369 : vector<16xf32> to vector<16xf32>
        tpu.vector_store %arg30[%swap3A_370], %swap3A_373 {strides = array<i32>} : memref<4000xf32, #tpu.memory_space<vmem>>, vector<16xf32>,
        %get3A_374 = arith.index_cast %add3A_345 : i32 to index
        %get3A_375 = tpu.vector_load %arg24[%get3A_374] {strides = array<i32>} : memref<4000xi32, #tpu.memory_space<vmem>>, vector<16xi32>,
        %get3A_376 = vector.shape_cast %get3A_375 : vector<16xi32> to vector<16xi32>
        %convert_element_type3A_377 = arith.sitofp %get3A_376 : vector<16xi32> to vector<16xf32>
        %mul3A_378 = arith.constant 9.99999974E-5 : f32
        %mul3A_379 = vector.broadcast %mul3A_378 : f32 to vector<16xf32>
        %mul3A_380 = arith.mulf %convert_element_type3A_377, %mul3A_379 : vector<16xf32>
        %convert_element_type3A_381 = arith.fptosi %mul3A_380 : vector<16xf32> to vector<16xi32>
        %mul3A_382 = arith.constant 240 : i32
        %mul3A_383 = vector.broadcast %mul3A_382 : i32 to vector<16xi32>
        %mul3A_384 = arith.muli %mul3A_383, %convert_element_type3A_381 : vector<16xi32>
        %add3A_385 = arith.addi %get3A_376, %mul3A_384 : vector<16xi32>
        %swap3A_386 = arith.index_cast %add3A_345 : i32 to index
        %swap3A_387 = tpu.vector_load %arg25[%swap3A_386] {strides = array<i32>} : memref<4000xi32, #tpu.memory_space<vmem>>, vector<16xi32>,
        %swap3A_388 = vector.shape_cast %swap3A_387 : vector<16xi32> to vector<16xi32>
        %swap3A_389 = vector.shape_cast %add3A_385 : vector<16xi32> to vector<16xi32>
        tpu.vector_store %arg25[%swap3A_386], %swap3A_389 {strides = array<i32>} : memref<4000xi32, #tpu.memory_space<vmem>>, vector<16xi32>,
        %mul3A_390 = arith.constant 128 : i32
        %mul3A_391 = arith.muli %scan3A_148, %mul3A_390 : i32
        %add3A_392 = arith.constant 80 : i32
        %add3A_393 = arith.addi %mul3A_391, %add3A_392 : i32
        %get3A_394 = arith.index_cast %add3A_393 : i32 to index
        %get3A_395 = tpu.vector_load %arg26[%get3A_394] {strides = array<i32>} : memref<4000xf32, #tpu.memory_space<vmem>>, vector<16xf32>,
        %get3A_396 = vector.shape_cast %get3A_395 : vector<16xf32> to vector<16xf32>
        %get3A_397 = arith.index_cast %add3A_393 : i32 to index
        %get3A_398 = tpu.vector_load %arg28[%get3A_397] {strides = array<i32>} : memref<4000xf32, #tpu.memory_space<vmem>>, vector<16xf32>,
        %get3A_399 = vector.shape_cast %get3A_398 : vector<16xf32> to vector<16xf32>
        %add3A_400 = arith.addf %get3A_396, %get3A_399 : vector<16xf32>
        %ge3A_401 = arith.constant 0.000000e+00 : f32
        %ge3A_402 = vector.broadcast %ge3A_401 : f32 to vector<16xf32>
        %ge3A_403 = arith.cmpf oge, %add3A_400, %ge3A_402 : vector<16xf32>
        %mul3A_404 = arith.constant 2.000000e-01 : f32
        %mul3A_405 = vector.broadcast %mul3A_404 : f32 to vector<16xf32>
        %mul3A_406 = arith.mulf %mul3A_405, %add3A_400 : vector<16xf32>
        %select_n3A_407 = arith.select %ge3A_403, %add3A_400, %mul3A_406 : vector<16xi1>, vector<16xf32>
        %sub3A_408 = arith.subf %select_n3A_407, %get3A_21 : vector<16xf32>
        %exp3A_409 = math.exp %sub3A_408 : vector<16xf32>
        %swap3A_410 = arith.index_cast %add3A_393 : i32 to index
        %swap3A_411 = tpu.vector_load %arg29[%swap3A_410] {strides = array<i32>} : memref<4000xf32, #tpu.memory_space<vmem>>, vector<16xf32>,
        %swap3A_412 = vector.shape_cast %swap3A_411 : vector<16xf32> to vector<16xf32>
        %swap3A_413 = vector.shape_cast %exp3A_409 : vector<16xf32> to vector<16xf32>
        tpu.vector_store %arg29[%swap3A_410], %swap3A_413 {strides = array<i32>} : memref<4000xf32, #tpu.memory_space<vmem>>, vector<16xf32>,
        %get3A_414 = arith.index_cast %add3A_393 : i32 to index
        %get3A_415 = tpu.vector_load %arg27[%get3A_414] {strides = array<i32>} : memref<4000xf32, #tpu.memory_space<vmem>>, vector<16xf32>,
        %get3A_416 = vector.shape_cast %get3A_415 : vector<16xf32> to vector<16xf32>
        %mul3A_417 = arith.mulf %exp3A_409, %get3A_416 : vector<16xf32>
        %swap3A_418 = arith.index_cast %add3A_393 : i32 to index
        %swap3A_419 = tpu.vector_load %arg30[%swap3A_418] {strides = array<i32>} : memref<4000xf32, #tpu.memory_space<vmem>>, vector<16xf32>,
        %swap3A_420 = vector.shape_cast %swap3A_419 : vector<16xf32> to vector<16xf32>
        %swap3A_421 = vector.shape_cast %mul3A_417 : vector<16xf32> to vector<16xf32>
        tpu.vector_store %arg30[%swap3A_418], %swap3A_421 {strides = array<i32>} : memref<4000xf32, #tpu.memory_space<vmem>>, vector<16xf32>,
        %get3A_422 = arith.index_cast %add3A_393 : i32 to index
        %get3A_423 = tpu.vector_load %arg24[%get3A_422] {strides = array<i32>} : memref<4000xi32, #tpu.memory_space<vmem>>, vector<16xi32>,
        %get3A_424 = vector.shape_cast %get3A_423 : vector<16xi32> to vector<16xi32>
        %convert_element_type3A_425 = arith.sitofp %get3A_424 : vector<16xi32> to vector<16xf32>
        %mul3A_426 = arith.constant 9.99999974E-5 : f32
        %mul3A_427 = vector.broadcast %mul3A_426 : f32 to vector<16xf32>
        %mul3A_428 = arith.mulf %convert_element_type3A_425, %mul3A_427 : vector<16xf32>
        %convert_element_type3A_429 = arith.fptosi %mul3A_428 : vector<16xf32> to vector<16xi32>
        %mul3A_430 = arith.constant 240 : i32
        %mul3A_431 = vector.broadcast %mul3A_430 : i32 to vector<16xi32>
        %mul3A_432 = arith.muli %mul3A_431, %convert_element_type3A_429 : vector<16xi32>
        %add3A_433 = arith.addi %get3A_424, %mul3A_432 : vector<16xi32>
        %swap3A_434 = arith.index_cast %add3A_393 : i32 to index
        %swap3A_435 = tpu.vector_load %arg25[%swap3A_434] {strides = array<i32>} : memref<4000xi32, #tpu.memory_space<vmem>>, vector<16xi32>,
        %swap3A_436 = vector.shape_cast %swap3A_435 : vector<16xi32> to vector<16xi32>
        %swap3A_437 = vector.shape_cast %add3A_433 : vector<16xi32> to vector<16xi32>
        tpu.vector_store %arg25[%swap3A_434], %swap3A_437 {strides = array<i32>} : memref<4000xi32, #tpu.memory_space<vmem>>, vector<16xi32>,
        %mul3A_438 = arith.constant 128 : i32
        %mul3A_439 = arith.muli %scan3A_148, %mul3A_438 : i32
        %add3A_440 = arith.constant 96 : i32
        %add3A_441 = arith.addi %mul3A_439, %add3A_440 : i32
        %get3A_442 = arith.index_cast %add3A_441 : i32 to index
        %get3A_443 = tpu.vector_load %arg26[%get3A_442] {strides = array<i32>} : memref<4000xf32, #tpu.memory_space<vmem>>, vector<16xf32>,
        %get3A_444 = vector.shape_cast %get3A_443 : vector<16xf32> to vector<16xf32>
        %get3A_445 = arith.index_cast %add3A_441 : i32 to index
        %get3A_446 = tpu.vector_load %arg28[%get3A_445] {strides = array<i32>} : memref<4000xf32, #tpu.memory_space<vmem>>, vector<16xf32>,
        %get3A_447 = vector.shape_cast %get3A_446 : vector<16xf32> to vector<16xf32>
        %add3A_448 = arith.addf %get3A_444, %get3A_447 : vector<16xf32>
        %ge3A_449 = arith.constant 0.000000e+00 : f32
        %ge3A_450 = vector.broadcast %ge3A_449 : f32 to vector<16xf32>
        %ge3A_451 = arith.cmpf oge, %add3A_448, %ge3A_450 : vector<16xf32>
        %mul3A_452 = arith.constant 2.000000e-01 : f32
        %mul3A_453 = vector.broadcast %mul3A_452 : f32 to vector<16xf32>
        %mul3A_454 = arith.mulf %mul3A_453, %add3A_448 : vector<16xf32>
        %select_n3A_455 = arith.select %ge3A_451, %add3A_448, %mul3A_454 : vector<16xi1>, vector<16xf32>
        %sub3A_456 = arith.subf %select_n3A_455, %get3A_21 : vector<16xf32>
        %exp3A_457 = math.exp %sub3A_456 : vector<16xf32>
        %swap3A_458 = arith.index_cast %add3A_441 : i32 to index
        %swap3A_459 = tpu.vector_load %arg29[%swap3A_458] {strides = array<i32>} : memref<4000xf32, #tpu.memory_space<vmem>>, vector<16xf32>,
        %swap3A_460 = vector.shape_cast %swap3A_459 : vector<16xf32> to vector<16xf32>
        %swap3A_461 = vector.shape_cast %exp3A_457 : vector<16xf32> to vector<16xf32>
        tpu.vector_store %arg29[%swap3A_458], %swap3A_461 {strides = array<i32>} : memref<4000xf32, #tpu.memory_space<vmem>>, vector<16xf32>,
        %get3A_462 = arith.index_cast %add3A_441 : i32 to index
        %get3A_463 = tpu.vector_load %arg27[%get3A_462] {strides = array<i32>} : memref<4000xf32, #tpu.memory_space<vmem>>, vector<16xf32>,
        %get3A_464 = vector.shape_cast %get3A_463 : vector<16xf32> to vector<16xf32>
        %mul3A_465 = arith.mulf %exp3A_457, %get3A_464 : vector<16xf32>
        %swap3A_466 = arith.index_cast %add3A_441 : i32 to index
        %swap3A_467 = tpu.vector_load %arg30[%swap3A_466] {strides = array<i32>} : memref<4000xf32, #tpu.memory_space<vmem>>, vector<16xf32>,
        %swap3A_468 = vector.shape_cast %swap3A_467 : vector<16xf32> to vector<16xf32>
        %swap3A_469 = vector.shape_cast %mul3A_465 : vector<16xf32> to vector<16xf32>
        tpu.vector_store %arg30[%swap3A_466], %swap3A_469 {strides = array<i32>} : memref<4000xf32, #tpu.memory_space<vmem>>, vector<16xf32>,
        %get3A_470 = arith.index_cast %add3A_441 : i32 to index
        %get3A_471 = tpu.vector_load %arg24[%get3A_470] {strides = array<i32>} : memref<4000xi32, #tpu.memory_space<vmem>>, vector<16xi32>,
        %get3A_472 = vector.shape_cast %get3A_471 : vector<16xi32> to vector<16xi32>
        %convert_element_type3A_473 = arith.sitofp %get3A_472 : vector<16xi32> to vector<16xf32>
        %mul3A_474 = arith.constant 9.99999974E-5 : f32
        %mul3A_475 = vector.broadcast %mul3A_474 : f32 to vector<16xf32>
        %mul3A_476 = arith.mulf %convert_element_type3A_473, %mul3A_475 : vector<16xf32>
        %convert_element_type3A_477 = arith.fptosi %mul3A_476 : vector<16xf32> to vector<16xi32>
        %mul3A_478 = arith.constant 240 : i32
        %mul3A_479 = vector.broadcast %mul3A_478 : i32 to vector<16xi32>
        %mul3A_480 = arith.muli %mul3A_479, %convert_element_type3A_477 : vector<16xi32>
        %add3A_481 = arith.addi %get3A_472, %mul3A_480 : vector<16xi32>
        %swap3A_482 = arith.index_cast %add3A_441 : i32 to index
        %swap3A_483 = tpu.vector_load %arg25[%swap3A_482] {strides = array<i32>} : memref<4000xi32, #tpu.memory_space<vmem>>, vector<16xi32>,
        %swap3A_484 = vector.shape_cast %swap3A_483 : vector<16xi32> to vector<16xi32>
        %swap3A_485 = vector.shape_cast %add3A_481 : vector<16xi32> to vector<16xi32>
        tpu.vector_store %arg25[%swap3A_482], %swap3A_485 {strides = array<i32>} : memref<4000xi32, #tpu.memory_space<vmem>>, vector<16xi32>,
        %mul3A_486 = arith.constant 128 : i32
        %mul3A_487 = arith.muli %scan3A_148, %mul3A_486 : i32
        %add3A_488 = arith.constant 112 : i32
        %add3A_489 = arith.addi %mul3A_487, %add3A_488 : i32
        %get3A_490 = arith.index_cast %add3A_489 : i32 to index
        %get3A_491 = tpu.vector_load %arg26[%get3A_490] {strides = array<i32>} : memref<4000xf32, #tpu.memory_space<vmem>>, vector<16xf32>,
        %get3A_492 = vector.shape_cast %get3A_491 : vector<16xf32> to vector<16xf32>
        %get3A_493 = arith.index_cast %add3A_489 : i32 to index
        %get3A_494 = tpu.vector_load %arg28[%get3A_493] {strides = array<i32>} : memref<4000xf32, #tpu.memory_space<vmem>>, vector<16xf32>,
        %get3A_495 = vector.shape_cast %get3A_494 : vector<16xf32> to vector<16xf32>
        %add3A_496 = arith.addf %get3A_492, %get3A_495 : vector<16xf32>
        %ge3A_497 = arith.constant 0.000000e+00 : f32
        %ge3A_498 = vector.broadcast %ge3A_497 : f32 to vector<16xf32>
        %ge3A_499 = arith.cmpf oge, %add3A_496, %ge3A_498 : vector<16xf32>
        %mul3A_500 = arith.constant 2.000000e-01 : f32
        %mul3A_501 = vector.broadcast %mul3A_500 : f32 to vector<16xf32>
        %mul3A_502 = arith.mulf %mul3A_501, %add3A_496 : vector<16xf32>
        %select_n3A_503 = arith.select %ge3A_499, %add3A_496, %mul3A_502 : vector<16xi1>, vector<16xf32>
        %sub3A_504 = arith.subf %select_n3A_503, %get3A_21 : vector<16xf32>
        %exp3A_505 = math.exp %sub3A_504 : vector<16xf32>
        %swap3A_506 = arith.index_cast %add3A_489 : i32 to index
        %swap3A_507 = tpu.vector_load %arg29[%swap3A_506] {strides = array<i32>} : memref<4000xf32, #tpu.memory_space<vmem>>, vector<16xf32>,
        %swap3A_508 = vector.shape_cast %swap3A_507 : vector<16xf32> to vector<16xf32>
        %swap3A_509 = vector.shape_cast %exp3A_505 : vector<16xf32> to vector<16xf32>
        tpu.vector_store %arg29[%swap3A_506], %swap3A_509 {strides = array<i32>} : memref<4000xf32, #tpu.memory_space<vmem>>, vector<16xf32>,
        %get3A_510 = arith.index_cast %add3A_489 : i32 to index
        %get3A_511 = tpu.vector_load %arg27[%get3A_510] {strides = array<i32>} : memref<4000xf32, #tpu.memory_space<vmem>>, vector<16xf32>,
        %get3A_512 = vector.shape_cast %get3A_511 : vector<16xf32> to vector<16xf32>
        %mul3A_513 = arith.mulf %exp3A_505, %get3A_512 : vector<16xf32>
        %swap3A_514 = arith.index_cast %add3A_489 : i32 to index
        %swap3A_515 = tpu.vector_load %arg30[%swap3A_514] {strides = array<i32>} : memref<4000xf32, #tpu.memory_space<vmem>>, vector<16xf32>,
        %swap3A_516 = vector.shape_cast %swap3A_515 : vector<16xf32> to vector<16xf32>
        %swap3A_517 = vector.shape_cast %mul3A_513 : vector<16xf32> to vector<16xf32>
        tpu.vector_store %arg30[%swap3A_514], %swap3A_517 {strides = array<i32>} : memref<4000xf32, #tpu.memory_space<vmem>>, vector<16xf32>,
        %get3A_518 = arith.index_cast %add3A_489 : i32 to index
        %get3A_519 = tpu.vector_load %arg24[%get3A_518] {strides = array<i32>} : memref<4000xi32, #tpu.memory_space<vmem>>, vector<16xi32>,
        %get3A_520 = vector.shape_cast %get3A_519 : vector<16xi32> to vector<16xi32>
        %convert_element_type3A_521 = arith.sitofp %get3A_520 : vector<16xi32> to vector<16xf32>
        %mul3A_522 = arith.constant 9.99999974E-5 : f32
        %mul3A_523 = vector.broadcast %mul3A_522 : f32 to vector<16xf32>
        %mul3A_524 = arith.mulf %convert_element_type3A_521, %mul3A_523 : vector<16xf32>
        %convert_element_type3A_525 = arith.fptosi %mul3A_524 : vector<16xf32> to vector<16xi32>
        %mul3A_526 = arith.constant 240 : i32
        %mul3A_527 = vector.broadcast %mul3A_526 : i32 to vector<16xi32>
        %mul3A_528 = arith.muli %mul3A_527, %convert_element_type3A_525 : vector<16xi32>
        %add3A_529 = arith.addi %get3A_520, %mul3A_528 : vector<16xi32>
        %swap3A_530 = arith.index_cast %add3A_489 : i32 to index
        %swap3A_531 = tpu.vector_load %arg25[%swap3A_530] {strides = array<i32>} : memref<4000xi32, #tpu.memory_space<vmem>>, vector<16xi32>,
        %swap3A_532 = vector.shape_cast %swap3A_531 : vector<16xi32> to vector<16xi32>
        %swap3A_533 = vector.shape_cast %add3A_529 : vector<16xi32> to vector<16xi32>
        tpu.vector_store %arg25[%swap3A_530], %swap3A_533 {strides = array<i32>} : memref<4000xi32, #tpu.memory_space<vmem>>, vector<16xi32>,
        %scan3A_534 = arith.constant 0 : i32
        scf.yield %scan3A_534 : i32
      }
      %scan3A_64 = arith.constant 31 : i32
      %get3A_65 = arith.constant 3968 : index
      %get3A_66 = tpu.vector_load %arg26[%get3A_65] {strides = array<i32>} : memref<4000xf32, #tpu.memory_space<vmem>>, vector<16xf32>,
      %get3A_67 = vector.shape_cast %get3A_66 : vector<16xf32> to vector<16xf32>
      %get3A_68 = arith.constant 3968 : index
      %get3A_69 = tpu.vector_load %arg28[%get3A_68] {strides = array<i32>} : memref<4000xf32, #tpu.memory_space<vmem>>, vector<16xf32>,
      %get3A_70 = vector.shape_cast %get3A_69 : vector<16xf32> to vector<16xf32>
      %add3A_71 = arith.addf %get3A_67, %get3A_70 : vector<16xf32>
      %ge3A = arith.constant 0.000000e+00 : f32
      %ge3A_72 = vector.broadcast %ge3A : f32 to vector<16xf32>
      %ge3A_73 = arith.cmpf oge, %add3A_71, %ge3A_72 : vector<16xf32>
      %mul3A_74 = arith.constant 2.000000e-01 : f32
      %mul3A_75 = vector.broadcast %mul3A_74 : f32 to vector<16xf32>
      %mul3A_76 = arith.mulf %mul3A_75, %add3A_71 : vector<16xf32>
      %select_n3A = arith.select %ge3A_73, %add3A_71, %mul3A_76 : vector<16xi1>, vector<16xf32>
      %sub3A = arith.subf %select_n3A, %get3A_21 : vector<16xf32>
      %exp3A = math.exp %sub3A : vector<16xf32>
      %swap3A = arith.constant 3968 : index
      %swap3A_77 = tpu.vector_load %arg29[%swap3A] {strides = array<i32>} : memref<4000xf32, #tpu.memory_space<vmem>>, vector<16xf32>,
      %swap3A_78 = vector.shape_cast %swap3A_77 : vector<16xf32> to vector<16xf32>
      %swap3A_79 = vector.shape_cast %exp3A : vector<16xf32> to vector<16xf32>
      tpu.vector_store %arg29[%swap3A], %swap3A_79 {strides = array<i32>} : memref<4000xf32, #tpu.memory_space<vmem>>, vector<16xf32>,
      %get3A_80 = arith.constant 3968 : index
      %get3A_81 = tpu.vector_load %arg27[%get3A_80] {strides = array<i32>} : memref<4000xf32, #tpu.memory_space<vmem>>, vector<16xf32>,
      %get3A_82 = vector.shape_cast %get3A_81 : vector<16xf32> to vector<16xf32>
      %mul3A_83 = arith.mulf %exp3A, %get3A_82 : vector<16xf32>
      %swap3A_84 = arith.constant 3968 : index
      %swap3A_85 = tpu.vector_load %arg30[%swap3A_84] {strides = array<i32>} : memref<4000xf32, #tpu.memory_space<vmem>>, vector<16xf32>,
      %swap3A_86 = vector.shape_cast %swap3A_85 : vector<16xf32> to vector<16xf32>
      %swap3A_87 = vector.shape_cast %mul3A_83 : vector<16xf32> to vector<16xf32>
      tpu.vector_store %arg30[%swap3A_84], %swap3A_87 {strides = array<i32>} : memref<4000xf32, #tpu.memory_space<vmem>>, vector<16xf32>,
      %get3A_88 = arith.constant 3968 : index
      %get3A_89 = tpu.vector_load %arg24[%get3A_88] {strides = array<i32>} : memref<4000xi32, #tpu.memory_space<vmem>>, vector<16xi32>,
      %get3A_90 = vector.shape_cast %get3A_89 : vector<16xi32> to vector<16xi32>
      %convert_element_type3A = arith.sitofp %get3A_90 : vector<16xi32> to vector<16xf32>
      %mul3A_91 = arith.constant 9.99999974E-5 : f32
      %mul3A_92 = vector.broadcast %mul3A_91 : f32 to vector<16xf32>
      %mul3A_93 = arith.mulf %convert_element_type3A, %mul3A_92 : vector<16xf32>
      %convert_element_type3A_94 = arith.fptosi %mul3A_93 : vector<16xf32> to vector<16xi32>
      %mul3A_95 = arith.constant 240 : i32
      %mul3A_96 = vector.broadcast %mul3A_95 : i32 to vector<16xi32>
      %mul3A_97 = arith.muli %mul3A_96, %convert_element_type3A_94 : vector<16xi32>
      %add3A_98 = arith.addi %get3A_90, %mul3A_97 : vector<16xi32>
      %swap3A_99 = arith.constant 3968 : index
      %swap3A_100 = tpu.vector_load %arg25[%swap3A_99] {strides = array<i32>} : memref<4000xi32, #tpu.memory_space<vmem>>, vector<16xi32>,
      %swap3A_101 = vector.shape_cast %swap3A_100 : vector<16xi32> to vector<16xi32>
      %swap3A_102 = vector.shape_cast %add3A_98 : vector<16xi32> to vector<16xi32>
      tpu.vector_store %arg25[%swap3A_99], %swap3A_102 {strides = array<i32>} : memref<4000xi32, #tpu.memory_space<vmem>>, vector<16xi32>,
      %get3A_103 = arith.constant 3984 : index
      %get3A_104 = tpu.vector_load %arg26[%get3A_103] {strides = array<i32>} : memref<4000xf32, #tpu.memory_space<vmem>>, vector<16xf32>,
      %get3A_105 = vector.shape_cast %get3A_104 : vector<16xf32> to vector<16xf32>
      %get3A_106 = arith.constant 3984 : index
      %get3A_107 = tpu.vector_load %arg28[%get3A_106] {strides = array<i32>} : memref<4000xf32, #tpu.memory_space<vmem>>, vector<16xf32>,
      %get3A_108 = vector.shape_cast %get3A_107 : vector<16xf32> to vector<16xf32>
      %add3A_109 = arith.addf %get3A_105, %get3A_108 : vector<16xf32>
      %ge3A_110 = arith.constant 0.000000e+00 : f32
      %ge3A_111 = vector.broadcast %ge3A_110 : f32 to vector<16xf32>
      %ge3A_112 = arith.cmpf oge, %add3A_109, %ge3A_111 : vector<16xf32>
      %mul3A_113 = arith.constant 2.000000e-01 : f32
      %mul3A_114 = vector.broadcast %mul3A_113 : f32 to vector<16xf32>
      %mul3A_115 = arith.mulf %mul3A_114, %add3A_109 : vector<16xf32>
      %select_n3A_116 = arith.select %ge3A_112, %add3A_109, %mul3A_115 : vector<16xi1>, vector<16xf32>
      %sub3A_117 = arith.subf %select_n3A_116, %get3A_21 : vector<16xf32>
      %exp3A_118 = math.exp %sub3A_117 : vector<16xf32>
      %swap3A_119 = arith.constant 3984 : index
      %swap3A_120 = tpu.vector_load %arg29[%swap3A_119] {strides = array<i32>} : memref<4000xf32, #tpu.memory_space<vmem>>, vector<16xf32>,
      %swap3A_121 = vector.shape_cast %swap3A_120 : vector<16xf32> to vector<16xf32>
      %swap3A_122 = vector.shape_cast %exp3A_118 : vector<16xf32> to vector<16xf32>
      tpu.vector_store %arg29[%swap3A_119], %swap3A_122 {strides = array<i32>} : memref<4000xf32, #tpu.memory_space<vmem>>, vector<16xf32>,
      %get3A_123 = arith.constant 3984 : index
      %get3A_124 = tpu.vector_load %arg27[%get3A_123] {strides = array<i32>} : memref<4000xf32, #tpu.memory_space<vmem>>, vector<16xf32>,
      %get3A_125 = vector.shape_cast %get3A_124 : vector<16xf32> to vector<16xf32>
      %mul3A_126 = arith.mulf %exp3A_118, %get3A_125 : vector<16xf32>
      %swap3A_127 = arith.constant 3984 : index
      %swap3A_128 = tpu.vector_load %arg30[%swap3A_127] {strides = array<i32>} : memref<4000xf32, #tpu.memory_space<vmem>>, vector<16xf32>,
      %swap3A_129 = vector.shape_cast %swap3A_128 : vector<16xf32> to vector<16xf32>
      %swap3A_130 = vector.shape_cast %mul3A_126 : vector<16xf32> to vector<16xf32>
      tpu.vector_store %arg30[%swap3A_127], %swap3A_130 {strides = array<i32>} : memref<4000xf32, #tpu.memory_space<vmem>>, vector<16xf32>,
      %get3A_131 = arith.constant 3984 : index
      %get3A_132 = tpu.vector_load %arg24[%get3A_131] {strides = array<i32>} : memref<4000xi32, #tpu.memory_space<vmem>>, vector<16xi32>,
      %get3A_133 = vector.shape_cast %get3A_132 : vector<16xi32> to vector<16xi32>
      %convert_element_type3A_134 = arith.sitofp %get3A_133 : vector<16xi32> to vector<16xf32>
      %mul3A_135 = arith.constant 9.99999974E-5 : f32
      %mul3A_136 = vector.broadcast %mul3A_135 : f32 to vector<16xf32>
      %mul3A_137 = arith.mulf %convert_element_type3A_134, %mul3A_136 : vector<16xf32>
      %convert_element_type3A_138 = arith.fptosi %mul3A_137 : vector<16xf32> to vector<16xi32>
      %mul3A_139 = arith.constant 240 : i32
      %mul3A_140 = vector.broadcast %mul3A_139 : i32 to vector<16xi32>
      %mul3A_141 = arith.muli %mul3A_140, %convert_element_type3A_138 : vector<16xi32>
      %add3A_142 = arith.addi %get3A_133, %mul3A_141 : vector<16xi32>
      %swap3A_143 = arith.constant 3984 : index
      %swap3A_144 = tpu.vector_load %arg25[%swap3A_143] {strides = array<i32>} : memref<4000xi32, #tpu.memory_space<vmem>>, vector<16xi32>,
      %swap3A_145 = vector.shape_cast %swap3A_144 : vector<16xi32> to vector<16xi32>
      %swap3A_146 = vector.shape_cast %add3A_142 : vector<16xi32> to vector<16xi32>
      tpu.vector_store %arg25[%swap3A_143], %swap3A_146 {strides = array<i32>} : memref<4000xi32, #tpu.memory_space<vmem>>, vector<16xi32>,
      "tpu.region"() ({
        %run_scoped3A = tpu.sem_alloc : memref<!tpu.dma_semaphore, #tpu.memory_space<semaphore_mem>>
        %dma_start3A_148 = arith.constant 0 : i32
        %dma_start3A_149 = tpu.memref_slice %arg21[%dma_start3A_148] : memref<102400xf32, #tpu.memory_space<vmem_shared>> -> memref<102400xf32, #tpu.memory_space<vmem_shared>>
        tpu.enqueue_indirect_dma source(%arg29 : memref<4000xf32, #tpu.memory_space<vmem>>) target(%dma_start3A_149 : memref<102400xf32, #tpu.memory_space<vmem_shared>>) offsets(%arg25 : memref<4000xi32, #tpu.memory_space<vmem>>) semaphore(%run_scoped3A : memref<!tpu.dma_semaphore, #tpu.memory_space<semaphore_mem>>) {add = true}
        %dma_wait3A_150 = arith.constant 0 : i32
        %dma_wait3A_151 = tpu.memref_slice %arg21[%dma_wait3A_150] : memref<102400xf32, #tpu.memory_space<vmem_shared>> -> memref<102400xf32, #tpu.memory_space<vmem_shared>>
        tpu.wait_indirect_dma semaphore(%run_scoped3A : memref<!tpu.dma_semaphore, #tpu.memory_space<semaphore_mem>>) src(%arg29 : memref<4000xf32, #tpu.memory_space<vmem>>) dst(%dma_wait3A_151 : memref<102400xf32, #tpu.memory_space<vmem_shared>>)
        tpu.yield
      }) : () -> ()
      "tpu.region"() ({
        %run_scoped3A = tpu.sem_alloc : memref<!tpu.dma_semaphore, #tpu.memory_space<semaphore_mem>>
        %dma_start3A_148 = arith.constant 0 : i32
        %dma_start3A_149 = tpu.memref_slice %arg22[%dma_start3A_148] : memref<102400xf32, #tpu.memory_space<vmem_shared>> -> memref<102400xf32, #tpu.memory_space<vmem_shared>>
        tpu.enqueue_indirect_dma source(%arg30 : memref<4000xf32, #tpu.memory_space<vmem>>) target(%dma_start3A_149 : memref<102400xf32, #tpu.memory_space<vmem_shared>>) offsets(%arg25 : memref<4000xi32, #tpu.memory_space<vmem>>) semaphore(%run_scoped3A : memref<!tpu.dma_semaphore, #tpu.memory_space<semaphore_mem>>) {add = true}
        %dma_wait3A_150 = arith.constant 0 : i32
        %dma_wait3A_151 = tpu.memref_slice %arg22[%dma_wait3A_150] : memref<102400xf32, #tpu.memory_space<vmem_shared>> -> memref<102400xf32, #tpu.memory_space<vmem_shared>>
        tpu.wait_indirect_dma semaphore(%run_scoped3A : memref<!tpu.dma_semaphore, #tpu.memory_space<semaphore_mem>>) src(%arg30 : memref<4000xf32, #tpu.memory_space<vmem>>) dst(%dma_wait3A_151 : memref<102400xf32, #tpu.memory_space<vmem_shared>>)
        tpu.yield
      }) : () -> ()
      %scan3A_147 = arith.constant 0 : i32
      scf.yield %scan3A_147 : i32
    }
    %scan3A_34 = arith.constant 25 : i32
    %barrier3A_35 = arith.constant 0 : index
    tpu.barrier barrier_id(%barrier3A_35)
    %mul3A_36 = arith.constant 102400 : i32
    %mul3A_37 = arith.muli %arg0, %mul3A_36 : i32
    %add3A_38 = arith.addi %mul3A_37, %mul3A_4 : i32
    "tpu.region"() ({
      %run_scoped3A = tpu.sem_alloc : memref<!tpu.dma_semaphore, #tpu.memory_space<semaphore_mem>>
      %dma_start3A = tpu.memref_slice %arg19[%mul3A_4] : memref<102400xf32, #tpu.memory_space<vmem_shared>> -> memref<6400xf32, #tpu.memory_space<vmem_shared>>
      %dma_start3A_39 = tpu.memref_slice %arg19[%mul3A_4] : memref<102400xf32, #tpu.memory_space<vmem_shared>> -> memref<6400xf32, #tpu.memory_space<vmem_shared>>
      tpu.enqueue_dma source(%dma_start3A_39 : memref<6400xf32, #tpu.memory_space<vmem_shared>>) target(%arg33 : memref<6400xf32, #tpu.memory_space<vmem>>) target_semaphore(%run_scoped3A : memref<!tpu.dma_semaphore, #tpu.memory_space<semaphore_mem>>)
      %dma_wait3A = tpu.memref_slice %arg19[%mul3A_4] : memref<102400xf32, #tpu.memory_space<vmem_shared>> -> memref<6400xf32, #tpu.memory_space<vmem_shared>>
      %dma_wait3A_40 = tpu.memref_slice %arg19[%mul3A_4] : memref<102400xf32, #tpu.memory_space<vmem_shared>> -> memref<6400xf32, #tpu.memory_space<vmem_shared>>
      tpu.wait_dma2 semaphore(%run_scoped3A : memref<!tpu.dma_semaphore, #tpu.memory_space<semaphore_mem>>) src(%dma_wait3A_40 : memref<6400xf32, #tpu.memory_space<vmem_shared>>) dst(%arg33 : memref<6400xf32, #tpu.memory_space<vmem>>)
      tpu.yield
    }) : () -> ()
    "tpu.region"() ({
      %run_scoped3A = tpu.sem_alloc : memref<!tpu.dma_semaphore, #tpu.memory_space<semaphore_mem>>
      %dma_start3A = tpu.memref_slice %arg9[%add3A_38] : memref<204800xf32, #tpu.memory_space<hbm>> -> memref<6400xf32, #tpu.memory_space<hbm>>
      %dma_start3A_39 = tpu.memref_slice %arg9[%add3A_38] : memref<204800xf32, #tpu.memory_space<hbm>> -> memref<6400xf32, #tpu.memory_space<hbm>>
      tpu.enqueue_dma source(%arg33 : memref<6400xf32, #tpu.memory_space<vmem>>) target(%dma_start3A_39 : memref<6400xf32, #tpu.memory_space<hbm>>) target_semaphore(%run_scoped3A : memref<!tpu.dma_semaphore, #tpu.memory_space<semaphore_mem>>)
      %dma_wait3A = tpu.memref_slice %arg9[%add3A_38] : memref<204800xf32, #tpu.memory_space<hbm>> -> memref<6400xf32, #tpu.memory_space<hbm>>
      %dma_wait3A_40 = tpu.memref_slice %arg9[%add3A_38] : memref<204800xf32, #tpu.memory_space<hbm>> -> memref<6400xf32, #tpu.memory_space<hbm>>
      tpu.wait_dma2 semaphore(%run_scoped3A : memref<!tpu.dma_semaphore, #tpu.memory_space<semaphore_mem>>) src(%arg33 : memref<6400xf32, #tpu.memory_space<vmem>>) dst(%dma_wait3A_40 : memref<6400xf32, #tpu.memory_space<hbm>>)
      tpu.yield
    }) : () -> ()
    "tpu.region"() ({
      %run_scoped3A = tpu.sem_alloc : memref<!tpu.dma_semaphore, #tpu.memory_space<semaphore_mem>>
      %dma_start3A = tpu.memref_slice %arg20[%mul3A_4] : memref<102400xf32, #tpu.memory_space<vmem_shared>> -> memref<6400xf32, #tpu.memory_space<vmem_shared>>
      %dma_start3A_39 = tpu.memref_slice %arg20[%mul3A_4] : memref<102400xf32, #tpu.memory_space<vmem_shared>> -> memref<6400xf32, #tpu.memory_space<vmem_shared>>
      tpu.enqueue_dma source(%dma_start3A_39 : memref<6400xf32, #tpu.memory_space<vmem_shared>>) target(%arg33 : memref<6400xf32, #tpu.memory_space<vmem>>) target_semaphore(%run_scoped3A : memref<!tpu.dma_semaphore, #tpu.memory_space<semaphore_mem>>)
      %dma_wait3A = tpu.memref_slice %arg20[%mul3A_4] : memref<102400xf32, #tpu.memory_space<vmem_shared>> -> memref<6400xf32, #tpu.memory_space<vmem_shared>>
      %dma_wait3A_40 = tpu.memref_slice %arg20[%mul3A_4] : memref<102400xf32, #tpu.memory_space<vmem_shared>> -> memref<6400xf32, #tpu.memory_space<vmem_shared>>
      tpu.wait_dma2 semaphore(%run_scoped3A : memref<!tpu.dma_semaphore, #tpu.memory_space<semaphore_mem>>) src(%dma_wait3A_40 : memref<6400xf32, #tpu.memory_space<vmem_shared>>) dst(%arg33 : memref<6400xf32, #tpu.memory_space<vmem>>)
      tpu.yield
    }) : () -> ()
    "tpu.region"() ({
      %run_scoped3A = tpu.sem_alloc : memref<!tpu.dma_semaphore, #tpu.memory_space<semaphore_mem>>
      %dma_start3A = tpu.memref_slice %arg10[%add3A_38] : memref<204800xf32, #tpu.memory_space<hbm>> -> memref<6400xf32, #tpu.memory_space<hbm>>
      %dma_start3A_39 = tpu.memref_slice %arg10[%add3A_38] : memref<204800xf32, #tpu.memory_space<hbm>> -> memref<6400xf32, #tpu.memory_space<hbm>>
      tpu.enqueue_dma source(%arg33 : memref<6400xf32, #tpu.memory_space<vmem>>) target(%dma_start3A_39 : memref<6400xf32, #tpu.memory_space<hbm>>) target_semaphore(%run_scoped3A : memref<!tpu.dma_semaphore, #tpu.memory_space<semaphore_mem>>)
      %dma_wait3A = tpu.memref_slice %arg10[%add3A_38] : memref<204800xf32, #tpu.memory_space<hbm>> -> memref<6400xf32, #tpu.memory_space<hbm>>
      %dma_wait3A_40 = tpu.memref_slice %arg10[%add3A_38] : memref<204800xf32, #tpu.memory_space<hbm>> -> memref<6400xf32, #tpu.memory_space<hbm>>
      tpu.wait_dma2 semaphore(%run_scoped3A : memref<!tpu.dma_semaphore, #tpu.memory_space<semaphore_mem>>) src(%arg33 : memref<6400xf32, #tpu.memory_space<vmem>>) dst(%dma_wait3A_40 : memref<6400xf32, #tpu.memory_space<hbm>>)
      tpu.yield
    }) : () -> ()
    "tpu.region"() ({
      %run_scoped3A = tpu.sem_alloc : memref<!tpu.dma_semaphore, #tpu.memory_space<semaphore_mem>>
      %dma_start3A = tpu.memref_slice %arg21[%mul3A_4] : memref<102400xf32, #tpu.memory_space<vmem_shared>> -> memref<6400xf32, #tpu.memory_space<vmem_shared>>
      %dma_start3A_39 = tpu.memref_slice %arg21[%mul3A_4] : memref<102400xf32, #tpu.memory_space<vmem_shared>> -> memref<6400xf32, #tpu.memory_space<vmem_shared>>
      tpu.enqueue_dma source(%dma_start3A_39 : memref<6400xf32, #tpu.memory_space<vmem_shared>>) target(%arg33 : memref<6400xf32, #tpu.memory_space<vmem>>) target_semaphore(%run_scoped3A : memref<!tpu.dma_semaphore, #tpu.memory_space<semaphore_mem>>)
      %dma_wait3A = tpu.memref_slice %arg21[%mul3A_4] : memref<102400xf32, #tpu.memory_space<vmem_shared>> -> memref<6400xf32, #tpu.memory_space<vmem_shared>>
      %dma_wait3A_40 = tpu.memref_slice %arg21[%mul3A_4] : memref<102400xf32, #tpu.memory_space<vmem_shared>> -> memref<6400xf32, #tpu.memory_space<vmem_shared>>
      tpu.wait_dma2 semaphore(%run_scoped3A : memref<!tpu.dma_semaphore, #tpu.memory_space<semaphore_mem>>) src(%dma_wait3A_40 : memref<6400xf32, #tpu.memory_space<vmem_shared>>) dst(%arg33 : memref<6400xf32, #tpu.memory_space<vmem>>)
      tpu.yield
    }) : () -> ()
    "tpu.region"() ({
      %run_scoped3A = tpu.sem_alloc : memref<!tpu.dma_semaphore, #tpu.memory_space<semaphore_mem>>
      %dma_start3A = tpu.memref_slice %arg11[%add3A_38] : memref<204800xf32, #tpu.memory_space<hbm>> -> memref<6400xf32, #tpu.memory_space<hbm>>
      %dma_start3A_39 = tpu.memref_slice %arg11[%add3A_38] : memref<204800xf32, #tpu.memory_space<hbm>> -> memref<6400xf32, #tpu.memory_space<hbm>>
      tpu.enqueue_dma source(%arg33 : memref<6400xf32, #tpu.memory_space<vmem>>) target(%dma_start3A_39 : memref<6400xf32, #tpu.memory_space<hbm>>) target_semaphore(%run_scoped3A : memref<!tpu.dma_semaphore, #tpu.memory_space<semaphore_mem>>)
      %dma_wait3A = tpu.memref_slice %arg11[%add3A_38] : memref<204800xf32, #tpu.memory_space<hbm>> -> memref<6400xf32, #tpu.memory_space<hbm>>
      %dma_wait3A_40 = tpu.memref_slice %arg11[%add3A_38] : memref<204800xf32, #tpu.memory_space<hbm>> -> memref<6400xf32, #tpu.memory_space<hbm>>
      tpu.wait_dma2 semaphore(%run_scoped3A : memref<!tpu.dma_semaphore, #tpu.memory_space<semaphore_mem>>) src(%arg33 : memref<6400xf32, #tpu.memory_space<vmem>>) dst(%dma_wait3A_40 : memref<6400xf32, #tpu.memory_space<hbm>>)
      tpu.yield
    }) : () -> ()
    "tpu.region"() ({
      %run_scoped3A = tpu.sem_alloc : memref<!tpu.dma_semaphore, #tpu.memory_space<semaphore_mem>>
      %dma_start3A = tpu.memref_slice %arg22[%mul3A_4] : memref<102400xf32, #tpu.memory_space<vmem_shared>> -> memref<6400xf32, #tpu.memory_space<vmem_shared>>
      %dma_start3A_39 = tpu.memref_slice %arg22[%mul3A_4] : memref<102400xf32, #tpu.memory_space<vmem_shared>> -> memref<6400xf32, #tpu.memory_space<vmem_shared>>
      tpu.enqueue_dma source(%dma_start3A_39 : memref<6400xf32, #tpu.memory_space<vmem_shared>>) target(%arg33 : memref<6400xf32, #tpu.memory_space<vmem>>) target_semaphore(%run_scoped3A : memref<!tpu.dma_semaphore, #tpu.memory_space<semaphore_mem>>)
      %dma_wait3A = tpu.memref_slice %arg22[%mul3A_4] : memref<102400xf32, #tpu.memory_space<vmem_shared>> -> memref<6400xf32, #tpu.memory_space<vmem_shared>>
      %dma_wait3A_40 = tpu.memref_slice %arg22[%mul3A_4] : memref<102400xf32, #tpu.memory_space<vmem_shared>> -> memref<6400xf32, #tpu.memory_space<vmem_shared>>
      tpu.wait_dma2 semaphore(%run_scoped3A : memref<!tpu.dma_semaphore, #tpu.memory_space<semaphore_mem>>) src(%dma_wait3A_40 : memref<6400xf32, #tpu.memory_space<vmem_shared>>) dst(%arg33 : memref<6400xf32, #tpu.memory_space<vmem>>)
      tpu.yield
    }) : () -> ()
    "tpu.region"() ({
      %run_scoped3A = tpu.sem_alloc : memref<!tpu.dma_semaphore, #tpu.memory_space<semaphore_mem>>
      %dma_start3A = tpu.memref_slice %arg12[%add3A_38] : memref<204800xf32, #tpu.memory_space<hbm>> -> memref<6400xf32, #tpu.memory_space<hbm>>
      %dma_start3A_39 = tpu.memref_slice %arg12[%add3A_38] : memref<204800xf32, #tpu.memory_space<hbm>> -> memref<6400xf32, #tpu.memory_space<hbm>>
      tpu.enqueue_dma source(%arg33 : memref<6400xf32, #tpu.memory_space<vmem>>) target(%dma_start3A_39 : memref<6400xf32, #tpu.memory_space<hbm>>) target_semaphore(%run_scoped3A : memref<!tpu.dma_semaphore, #tpu.memory_space<semaphore_mem>>)
      %dma_wait3A = tpu.memref_slice %arg12[%add3A_38] : memref<204800xf32, #tpu.memory_space<hbm>> -> memref<6400xf32, #tpu.memory_space<hbm>>
      %dma_wait3A_40 = tpu.memref_slice %arg12[%add3A_38] : memref<204800xf32, #tpu.memory_space<hbm>> -> memref<6400xf32, #tpu.memory_space<hbm>>
      tpu.wait_dma2 semaphore(%run_scoped3A : memref<!tpu.dma_semaphore, #tpu.memory_space<semaphore_mem>>) src(%arg33 : memref<6400xf32, #tpu.memory_space<vmem>>) dst(%dma_wait3A_40 : memref<6400xf32, #tpu.memory_space<hbm>>)
      tpu.yield
    }) : () -> ()
    return
  }
}

module attributes {stable_mosaic.version = 14 : i64} {
  func.func @_prologue_body(%arg0: i32, %arg1: memref<9x3328xf32, #tpu.memory_space<vmem>>, %arg2: memref<3x9xf32, #tpu.memory_space<vmem>>, %arg3: memref<3x3328xf32, #tpu.memory_space<vmem>>, %arg4: memref<1x1x3xf32, #tpu.memory_space<vmem>>) attributes {dimension_semantics = [#tpu.dimension_semantics<arbitrary>], iteration_bounds = array<i64: 31>, scalar_prefetch = 0 : i64, scratch_operands = 0 : i64, tpu.core_type = #tpu.core_type<tc>, window_params = [{transform_indices = @transform_0, window_bounds = array<i64: 9, 3328>}, {pipeline_mode = #tpu.pipeline_mode<synchronous>, transform_indices = @transform_1, window_bounds = array<i64: 3, 9>}, {transform_indices = @transform_2, window_bounds = array<i64: 3, 3328>}, {transform_indices = @transform_3, window_bounds = array<i64: 1, 1, 3>}]} {
    %get3A = arith.constant 0 : index
    %get3A_0 = arith.constant 0 : index
    %get3A_1 = vector.load %arg1[%get3A, %get3A_0] : memref<9x3328xf32, #tpu.memory_space<vmem>>, vector<9x3328xf32>
    %get3A_2 = arith.constant 0 : index
    %get3A_3 = arith.constant 0 : index
    %get3A_4 = vector.load %arg2[%get3A_2, %get3A_3] : memref<3x9xf32, #tpu.memory_space<vmem>>, vector<3x9xf32>
    %dot_general3A = arith.constant dense<0.000000e+00> : vector<3x3328xf32>
    %dot_general3A_5 = tpu.matmul %get3A_4, %get3A_1, %dot_general3A {dimension_numbers = #tpu.dot_dimension_numbers<[1], [0], [0], [1], [0, 0, 1, 1], [], []>, transpose_lhs_hint = false} : vector<3x9xf32>, vector<9x3328xf32>, vector<3x3328xf32> -> vector<3x3328xf32>
    %swap3A = arith.constant 0 : index
    %swap3A_6 = arith.constant 0 : index
    %swap3A_7 = vector.load %arg3[%swap3A, %swap3A_6] : memref<3x3328xf32, #tpu.memory_space<vmem>>, vector<3x3328xf32>
    tpu.vector_store %arg3[%swap3A, %swap3A_6], %dot_general3A_5 {strides = array<i32>} : memref<3x3328xf32, #tpu.memory_space<vmem>>, vector<3x3328xf32>,
    %iota3A = tpu.iota {dimensions = array<i32: 1>} : vector<3x3328xi32>
    %mul3A = arith.constant 3328 : i32
    %mul3A_8 = arith.muli %arg0, %mul3A : i32
    %add3A = vector.broadcast %mul3A_8 : i32 to vector<3x3328xi32>
    %add3A_9 = arith.addi %iota3A, %add3A : vector<3x3328xi32>
    %lt3A = arith.constant 100000 : i32
    %lt3A_10 = vector.broadcast %lt3A : i32 to vector<3x3328xi32>
    %lt3A_11 = arith.cmpi slt, %add3A_9, %lt3A_10 : vector<3x3328xi32>
    %jit3A = arith.constant -3.400000e+38 : f32
    %broadcast_in_dim3A = vector.broadcast %jit3A : f32 to vector<3x3328xf32>
    %select_n3A = arith.select %lt3A_11, %dot_general3A_5, %broadcast_in_dim3A : vector<3x3328xi1>, vector<3x3328xf32>
    %reduce_max3A = arith.constant dense<0xFF800000> : vector<3xf32>
    %reduce_max3A_12 = vector.multi_reduction <maximumf>, %select_n3A, %reduce_max3A [1] : vector<3x3328xf32> to vector<3xf32>
    %reshape3A = vector.shape_cast %reduce_max3A_12 : vector<3xf32> to vector<1x1x3xf32>
    %swap3A_13 = arith.constant 0 : index
    %swap3A_14 = arith.constant 0 : index
    %swap3A_15 = arith.constant 0 : index
    %swap3A_16 = vector.load %arg4[%swap3A_13, %swap3A_14, %swap3A_15] : memref<1x1x3xf32, #tpu.memory_space<vmem>>, vector<1x1x3xf32>
    tpu.vector_store %arg4[%swap3A_13, %swap3A_14, %swap3A_15], %reshape3A {strides = array<i32>} : memref<1x1x3xf32, #tpu.memory_space<vmem>>, vector<1x1x3xf32>,
    return
  }
  func.func @transform_0(%arg0: i32) -> (i32, i32) {
    %c0_i32 = arith.constant 0 : i32
    %c0_i32_0 = arith.constant 0 : i32
    return %c0_i32, %arg0 : i32, i32
  }
  func.func @transform_1(%arg0: i32) -> (i32, i32) {
    %c0_i32 = arith.constant 0 : i32
    %c0_i32_0 = arith.constant 0 : i32
    %c0_i32_1 = arith.constant 0 : i32
    return %c0_i32, %c0_i32_0 : i32, i32
  }
  func.func @transform_2(%arg0: i32) -> (i32, i32) {
    %c0_i32 = arith.constant 0 : i32
    %c0_i32_0 = arith.constant 0 : i32
    return %c0_i32, %arg0 : i32, i32
  }
  func.func @transform_3(%arg0: i32) -> (i32, i32, i32) {
    %c0_i32 = arith.constant 0 : i32
    %c0_i32_0 = arith.constant 0 : i32
    %c0_i32_1 = arith.constant 0 : i32
    return %arg0, %c0_i32, %c0_i32_0 : i32, i32, i32
  }
}

module attributes {stable_mosaic.version = 14 : i64} {
  func.func @_epilogue_body(%arg0: memref<2x10x10240xf32, #tpu.memory_space<vmem>>, %arg1: memref<2x10x10240xf32, #tpu.memory_space<vmem>>, %arg2: memref<2x10x10240xf32, #tpu.memory_space<vmem>>, %arg3: memref<2x10x10240xf32, #tpu.memory_space<vmem>>, %arg4: memref<10x10000xf32, #tpu.memory_space<vmem>>) attributes {dimension_semantics = [], scalar_prefetch = 0 : i64, scratch_operands = 0 : i64, tpu.core_type = #tpu.core_type<tc>} {
    %get3A = arith.constant 0 : index
    %get3A_0 = arith.constant 0 : index
    %get3A_1 = arith.constant 0 : index
    %get3A_2 = vector.load %arg0[%get3A, %get3A_0, %get3A_1] : memref<2x10x10240xf32, #tpu.memory_space<vmem>>, vector<1x10x10240xf32>
    %get3A_3 = vector.shape_cast %get3A_2 : vector<1x10x10240xf32> to vector<10x10240xf32>
    %get3A_4 = arith.constant 1 : index
    %get3A_5 = arith.constant 0 : index
    %get3A_6 = arith.constant 0 : index
    %get3A_7 = vector.load %arg0[%get3A_4, %get3A_5, %get3A_6] : memref<2x10x10240xf32, #tpu.memory_space<vmem>>, vector<1x10x10240xf32>
    %get3A_8 = vector.shape_cast %get3A_7 : vector<1x10x10240xf32> to vector<10x10240xf32>
    %add3A = arith.addf %get3A_3, %get3A_8 : vector<10x10240xf32>
    %get3A_9 = arith.constant 0 : index
    %get3A_10 = arith.constant 0 : index
    %get3A_11 = arith.constant 0 : index
    %get3A_12 = vector.load %arg1[%get3A_9, %get3A_10, %get3A_11] : memref<2x10x10240xf32, #tpu.memory_space<vmem>>, vector<1x10x10240xf32>
    %get3A_13 = vector.shape_cast %get3A_12 : vector<1x10x10240xf32> to vector<10x10240xf32>
    %get3A_14 = arith.constant 1 : index
    %get3A_15 = arith.constant 0 : index
    %get3A_16 = arith.constant 0 : index
    %get3A_17 = vector.load %arg1[%get3A_14, %get3A_15, %get3A_16] : memref<2x10x10240xf32, #tpu.memory_space<vmem>>, vector<1x10x10240xf32>
    %get3A_18 = vector.shape_cast %get3A_17 : vector<1x10x10240xf32> to vector<10x10240xf32>
    %add3A_19 = arith.addf %get3A_13, %get3A_18 : vector<10x10240xf32>
    %get3A_20 = arith.constant 0 : index
    %get3A_21 = arith.constant 0 : index
    %get3A_22 = arith.constant 0 : index
    %get3A_23 = vector.load %arg2[%get3A_20, %get3A_21, %get3A_22] : memref<2x10x10240xf32, #tpu.memory_space<vmem>>, vector<1x10x10240xf32>
    %get3A_24 = vector.shape_cast %get3A_23 : vector<1x10x10240xf32> to vector<10x10240xf32>
    %get3A_25 = arith.constant 1 : index
    %get3A_26 = arith.constant 0 : index
    %get3A_27 = arith.constant 0 : index
    %get3A_28 = vector.load %arg2[%get3A_25, %get3A_26, %get3A_27] : memref<2x10x10240xf32, #tpu.memory_space<vmem>>, vector<1x10x10240xf32>
    %get3A_29 = vector.shape_cast %get3A_28 : vector<1x10x10240xf32> to vector<10x10240xf32>
    %add3A_30 = arith.addf %get3A_24, %get3A_29 : vector<10x10240xf32>
    %get3A_31 = arith.constant 0 : index
    %get3A_32 = arith.constant 0 : index
    %get3A_33 = arith.constant 0 : index
    %get3A_34 = vector.load %arg3[%get3A_31, %get3A_32, %get3A_33] : memref<2x10x10240xf32, #tpu.memory_space<vmem>>, vector<1x10x10240xf32>
    %get3A_35 = vector.shape_cast %get3A_34 : vector<1x10x10240xf32> to vector<10x10240xf32>
    %get3A_36 = arith.constant 1 : index
    %get3A_37 = arith.constant 0 : index
    %get3A_38 = arith.constant 0 : index
    %get3A_39 = vector.load %arg3[%get3A_36, %get3A_37, %get3A_38] : memref<2x10x10240xf32, #tpu.memory_space<vmem>>, vector<1x10x10240xf32>
    %get3A_40 = vector.shape_cast %get3A_39 : vector<1x10x10240xf32> to vector<10x10240xf32>
    %add3A_41 = arith.addf %get3A_35, %get3A_40 : vector<10x10240xf32>
    %add3A_42 = arith.constant 1.000000e-16 : f32
    %add3A_43 = vector.broadcast %add3A_42 : f32 to vector<10x10240xf32>
    %add3A_44 = arith.addf %add3A, %add3A_43 : vector<10x10240xf32>
    %div3A = arith.divf %add3A_19, %add3A_44 : vector<10x10240xf32>
    %add3A_45 = arith.constant 1.000000e-16 : f32
    %add3A_46 = vector.broadcast %add3A_45 : f32 to vector<10x10240xf32>
    %add3A_47 = arith.addf %add3A_30, %add3A_46 : vector<10x10240xf32>
    %div3A_48 = arith.divf %add3A_41, %add3A_47 : vector<10x10240xf32>
    %add3A_49 = arith.addf %div3A, %div3A_48 : vector<10x10240xf32>
    %iota3A = tpu.iota {dimensions = array<i32: 1>} : vector<10x10240xi32>
    %lt3A = arith.constant 10000 : i32
    %lt3A_50 = vector.broadcast %lt3A : i32 to vector<10x10240xi32>
    %lt3A_51 = arith.cmpi slt, %iota3A, %lt3A_50 : vector<10x10240xi32>
    %jit3A = arith.constant -3.400000e+38 : f32
    %broadcast_in_dim3A = vector.broadcast %jit3A : f32 to vector<10x10240xf32>
    %select_n3A = arith.select %lt3A_51, %add3A_49, %broadcast_in_dim3A : vector<10x10240xi1>, vector<10x10240xf32>
    %reduce_max3A = arith.constant dense<0xFF800000> : vector<10xf32>
    %reduce_max3A_52 = vector.multi_reduction <maximumf>, %select_n3A, %reduce_max3A [1] : vector<10x10240xf32> to vector<10xf32>
    %broadcast_in_dim3A_53 = vector.shape_cast %reduce_max3A_52 : vector<10xf32> to vector<10x1xf32>
    %sub3A = vector.broadcast %broadcast_in_dim3A_53 : vector<10x1xf32> to vector<10x10240xf32>
    %sub3A_54 = arith.subf %select_n3A, %sub3A : vector<10x10240xf32>
    %exp3A = math.exp %sub3A_54 : vector<10x10240xf32>
    %reduce_sum3A = arith.constant dense<0.000000e+00> : vector<10xf32>
    %reduce_sum3A_55 = vector.multi_reduction <add>, %exp3A, %reduce_sum3A [1] : vector<10x10240xf32> to vector<10xf32>
    %broadcast_in_dim3A_56 = vector.shape_cast %reduce_sum3A_55 : vector<10xf32> to vector<10x1xf32>
    %div3A_57 = vector.broadcast %broadcast_in_dim3A_56 : vector<10x1xf32> to vector<10x10240xf32>
    %div3A_58 = arith.divf %exp3A, %div3A_57 : vector<10x10240xf32>
    %slice3A = vector.extract_strided_slice %div3A_58 {offsets = [0, 0], sizes = [10, 10000], strides = [1, 1]} : vector<10x10240xf32> to vector<10x10000xf32>
    %swap3A = arith.constant 0 : index
    %swap3A_59 = arith.constant 0 : index
    %swap3A_60 = vector.load %arg4[%swap3A, %swap3A_59] : memref<10x10000xf32, #tpu.memory_space<vmem>>, vector<10x10000xf32>
    tpu.vector_store %arg4[%swap3A, %swap3A_59], %slice3A {strides = array<i32>} : memref<10x10000xf32, #tpu.memory_space<vmem>>, vector<10x10000xf32>,
    return
  }
}

</mosaic_0001>

<sc_bundles>
// kernel: kernel.6.cloned.1.call-start
scs
__scs_entry_jumppad:
0x0: {  	(pc) =	sbr.rel $0x88, $3  }
0x1: {  	(tag) =	ssettag $0x0;
	lr =	simm.s32 $0x1  }
0x2: {  	[smem:$0x3F95] =	sst lr;
	_ =	strace $0xD0000000  }
0x3: {  	_ = 	snop  }
0x4: {  	_ = 	snop  }
0x5: {  	_ = 	snop  }
0x6: {  	_ = 	snop  }
0x7: {  	_ = 	snop  }
__scs_overlays_trampoline_lowered:
0x8: {  	[smem:$0x3FA4] =	sst s0  }
0x9: {  	[smem:$0x3FA5] =	sst s1  }
0xa: {  	[smem:$0x3FA6] =	sst s2  }
0xb: {  	[smem:$0x3FA7] =	sst s3  }
0xc: {  	[smem:$0x3FA8] =	sst s4  }
0xd: {  	[smem:$0x3FA9] =	sst s5  }
0xe: {  	[smem:$0x3FAA] =	sst s6  }
0xf: {  	[smem:$0x3FAB] =	sst s7  }
0x10: {  	[smem:$0x3FAC] =	sst s8  }
0x11: {  	[smem:$0x3FAD] =	sst s9;
	s0 =	simm.s32 @!p0 $0x0  }
0x12: {  	s1 =	sld [smem:$0x3F93];
	s0 =	simm.s32 @p0 $0x1  }
0x13: {  	[smem:$0x3FAE] =	sst s0;
	s0 =	simm.s32 @!p1 $0x0  }
0x14: {  	s2 =	sld [smem:$0x3F92];
	s0 =	simm.s32 @p1 $0x1  }
0x15: {  	[smem:$0x3FAF] =	sst s0;
	s0 =	simm.s32 @!p2 $0x0  }
0x16: {  	s3 =	sld [smem:$0x3FDB];
	s0 =	simm.s32 @p2 $0x1  }
0x17: {  	s4 =	simm.s32 $0x1BF5;
	[smem:$0x3FB1] =	sst s0  }
0x18: {  	s0 =	sld [smem:$0x3F94];
	_ =	swait.ge [sflag:s4], $0x0  }
0x19: {  	s7 =	sld [smem:$0x3F95]  }
0x1a: {  	s8 =	sadd.s32 $0xFFFFE003, lr  }
0x1b: {  	s9 =	sadd.s32 $0xFFFFFEF7, lr;
	s5 =	simm.s32 $0xFFFFFFFF;
	p2 =	slt.u32 s8, $0xFFFFF086  }
0x1c: {  	p1 =	slt.u32 s9, $0xF7A;
	s5 =	simm.s32 @!p2 $0x0  }
0x1d: {  	s5 =	simm.s32 @p1 $0x1;
	p0 =	seq.s32 s7, s2  }
0x1e: {  	s7 =	smul.u32 @!p0 $0xF7A, s2;
	p2 =	seq.s32 @!p0 s5, $0x0  }
0x1f: {  	s9 =	smul.u32 $0xF7A, s1;
	s8 =	simm.s32 @!p0 $0x1BF5;
	p2 =	por !p2, p0  }
0x20: {  	[sflag:s8] =	ssyncset.s32 @!p0 $0xFFFFF086;
	s6 =	sadd.s32 @!p0 s3, s7;
	s7 =	simm.s32 @!p0 $0x108  }
0x21: {  	s3 =	sadd.s32 s3, s9;
	s6 =	sadd.s32 @!p0 $0x88, s6;
	s7 =	simm.s32 @p2 $0x1082  }
0x22: {  	[simem:s7], [sflag:s8] =	dma.local @!p0 [hbm:s6], $0xF7A  }
0x23: {  	s9 =	sor.u32 $0xD0000000, s2;
	s6 =	simm.s32 $0x108;
	_ =	swait.ge @!p0 [sflag:s8], $0x0  }
0x24: {  	s3 =	sadd.s32 $0x88, s3;
	s6 =	simm.s32 @!p1 $0x1082;
	[sflag:s4] =	ssyncset.s32 $0xFFFFF086  }
0x25: {  	[simem:s6], [sflag:s4] =	dma.local [hbm:s3], $0xF7A  }
0x26: {  	[smem:$0x3F95] =	sst s1;
	(tag) =	ssettag s2;
	_ =	strace s9  }
0x27: {  	s1 =	sld [smem:$0x3FA5]  }
0x28: {  	s2 =	sld [smem:$0x3FA6]  }
0x29: {  	s4 =	sld [smem:$0x3FA8]  }
0x2a: {  	p0 =	seq.s32 s5, $0x0;
	s5 =	sld [smem:$0x3FA9]  }
0x2b: {  	s6 =	sld [smem:$0x3FAA]  }
0x2c: {  	s7 =	sld [smem:$0x3FAB]  }
0x2d: {  	s3 =	simm.s32 $0x108;
	s8 =	sld [smem:$0x3FAC]  }
0x2e: {  	s3 =	simm.s32 @!p0 $0x1082;
	s9 =	sld [smem:$0x3FAD]  }
0x2f: {  	lr =	sadd.s32 s0, s3;
	s0 =	sld [smem:$0x3FA4]  }
0x30: {  	s3 =	sld [smem:$0x3FA7]  }
0x31: {  	[smem:$0x3FB0] =	sst s10  }
0x32: {  	s10 =	sld [smem:$0x3FAE];
	_ =	sdelay $0x3  }
0x33: {  	p0 =	seq.s32 s10, $0x1;
	s10 =	sld [smem:$0x3FB0];
	_ =	sdelay $0x3  }
0x34: {  	[smem:$0x3FB0] =	sst s10  }
0x35: {  	s10 =	sld [smem:$0x3FAF];
	_ =	sdelay $0x3  }
0x36: {  	p1 =	seq.s32 s10, $0x1;
	s10 =	sld [smem:$0x3FB0];
	_ =	sdelay $0x3  }
0x37: {  	[smem:$0x3FB0] =	sst s10  }
0x38: {  	s10 =	sld [smem:$0x3FB1]  }
0x39: {  	_ = 	snop;
	(pc) =	sbr.ind lr, $3  }
0x3a: {  	_ = 	snop  }
0x3b: {  	_ = 	snop  }
0x3c: {  	p2 =	seq.s32 s10, $0x1;
	s10 =	sld [smem:$0x3FB0]  }
0x3d: {  	_ =	shalt  }
0x3e: {  	_ =	shalt  }
0x3f: {  	_ =	shalt  }
0x40: {  	_ =	shalt  }
0x41: {  	_ =	shalt  }
0x42: {  	_ =	shalt  }
0x43: {  	_ =	shalt  }
0x44: {  	_ =	shalt  }
0x45: {  	_ =	shalt  }
0x46: {  	_ =	shalt  }
0x47: {  	_ =	shalt  }
0x48: {  	_ =	shalt  }
0x49: {  	_ =	shalt  }
0x4a: {  	_ =	shalt  }
0x4b: {  	_ =	shalt  }
0x4c: {  	_ =	shalt  }
0x4d: {  	_ =	shalt  }
0x4e: {  	_ =	shalt  }
0x4f: {  	_ =	shalt  }
0x50: {  	_ =	shalt  }
0x51: {  	_ =	shalt  }
0x52: {  	_ =	shalt  }
0x53: {  	_ =	shalt  }
0x54: {  	_ =	shalt  }
0x55: {  	_ =	shalt  }
0x56: {  	_ =	shalt  }
0x57: {  	_ =	shalt  }
0x58: {  	_ =	shalt  }
0x59: {  	_ =	shalt  }
0x5a: {  	_ =	shalt  }
0x5b: {  	_ =	shalt  }
0x5c: {  	_ =	shalt  }
0x5d: {  	_ =	shalt  }
0x5e: {  	_ =	shalt  }
0x5f: {  	_ =	shalt  }
0x60: {  	_ =	shalt  }
0x61: {  	_ =	shalt  }
0x62: {  	_ =	shalt  }
0x63: {  	_ =	shalt  }
0x64: {  	_ =	shalt  }
0x65: {  	_ =	shalt  }
0x66: {  	_ =	shalt  }
0x67: {  	_ =	shalt  }
0x68: {  	_ =	shalt  }
0x69: {  	_ =	shalt  }
0x6a: {  	_ =	shalt  }
0x6b: {  	_ =	shalt  }
0x6c: {  	_ =	shalt  }
0x6d: {  	_ =	shalt  }
0x6e: {  	_ =	shalt  }
0x6f: {  	_ =	shalt  }
0x70: {  	_ =	shalt  }
0x71: {  	_ =	shalt  }
0x72: {  	_ =	shalt  }
0x73: {  	_ =	shalt  }
0x74: {  	_ =	shalt  }
0x75: {  	_ =	shalt  }
0x76: {  	_ =	shalt  }
0x77: {  	_ =	shalt  }
0x78: {  	_ =	shalt  }
0x79: {  	_ =	shalt  }
0x7a: {  	_ =	shalt  }
0x7b: {  	_ =	shalt  }
0x7c: {  	_ =	shalt  }
0x7d: {  	_ =	shalt  }
0x7e: {  	_ =	shalt  }
0x7f: {  	_ =	shalt  }
0x80: {  	_ =	shalt  }
0x81: {  	_ =	shalt  }
0x82: {  	_ =	shalt  }
0x83: {  	_ =	shalt  }
0x84: {  	_ =	shalt  }
0x85: {  	_ =	shalt  }
0x86: {  	_ =	shalt  }
0x87: {  	_ =	shalt  }
.Lfunc_end0:
.L_simem_size_0:
called_computation_lowered:
.L_overlay_start_0:
0x88: {  	s2 =	sld [smem:$0x3FD9]  }
0x89: {  	s3 =	sld [smem:$0x3FFE];
	_ =	sdelay $0x1  }
0x8a: {  	s1 =	srdreg.scid  }
0x8b: {  	s0 =	sand.u32 $0x1, s1  }
0x8c: {  	s17 =	sshll.u32 s0, $0xA;
	s2 =	sadd.s32 s3, s2  }
0x8d: {  	s2 =	sadd.s32 s2, s17  }
0x8e: {  	[smem:$0x3FBC] =	sst s2  }
0x8f: {  	_ = 	snop  }
0x90: {  	s2 =	sld [smem:$0x3FD0];
	(tm) =	ssettm $0x1  }
0x91: {  	s18 =	sld [smem:$0x3FFB];
	_ =	sdelay $0x3  }
0x92: {  	_ =	strace s18  }
0x93: {  	s3 =	sld [smem:$0x3FFC];
	_ =	sdelay $0x3  }
0x94: {  	_ =	strace s3  }
0x95: {  	s3 =	sld [smem:$0x3FFD];
	_ =	sdelay $0x3  }
0x96: {  	_ =	strace s3  }
0x97: {  	_ =	strace $0x8FFFFFFF  }
0x98: {  	s19 =	sld [smem:$0x3FDB];
	_ =	sdelay $0x1  }
0x99: {  	s4 =	simm.s32 $_scs_section_size  }
0x9a: {  	s5 =	simm.s32 $_size__tile_overlayer_lowered;
	s6 =	simm.s32 $_tile_overlayer_lowered  }
0x9b: {  	s22 =	simm.s32 $0x1BFF;
	s21 =	sshll.u32 s6, $0x1;
	s3 =	sadd.s32 s4, s19  }
0x9c: {  	s7 =	simm.s32 $0x0;
	s20 =	sshll.u32 s5, $0x1;
	s5 =	sadd.s32 s21, s3  }
0x9d: {  	[timem:s7], [sflag:s22] =	dma.local [hbm:s5], s20  }
0x9e: {  	_ =	swait.ge [sflag:s22], s20  }
0x9f: {  	s4 =	ssub.s32 $0x0, s20;
	[sflag:s22] =	ssyncset.done $0x0  }
0xa0: {  	[sflag:s22] =	ssyncadd.s32 s4;
	_ =	sdelay $0x1  }
0xa1: {  	s23 =	simm.s32 $0x1B8B  }
0xa2: {  	_ =	swait.ge [sflag:s23], $0x1  }
0xa3: {  	[sflag:s23] =	ssyncset.done $0x0  }
0xa4: {  	s25 =	simm.s32 $0x1B8E;
	s24 =	sld [smem:$0x3FFE];
	[sflag:s23] =	ssyncadd.s32 $0xFFFFFFFF  }
0xa5: {  	s26 =	simm.s32 $execute0_lowered;
	[smem:$0x3FD2] =	sst s25  }
0xa6: {  	s5 =	sshll.u32 s26, $0x1;
	_ =	strace $0x80000046;
	[dreg:$0x1] =	wrdreg $0xFFFFFFFF  }
0xa7: {  	s28 =	simm.s32 $_size_execute0_lowered;
	s3 =	sadd.s32 s3, s5;
	[dreg:$0x0] =	wrdreg $0x0  }
0xa8: {  	s5 =	sshll.u32 s28, $0x1;
	[dreg:$0x2] =	wrdreg s3  }
0xa9: {  	[dreg:$0x3] =	wrdreg s5  }
0xaa: {  	[dreg:$0x4] =	wrdreg $0xC0  }
0xab: {  	_ =	task [dreg:s7], $0x5FFFF  }
0xac: {  	[dreg:$0x1] =	wrdreg $0xFFFFFFFF  }
0xad: {  	[dreg:$0x0] =	wrdreg $0x60  }
0xae: {  	[dreg:$0x2] =	wrdreg s24  }
0xaf: {  	[dreg:$0x3] =	wrdreg s2  }
0xb0: {  	[dreg:$0x4] =	wrdreg $0x0  }
0xb1: {  	[dreg:$0x5] =	wrdreg $0x18700  }
0xb2: {  	[dreg:$0x6] =	wrdreg $0x30E00  }
0xb3: {  	[dreg:$0x7] =	wrdreg $0x49500  }
0xb4: {  	[dreg:$0x8] =	wrdreg $0x61C00  }
0xb5: {  	[dreg:$0x9] =	wrdreg $0x7A300  }
0xb6: {  	[dreg:$0xa] =	wrdreg $0x92A00  }
0xb7: {  	[dreg:$0xb] =	wrdreg $0xABA00  }
0xb8: {  	[dreg:$0xc] =	wrdreg $0xC4A00  }
0xb9: {  	[dreg:$0xd] =	wrdreg $0xDDA00  }
0xba: {  	[dreg:$0xe] =	wrdreg $0x9  }
0xbb: {  	_ =	task.clear_ibuf [dreg:s7], $0xFFFFF;
	_ =	strace $0x90000046  }
0xbc: {  	s29 =	simm.s32 $0x9;
	_ =	strace $0x80000048  }
0xbd: {  	_ =	swait.ge [sflag:s29], $0x1  }
0xbe: {  	[sflag:s29] =	ssyncadd.s32 $0xFFFFFFFF  }
0xbf: {  	_ =	strace $0x90000048  }
0xc0: {  	_ =	sfence  }
0xc1: {  	s30 =	sld [smem:$0x0];
	_ =	sdelay $0x2  }
0xc2: {  	s31 =	sshll.u32 s1, $0xD;
	s1 =	sshrl.u32 s1, $0x2  }
0xc3: {  	s3 =	sand.u32 $0x4000, s31;
	s1 =	sadd.s32 s1, s30  }
0xc4: {  	s0 =	sor.u32 s3, s0;
	s1 =	sshll.u32 s1, $0x11  }
0xc5: {  	s0 =	sor.u32 s1, s0  }
0xc6: {  	s0 =	sadd.s32 $0x8F2B, s0  }
0xc7: {  	[sflag:s0] =	ssyncadd.remote.s32 $0x1  }
0xc8: {  	_ =	sfence.sel $0xFFFF  }
0xc9: {  	[dreg:$0x0] =	wrdreg $0xFFFFFFFF;
	(pc) =	sbr.abs _section_cstart, $3  }
0xca: {  	[dreg:$0x1] =	wrdreg $0xFFFFFFFF  }
0xcb: {  	_ =	task.clear_ibuf [dreg:s7], $0x2FFFF;
	_ =	strace $0x9FFFFFFF  }
0xcc: {  	(tm) =	ssettm $0x7FFFFFFF  }
0xcd: {  	_ =	shalt  }
tec
execute0_lowered:
.L_overlay_start_1:
0x0: {  	(tag) =	ssettag $0x1  }
0x1: {  	s6 =	rddreg [dreg:$0x0]  }
0x2: {  	s8 =	rddreg [dreg:$0x1]  }
0x3: {  	s0 =	rddreg [dreg:$0x2]  }
0x4: {  	s1 =	rddreg [dreg:$0x3]  }
0x5: {  	s2 =	rddreg [dreg:$0x4]  }
0x6: {  	s3 =	rddreg [dreg:$0x5]  }
0x7: {  	s4 =	rddreg [dreg:$0x6]  }
0x8: {  	s5 =	rddreg [dreg:$0x7]  }
0x9: {  	s7 =	rddreg [dreg:$0x8]  }
0xa: {  	s9 =	rddreg [dreg:$0x9]  }
0xb: {  	s10 =	rddreg [dreg:$0xa]  }
0xc: {  	s11 =	rddreg [dreg:$0xb];
	s20 =	stileid.u32  }
0xd: {  	s12 =	srdreg.scid;
	s13 =	smul.u32 $0x1900, s20  }
0xe: {  	s12 =	sand.u32 $0x1, s12;
	s14 =	sadd.s32 $0x2A00, s6;
	s16 =	smul.u32 $0x1870, s20  }
0xf: {  	s17 =	sadd.s32 $0xC000, s6;
	s22 =	sshll.u32 s20, $0x1;
	s15 =	ssub.s32 $0x2, s12  }
0x10: {  	s18 =	smul.u32 $0x19000, s12;
	s19 =	sshrl.u32 s15, $0x1;
	s23 =	sshrl.u32 s16, $0x3  }
0x11: {  	s12 =	sor.u32 s12, s22;
	s19 =	ssub.s32 s15, s19;
	s22 =	sadd.s32 s14, s23  }
0x12: {  	s24 =	sadd.s32 $0x30E0, s23;
	s26 =	sadd.s32 s17, s23;
	[dreg:$0xd] =	wrdreg s22  }
0x13: {  	s21 =	sadd.s32 $0x61C0, s23;
	s25 =	sadd.s32 s14, s24;
	[dreg:$0x10] =	wrdreg s26  }
0x14: {  	s20 =	sadd.s32 s13, s18;
	s14 =	sadd.s32 s14, s21;
	[dreg:$0xe] =	wrdreg s25  }
0x15: {  	s15 =	sadd.s32 s17, s24;
	s17 =	sadd.s32 s17, s21;
	[dreg:$0xf] =	wrdreg s14  }
0x16: {  	s22 =	simm.s32 $0x0;
	s21 =	sshrl.u32 s13, $0x3;
	[dreg:$0x11] =	wrdreg s15  }
0x17: {  	s23 =	sshrl.u32 s20, $0x3;
	s20 =	sadd.s32 $0x15800, s6;
	[dreg:$0x12] =	wrdreg s17  }
0x18: {  	s24 =	sadd.s32 $0xBE00, s6;
	s8 =	sadd.s32 s8, s21;
	[smem:$0x7FF] =	sst s22  }
0x19: {  	s21 =	sadd.s32 $0xD8E00, s6;
	[dreg:$0x13] =	wrdreg s8;
	s8 =	sadd.s32 s23, s6  }
0x1a: {  	s6 =	sadd.s32 $0x15400, s6;
	_ =	strace $0x80000047;
	[dreg:$0x14] =	wrdreg s24  }
0x1b: {  	s25 =	sadd.s32 s16, s0;
	[dreg:$0x15] =	wrdreg s6  }
0x1c: {  	s28 =	simm.s32 $0x126A0;
	s26 =	sadd.s32 s16, s1;
	[dreg:$0x16] =	wrdreg s25  }
0x1d: {  	s29 =	simm.s32 $0x136A0;
	s0 =	sadd.s32 s16, s2;
	[dreg:$0x17] =	wrdreg s26  }
0x1e: {  	s30 =	simm.s32 $0x146A0;
	s1 =	sadd.s32 s16, s3;
	[dreg:$0x18] =	wrdreg s0  }
0x1f: {  	s31 =	simm.s32 $0x166A0;
	s14 =	sadd.s32 s16, s4;
	[dreg:$0x19] =	wrdreg s1  }
0x20: {  	s18 =	sadd.s32 s13, s7;
	s15 =	sadd.s32 s16, s5;
	[dreg:$0x1a] =	wrdreg s14  }
0x21: {  	s16 =	sadd.s32 s13, s9;
	s17 =	sadd.s32 s13, s10;
	[dreg:$0x1b] =	wrdreg s15  }
0x22: {  	s0 =	sadd.s32 s13, s11;
	s23 =	sadd.s32 $0x19C400, s8;
	[dreg:$0x1c] =	wrdreg s18  }
0x23: {  	s24 =	sadd.s32 $0x1A2800, s8;
	s15 =	smul.u32 $0x19, s12;
	[smem:$0x7F8] =	sst s23  }
0x24: {  	s12 =	smov.u32 s17;
	s25 =	sadd.s32 $0x1A8C00, s8;
	[smem:$0x7F9] =	sst s24  }
0x25: {  	s8 =	sadd.s32 $0x1AF000, s8;
	s26 =	smax.u32 s19, $0x1;
	[smem:$0x7FA] =	sst s25  }
0x26: {  	s1 =	simm.s32 $0x177A0;
	s13 =	simm.s32 $0x1;
	[smem:$0x7FB] =	sst s8  }
0x27: {  	s14 =	simm.s32 $0x2;
	s6 =	simm.s32 $0x0;
	[smem:$0x7FC] =	sst s26  }
0x28: {  	s17 =	simm.s32 $0x116A0;
	s19 =	simm.s32 $0x156A0;
	[smem:$0x7FD] =	sst s6  }
0x29: {  	s8 =	smov.u32 s16;
	s23 =	simm.s32 $0x4;
	[dreg:$0x1e] =	wrdreg s12  }
0x2a: {  	s24 =	simm.s32 $0xF6A0;
	s25 =	simm.s32 $0x106A0;
	[dreg:$0x1f] =	wrdreg s0  }
0x2b: {  	s26 =	simm.s32 $0xFA0;
	s16 =	simm.s32 $0x3;
	[dreg:$0x1d] =	wrdreg s8  }
.LBB2_1:
0x2c: {  	s6 =	rddreg [dreg:$0xd]  }
0x2d: {  	[tilespmem:s1], [sflag:$0x4] =	stream.linear.gather [hbm4b:s6+s22], $0x1870, $0x38;
	[tilespmem:$0x190A0] =	vst v63  }
0x2e: {  	_ =	swait.ge [sflag:s23], $0x1870  }
0x2f: {  	[sflag:s23] =	ssyncset.done $0x0  }
0x30: {  	s6 =	rddreg [dreg:$0x16];
	[sflag:s23] =	ssyncadd.s32 $0xFFFFE790  }
0x31: {  	[spmem:s6] =	stream.linear.scatter [tilespmem:s1], [sflag:$0x4], $0x1870, $0x38;
	[tilespmem:$0x190A0] =	vst v63  }
0x32: {  	_ =	swait.ge [sflag:s23], $0x1870  }
0x33: {  	[sflag:s23] =	ssyncset.done $0x0  }
0x34: {  	s6 =	rddreg [dreg:$0xe];
	[sflag:s23] =	ssyncadd.s32 $0xFFFFE790  }
0x35: {  	[tilespmem:s1], [sflag:$0x4] =	stream.linear.gather [hbm4b:s6+s22], $0x1870, $0x38;
	[tilespmem:$0x190A0] =	vst v63  }
0x36: {  	_ =	swait.ge [sflag:s23], $0x1870  }
0x37: {  	[sflag:s23] =	ssyncset.done $0x0  }
0x38: {  	s6 =	rddreg [dreg:$0x17];
	[sflag:s23] =	ssyncadd.s32 $0xFFFFE790  }
0x39: {  	[spmem:s6] =	stream.linear.scatter [tilespmem:s1], [sflag:$0x4], $0x1870, $0x38;
	[tilespmem:$0x190A0] =	vst v63  }
0x3a: {  	_ =	swait.ge [sflag:s23], $0x1870  }
0x3b: {  	[sflag:s23] =	ssyncset.done $0x0  }
0x3c: {  	s6 =	rddreg [dreg:$0xf];
	[sflag:s23] =	ssyncadd.s32 $0xFFFFE790  }
0x3d: {  	[tilespmem:s1], [sflag:$0x4] =	stream.linear.gather [hbm4b:s6+s22], $0x1870, $0x38;
	[tilespmem:$0x190A0] =	vst v63  }
0x3e: {  	_ =	swait.ge [sflag:s23], $0x1870  }
0x3f: {  	[sflag:s23] =	ssyncset.done $0x0  }
0x40: {  	s6 =	rddreg [dreg:$0x18];
	[sflag:s23] =	ssyncadd.s32 $0xFFFFE790  }
0x41: {  	[spmem:s6] =	stream.linear.scatter [tilespmem:s1], [sflag:$0x4], $0x1870, $0x38;
	[tilespmem:$0x190A0] =	vst v63  }
0x42: {  	_ =	swait.ge [sflag:s23], $0x1870  }
0x43: {  	[sflag:s23] =	ssyncset.done $0x0  }
0x44: {  	s6 =	rddreg [dreg:$0x10];
	[sflag:s23] =	ssyncadd.s32 $0xFFFFE790  }
0x45: {  	[tilespmem:s1], [sflag:$0x4] =	stream.linear.gather [hbm4b:s6+s22], $0x1870, $0x38;
	[tilespmem:$0x190A0] =	vst v63  }
0x46: {  	_ =	swait.ge [sflag:s23], $0x1870  }
0x47: {  	[sflag:s23] =	ssyncset.done $0x0  }
0x48: {  	s6 =	rddreg [dreg:$0x19];
	[sflag:s23] =	ssyncadd.s32 $0xFFFFE790  }
0x49: {  	[spmem:s6] =	stream.linear.scatter [tilespmem:s1], [sflag:$0x4], $0x1870, $0x38;
	[tilespmem:$0x190A0] =	vst v63  }
0x4a: {  	_ =	swait.ge [sflag:s23], $0x1870  }
0x4b: {  	[sflag:s23] =	ssyncset.done $0x0  }
0x4c: {  	s6 =	rddreg [dreg:$0x11];
	[sflag:s23] =	ssyncadd.s32 $0xFFFFE790  }
0x4d: {  	[tilespmem:s1], [sflag:$0x4] =	stream.linear.gather [hbm4b:s6+s22], $0x1870, $0x38;
	[tilespmem:$0x190A0] =	vst v63  }
0x4e: {  	_ =	swait.ge [sflag:s23], $0x1870  }
0x4f: {  	[sflag:s23] =	ssyncset.done $0x0  }
0x50: {  	s6 =	rddreg [dreg:$0x1a];
	[sflag:s23] =	ssyncadd.s32 $0xFFFFE790  }
0x51: {  	[spmem:s6] =	stream.linear.scatter [tilespmem:s1], [sflag:$0x4], $0x1870, $0x38;
	[tilespmem:$0x190A0] =	vst v63  }
0x52: {  	_ =	swait.ge [sflag:s23], $0x1870  }
0x53: {  	[sflag:s23] =	ssyncset.done $0x0  }
0x54: {  	s6 =	rddreg [dreg:$0x12];
	[sflag:s23] =	ssyncadd.s32 $0xFFFFE790  }
0x55: {  	[tilespmem:s1], [sflag:$0x4] =	stream.linear.gather [hbm4b:s6+s22], $0x1870, $0x38;
	[tilespmem:$0x190A0] =	vst v63  }
0x56: {  	_ =	swait.ge [sflag:s23], $0x1870  }
0x57: {  	[sflag:s23] =	ssyncset.done $0x0  }
0x58: {  	s6 =	rddreg [dreg:$0x1b];
	[sflag:s23] =	ssyncadd.s32 $0xFFFFE790  }
0x59: {  	[spmem:s6] =	stream.linear.scatter [tilespmem:s1], [sflag:$0x4], $0x1870, $0x38;
	[tilespmem:$0x190A0] =	vst v63  }
0x5a: {  	_ =	swait.ge [sflag:s23], $0x1870  }
0x5b: {  	[sflag:s23] =	ssyncset.done $0x0  }
0x5c: {  	s6 =	rddreg [dreg:$0x13];
	[sflag:s23] =	ssyncadd.s32 $0xFFFFE790  }
0x5d: {  	[tilespmem:s1], [sflag:$0x4] =	stream.linear.gather [hbm4b:s6+s22], $0x1900, $0x38;
	[tilespmem:$0x190A0] =	vst v63  }
0x5e: {  	_ =	swait.ge [sflag:s23], $0x1900  }
0x5f: {  	[sflag:s23] =	ssyncset.done $0x0  }
0x60: {  	[sflag:s23] =	ssyncadd.s32 $0xFFFFE700  }
0x61: {  	[spmem:s18] =	stream.linear.scatter [tilespmem:s1], [sflag:$0x4], $0x1900, $0x38;
	[tilespmem:$0x190A0] =	vst v63  }
0x62: {  	_ =	swait.ge [sflag:s23], $0x1900  }
0x63: {  	[sflag:s23] =	ssyncset.done $0x0  }
0x64: {  	[sflag:s23] =	ssyncadd.s32 $0xFFFFE700  }
0x65: {  	[spmem:s8] =	stream.linear.scatter [tilespmem:s1], [sflag:$0x4], $0x1900, $0x38;
	[tilespmem:$0x190A0] =	vst v63  }
0x66: {  	_ =	swait.ge [sflag:s23], $0x1900  }
0x67: {  	[sflag:s23] =	ssyncset.done $0x0  }
0x68: {  	[sflag:s23] =	ssyncadd.s32 $0xFFFFE700  }
0x69: {  	[spmem:s12] =	stream.linear.scatter [tilespmem:s1], [sflag:$0x4], $0x1900, $0x38;
	[tilespmem:$0x190A0] =	vst v63  }
0x6a: {  	_ =	swait.ge [sflag:s23], $0x1900  }
0x6b: {  	[sflag:s23] =	ssyncset.done $0x0  }
0x6c: {  	[sflag:s23] =	ssyncadd.s32 $0xFFFFE700  }
0x6d: {  	[spmem:s0] =	stream.linear.scatter [tilespmem:s1], [sflag:$0x4], $0x1900, $0x38;
	[tilespmem:$0x190A0] =	vst v63  }
0x6e: {  	_ =	swait.ge [sflag:s23], $0x1900  }
0x6f: {  	[sflag:s23] =	ssyncset.done $0x0  }
0x70: {  	s8 =	simm.s32 $0x176A0;
	s1 =	rddreg [dreg:$0x14];
	[sflag:s23] =	ssyncadd.s32 $0xFFFFE700  }
0x71: {  	[tilespmem:s8], [sflag:$0x4] =	stream.linear.gather [hbm4b:s1+s22], $0x80, $0x38;
	[tilespmem:$0x190A0] =	vst v63  }
0x72: {  	_ =	swait.ge [sflag:s23], $0x80  }
0x73: {  	[sflag:s23] =	ssyncset.done $0x0  }
0x74: {  	s18 =	simm.s32 $0x17720;
	s12 =	rddreg [dreg:$0x15];
	[sflag:s23] =	ssyncadd.s32 $0xFFFFFF80  }
0x75: {  	[tilespmem:s18], [sflag:$0x4] =	stream.linear.gather [hbm4b:s12+s22], $0x80, $0x38;
	[tilespmem:$0x190A0] =	vst v63  }
0x76: {  	_ =	swait.ge [sflag:s23], $0x80  }
0x77: {  	[sflag:s23] =	ssyncset.done $0x0  }
0x78: {  	[sflag:s23] =	ssyncadd.s32 $0xFFFFFF80  }
0x79: {  	[bflag:$0x0] =	sbarrier.arrive $0xFFFF  }
0x7a: {  	v1 =	vld [tilespmem:$0x176A0]  }
0x7b: {  	v0 =	vld [tilespmem:$0x17720];
	_ =	sdelay $0x2  }
0x7c: {  	s0 =	rddreg [dreg:$0x2]  }
0x7d: {  	s12 =	simm.s32 $0x0;
	s1 =	rddreg [dreg:$0x3]  }
.LBB2_2:
0x7e: {  	s6 =	sadd.s32 s15, s12  }
0x7f: {  	s6 =	smul.u32 $0xFA0, s6;
	_ =	sdelay $0x1  }
0x80: {  	s6 =	sshrl.u32 s6, $0x3  }
0x81: {  	s8 =	simm.s32 $0x0;
	s6 =	sadd.s32 s20, s6  }
0x82: {  	[tilespmem:s24], [sflag:$0x4] =	stream.linear.gather [hbm4b:s6+s8], $0xFA0, $0x38;
	[tilespmem:$0x190A0] =	vst v63  }
0x83: {  	_ =	swait.ge [sflag:s23], $0xFA0  }
0x84: {  	[sflag:s23] =	ssyncset.done $0x0  }
0x85: {  	s6 =	sadd.s32 $0x61A80, s6;
	[sflag:s23] =	ssyncadd.s32 $0xFFFFF060  }
0x86: {  	[tilespmem:s25], [sflag:$0x4] =	stream.linear.gather [hbm4b:s6+s8], $0xFA0, $0x38;
	[tilespmem:$0x190A0] =	vst v63  }
0x87: {  	_ =	swait.ge [sflag:s23], $0xFA0  }
0x88: {  	[sflag:s23] =	ssyncset.done $0x0  }
0x89: {  	[sflag:s23] =	ssyncadd.s32 $0xFFFFF060  }
0x8a: {  	[tilespmem:s28], [sflag:$0x1] =	stream.indirect.gather [spmem:s0], $0x1, s24, s26, $0xb8;
	[tilespmem:$0x190A0] =	vst v63  }
0x8b: {  	_ = 	snop  }
0x8c: {  	[tilespmem:s29], [sflag:$0x2] =	stream.indirect.gather [spmem:s2], $0x1, s24, s26, $0xb8;
	[tilespmem:$0x190A0] =	vst v63  }
0x8d: {  	_ = 	snop  }
0x8e: {  	[tilespmem:s30], [sflag:$0x3] =	stream.indirect.gather [spmem:s1], $0x1, s25, s26, $0xb8;
	[tilespmem:$0x190A0] =	vst v63  }
0x8f: {  	_ =	swait.ge [sflag:s13], $0xFA0  }
0x90: {  	[sflag:s13] =	ssyncset.done $0x0  }
0x91: {  	[sflag:s13] =	ssyncadd.s32 $0xFFFFF060  }
0x92: {  	_ =	swait.ge [sflag:s14], $0xFA0  }
0x93: {  	[sflag:s14] =	ssyncset.done $0x0  }
0x94: {  	[sflag:s14] =	ssyncadd.s32 $0xFFFFF060  }
0x95: {  	_ =	swait.ge [sflag:s16], $0xFA0  }
0x96: {  	[sflag:s16] =	ssyncset.done $0x0  }
0x97: {  	s8 =	simm.s32 $0x0;
	[sflag:s16] =	ssyncadd.s32 $0xFFFFF060  }
0x98: {  	v4 =	vld [tilespmem:s8+$0x10710]  }
0x99: {  	v5 =	vld [tilespmem:s8+$0x14710]  }
0x9a: {  	v9 =	vld [tilespmem:s8+$0x106F0]  }
0x9b: {  	v2 =	vld [tilespmem:s8+$0x106A0]  }
0x9c: {  	v10 =	vld [tilespmem:s8+$0x146F0]  }
0x9d: {  	v11 =	vld [tilespmem:s8+$0x146B0]  }
0x9e: {  	v3 =	vld [tilespmem:s8+$0x106D0]  }
0x9f: {  	v15 =	vld [tilespmem:s8+$0x126A0]  }
0xa0: {  	v17 =	vld [tilespmem:s8+$0x146A0]  }
0xa1: {  	v18 =	vld [tilespmem:s8+$0x126F0]  }
0xa2: {  	v22 =	vld [tilespmem:s8+$0x126B0]  }
0xa3: {  	v20 =	vld [tilespmem:s8+$0x12710]  }
0xa4: {  	v12 =	vld [tilespmem:s8+$0x14700];
	v8 =	vcvt.s32.f32 v4  }
0xa5: {  	v24 =	vld [tilespmem:s8+$0x12700];
	v13 =	vcvt.s32.f32 v9;
	v16 =	vcvt.s32.f32 v2  }
0xa6: {  	v21 =	vcvt.s32.f32 v3;
	v15 =	vadd.f32 v17, v15;
	v10 =	vadd.f32 v10, v18  }
0xa7: {  	v7 =	vld [tilespmem:s8+$0x106C0];
	v11 =	vadd.f32 v11, v22;
	v8 =	vmul.f32 $9.999999740e-05, v8;
	v13 =	vmul.f32 $9.999999740e-05, v13  }
0xa8: {  	v5 =	vadd.f32 v5, v20;
	v16 =	vmul.f32 $9.999999740e-05, v16;
	v28 =	vmul.f32 $2.000000030e-01, v15  }
0xa9: {  	v6 =	vld [tilespmem:s8+$0x106E0];
	v17 =	vmul.f32 $9.999999740e-05, v21;
	v21 =	vmul.f32 $2.000000030e-01, v10  }
0xaa: {  	v20 =	vadd.f32 v12, v24;
	v24 =	vmul.f32 $2.000000030e-01, v11;
	v62 =	vmul.f32 $2.000000030e-01, v5  }
0xab: {  	v25 =	vld [tilespmem:s8+$0x126E0];
	vm0 =	vge.f32 v15, $0.0e+00;
	v19 =	vtrunc.f32 v8;
	v8 =	vtrunc.f32 v13  }
0xac: {  	v18 =	vld [tilespmem:s8+$0x146E0];
	vm1 =	vge.f32 v10, $0.0e+00;
	v13 =	vcvt.s32.f32 v7;
	v12 =	vtrunc.f32 v17  }
0xad: {  	v22 =	vld [tilespmem:s8+$0x146C0];
	vm12 =	vge.f32 v20, $0.0e+00;
	v23 =	vcvt.f32.s32 v8;
	v8 =	vtrunc.f32 v16  }
0xae: {  	v15 =	vsel vm0, v15, v28;
	v16 =	vcvt.s32.f32 v6;
	v27 =	vcvt.f32.s32 v19;
	v19 =	vld [tilespmem:s8+$0x126C0]  }
0xaf: {  	v14 =	vld [tilespmem:s8+$0x146D0];
	v17 =	vsel vm1, v10, v21;
	v10 =	vmul.f32 $2.000000030e-01, v20;
	v21 =	vsub.f32 v15, v1  }
0xb0: {  	v26 =	vmul.f32 $9.999999740e-05, v13;
	v13 =	vmul.f32 $9.999999740e-05, v16;
	v16 =	vld [tilespmem:s8+$0x126D0];
	v15 =	vmul.u32 $0xF0, v23  }
0xb1: {  	vm13 =	vge.f32 v11, $0.0e+00;
	vm2 =	vge.f32 v5, $0.0e+00;
	v25 =	vadd.f32 v18, v25  }
0xb2: {  	v23 =	vsel vm2, v5, v62;
	v63 =	vadd.s32 v9, v15;
	v9 =	vsel vm12, v20, v10  }
0xb3: {  	v10 =	vsel vm13, v11, v24;
	v15 =	vsub.f32 v23, v1;
	v22 =	vadd.f32 v22, v19  }
0xb4: {  	vm14 =	vge.f32 v25, $0.0e+00;
	v19 =	vld [tilespmem:s8+$0x10700];
	v20 =	vsub.f32 v9, v1;
	v23 =	vsub.f32 v10, v1  }
0xb5: {  	v16 =	vadd.f32 v14, v16;
	v14 =	vmul.f32 $2.000000030e-01, v25;
	v11 =	vmul.f32 $2.000000030e-01, v22  }
0xb6: {  	v5 =	vld [tilespmem:s8+$0x106B0];
	vm15 =	vge.f32 v22, $0.0e+00;
	v24 =	vmul.f32 $1.442695020e+00, v23;
	v23 =	vtrunc.f32 v26  }
0xb7: {  	v9 =	vld [tilespmem:s8+$0x13710];
	v23 =	vcvt.f32.s32 v23;
	v18 =	vmul.f32 $2.000000030e-01, v16;
	v25 =	vsel vm14, v25, v14  }
0xb8: {  	v10 =	vld [tilespmem:s8+$0x136F0];
	v14 =	vsel vm15, v22, v11;
	v22 =	vmul.f32 $1.442695020e+00, v20;
	v20 =	vmul.f32 $1.442695020e+00, v15  }
0xb9: {  	s18 =	simm.s32 $0x200;
	[tilespmem:s8+$0x116F0] =	vst v63;
	v15 =	vld [tilespmem:s8+$0x136A0];
	v11 =	vsub.f32 v25, v1;
	v26 =	vcvt.s32.f32 v19;
	v25 =	vmul.u32 $0xF0, v27  }
.LBB2_3:
0xba: {  	s6 =	sshra.s32 s18, $0x2;
	p0 =	sne.s32 s18, $0x3C00;
	s18 =	sadd.s32 $0x200, s18;
	v21 =	vmul.f32 $1.442695020e+00, v21;
	v27 =	vsub.f32 v14, v1;
	vm0 =	vge.f32 v16, $0.0e+00;
	v28 =	vld [tilespmem:s8+$0x13700]  }
0xbb: {  	v26 =	vmul.f32 $9.999999740e-05, v26;
	v14 =	vadd.s32 v4, v25;
	v4 =	vld [tilespmem:s6+$0x10710];
	(erf) = vpow2.f32 v24  }
0xbc: {  	v13 =	vtrunc.f32 v13;
	v17 =	vsub.f32 v17, v1;
	v24 =	vld [tilespmem:s6+$0x14710];
	[tilespmem:s8+$0x11710] =	vst v14;
	(erf) = vpow2.f32 v22  }
0xbd: {  	v22 =	vmul.u32 $0xF0, v23;
	v14 =	vld [tilespmem:s6+$0x106F0];
	v23 =	vtrunc.f32 v26;
	(erf) = vpow2.f32 v21  }
0xbe: {  	v16 =	vsel vm0, v16, v18;
	v17 =	vmul.f32 $1.442695020e+00, v17;
	v21 =	vld [tilespmem:s6+$0x106A0];
	v18 =	vcvt.f32.s32 v23  }
0xbf: {  	v25 =	vcvt.s32.f32 v5;
	v13 =	vcvt.f32.s32 v13;
	v7 =	vadd.s32 v7, v22;
	v23 =	vld [tilespmem:s6+$0x146F0]  }
0xc0: {  	v22 =	vld [tilespmem:s6+$0x146B0];
	v26 =	vcvt.s32.f32 v4;
	[tilespmem:s8+$0x116C0] =	vst v7;
	v7 =	vsub.f32 v16, v1;
	v16 =	vmul.u32 $0xF0, v18  }
0xc1: {  	v12 =	vcvt.f32.s32 v12;
	v27 =	vmul.f32 $1.442695020e+00, v27;
	v13 =	vmul.u32 $0xF0, v13;
	v18 =	vld [tilespmem:s6+$0x106E0]  }
0xc2: {  	v8 =	vcvt.f32.s32 v8;
	v29 =	vld [tilespmem:s6+$0x106B0];
	v26 =	vmul.f32 $9.999999740e-05, v26  }
0xc3: {  	v32 =	vmul.f32 $1.442695020e+00, v7;
	v16 =	vadd.s32 v19, v16;
	v30 =	vcvt.s32.f32 v21;
	v31 =	vld [tilespmem:s6+$0x106D0]  }
0xc4: {  	v12 =	vmul.u32 $0xF0, v12;
	v25 =	vmul.f32 $9.999999740e-05, v25;
	v19 =	vcvt.s32.f32 v14;
	v7 =	vld [tilespmem:s6+$0x106C0];
	v33 =	vpop (erf)  }
0xc5: {  	v35 =	vadd.s32 v6, v13;
	v30 =	vmul.f32 $9.999999740e-05, v30;
	v34 =	vld [tilespmem:s6+$0x14700];
	[tilespmem:s8+$0x11700] =	vst v16;
	v13 =	vpop (erf);
	(erf) = vpow2.f32 v20  }
0xc6: {  	v12 =	vadd.s32 v3, v12;
	v19 =	vmul.f32 $9.999999740e-05, v19;
	v16 =	vld [tilespmem:s6+$0x146D0];
	[tilespmem:s8+$0x116E0] =	vst v35;
	v35 =	vmul.f32 v13, v28;
	v20 =	vpop (erf)  }
0xc7: {  	v8 =	vmul.u32 $0xF0, v8;
	v26 =	vtrunc.f32 v26;
	v6 =	vmovc v18;
	v28 =	vld [tilespmem:s6+$0x126A0];
	[tilespmem:s8+$0x156A0] =	vst v20;
	(erf) = vpow2.f32 v17  }
0xc8: {  	v18 =	vtrunc.f32 v19;
	v19 =	vtrunc.f32 v25;
	v17 =	vld [tilespmem:s6+$0x146A0];
	[tilespmem:s8+$0x16700] =	vst v35;
	v3 =	vmov v31  }
0xc9: {  	v18 =	vcvt.f32.s32 v18;
	v35 =	vadd.s32 v2, v8;
	v2 =	vmovc v21;
	v25 =	vcvt.s32.f32 v3;
	v31 =	vld [tilespmem:s6+$0x126F0];
	[tilespmem:s8+$0x116D0] =	vst v12  }
0xca: {  	v8 =	vtrunc.f32 v30;
	v12 =	vcvt.s32.f32 v7;
	v21 =	vld [tilespmem:s6+$0x12710];
	[tilespmem:s8+$0x15700] =	vst v13  }
0xcb: {  	v36 =	vcvt.f32.s32 v26;
	v13 =	vcvt.f32.s32 v19;
	v30 =	vld [tilespmem:s6+$0x126B0];
	[tilespmem:s8+$0x116A0] =	vst v35  }
0xcc: {  	v15 =	vmul.f32 v20, v15;
	v26 =	vmul.f32 $9.999999740e-05, v12;
	v12 =	vld [tilespmem:s6+$0x12700]  }
0xcd: {  	v19 =	vadd.f32 v17, v28;
	v20 =	vld [tilespmem:s6+$0x126C0];
	v17 =	vcvt.s32.f32 v6;
	(erf) = vpow2.f32 v32  }
0xce: {  	v37 =	vmul.f32 $1.442695020e+00, v11;
	v28 =	vld [tilespmem:s6+$0x126E0];
	v23 =	vadd.f32 v23, v31;
	[tilespmem:s8+$0x166A0] =	vst v15;
	v15 =	vmul.u32 $0xF0, v13;
	v31 =	vpop (erf)  }
0xcf: {  	vm0 =	vge.f32 v19, $0.0e+00;
	v32 =	vmul.f32 $2.000000030e-01, v19;
	v35 =	vld [tilespmem:s6+$0x126D0];
	v13 =	vmul.f32 $9.999999740e-05, v17;
	[tilespmem:s8+$0x15710] =	vst v31  }
0xd0: {  	v17 =	vmul.f32 $9.999999740e-05, v25;
	v24 =	vadd.f32 v24, v21;
	v21 =	vld [tilespmem:s8+$0x136B0];
	(erf) = vpow2.f32 v37;
	v11 =	vpop (erf)  }
0xd1: {  	v22 =	vadd.f32 v22, v30;
	v25 =	vld [tilespmem:s6+$0x146E0];
	[tilespmem:s8+$0x156B0] =	vst v33;
	v10 =	vmul.f32 v11, v10;
	(erf) = vpow2.f32 v27  }
0xd2: {  	vm1 =	vge.f32 v23, $0.0e+00;
	v27 =	vmul.f32 $2.000000030e-01, v23;
	v30 =	vadd.f32 v34, v12;
	v34 =	vld [tilespmem:s8+$0x136D0];
	[tilespmem:s8+$0x156F0] =	vst v11  }
0xd3: {  	v15 =	vadd.s32 v5, v15;
	v5 =	vmovc v29;
	v12 =	vtrunc.f32 v17;
	v11 =	vmul.f32 $2.000000030e-01, v22  }
0xd4: {  	v9 =	vmul.f32 v31, v9;
	v17 =	vsel vm1, v23, v27;
	v23 =	vmul.f32 $2.000000030e-01, v30;
	v29 =	vld [tilespmem:s6+$0x146C0];
	[tilespmem:s8+$0x166F0] =	vst v10  }
0xd5: {  	v10 =	vsel vm0, v19, v32;
	vm0 =	vge.f32 v30, $0.0e+00;
	v19 =	vmul.f32 v33, v21  }
0xd6: {  	vm1 =	vge.f32 v22, $0.0e+00;
	v27 =	vmul.f32 $2.000000030e-01, v24;
	v25 =	vadd.f32 v25, v28;
	v28 =	vld [tilespmem:s8+$0x136E0];
	v31 =	vpop (erf)  }
0xd7: {  	v16 =	vadd.f32 v16, v35;
	v21 =	vsub.f32 v10, v1;
	[tilespmem:s8+$0x166B0] =	vst v19;
	v10 =	vld [tilespmem:s8+$0x136C0];
	v32 =	vmul.f32 v31, v34  }
0xd8: {  	vm2 =	vge.f32 v24, $0.0e+00;
	v19 =	vmul.u32 $0xF0, v18;
	v33 =	vmul.f32 $2.000000030e-01, v25;
	[tilespmem:s8+$0x16710] =	vst v9  }
0xd9: {  	v18 =	vmul.f32 $2.000000030e-01, v16;
	v9 =	vadd.f32 v29, v20;
	v20 =	vsel vm2, v24, v27;
	[tilespmem:s8+$0x116B0] =	vst v15;
	v15 =	vpop (erf)  }
0xda: {  	vm2 =	vge.f32 v25, $0.0e+00;
	v27 =	vadd.s32 v14, v19;
	v14 =	vsel vm0, v30, v23;
	[tilespmem:s8+$0x156E0] =	vst v15;
	v23 =	vpop (erf)  }
0xdb: {  	v11 =	vsel vm1, v22, v11;
	v20 =	vsub.f32 v20, v1;
	v22 =	vmul.f32 $2.000000030e-01, v9;
	v19 =	vld [tilespmem:s6+$0x10700];
	[tilespmem:s8+$0x156C0] =	vst v23  }
.Ltmp0:
0xdc: {  	v11 =	vsub.f32 v11, v1;
	v24 =	vsub.f32 v14, v1;
	v10 =	vmul.f32 v23, v10;
	[tilespmem:s8+$0x166D0] =	vst v32;
	(pc) =	sbr.rel @p0 .LBB2_3-.Ltmp0, $4  }
0xdd: {  	vm0 =	vge.f32 v9, $0.0e+00;
	v15 =	vmul.f32 v15, v28;
	v23 =	vsel vm2, v25, v33;
	[tilespmem:s8+$0x156D0] =	vst v31  }
0xde: {  	v20 =	vmul.f32 $1.442695020e+00, v20;
	v14 =	vsel vm0, v9, v22;
	v22 =	vmul.f32 $1.442695020e+00, v24;
	v9 =	vld [tilespmem:s6+$0x13710];
	[tilespmem:s8+$0x166C0] =	vst v10  }
0xdf: {  	v25 =	vtrunc.f32 v26;
	v24 =	vmul.f32 $1.442695020e+00, v11;
	v11 =	vsub.f32 v23, v1;
	v10 =	vld [tilespmem:s6+$0x136F0];
	[tilespmem:s8+$0x166E0] =	vst v15;
	s8 =	smov.u32 s6  }
0xe0: {  	v23 =	vcvt.f32.s32 v25;
	v25 =	vmul.u32 $0xF0, v36;
	v15 =	vld [tilespmem:s8+$0x136A0];
	[tilespmem:s8+$0x116F0] =	vst v27;
	v26 =	vcvt.s32.f32 v19  }
0xe1: {  	(erf) = vpow2.f32 v24;
	_ =	sdelay $0x1  }
0xe2: {  	v21 =	vmul.f32 $1.442695020e+00, v21;
	v13 =	vtrunc.f32 v13  }
0xe3: {  	v17 =	vsub.f32 v17, v1;
	v38 =	vcvt.f32.s32 v12;
	v8 =	vcvt.f32.s32 v8  }
0xe4: {  	vm0 =	vge.f32 v16, $0.0e+00;
	v47 =	vcvt.s32.f32 v5;
	(erf) = vpow2.f32 v22  }
0xe5: {  	v32 =	vmul.f32 $9.999999740e-05, v26;
	v23 =	vmul.u32 $0xF0, v23;
	v13 =	vcvt.f32.s32 v13  }
0xe6: {  	v4 =	vadd.s32 v4, v25;
	(erf) = vpow2.f32 v21;
	v17 =	vmul.f32 $1.442695020e+00, v17  }
0xe7: {  	[tilespmem:s8+$0x11710] =	vst v4;
	v4 =	vmul.u32 $0xF0, v38;
	v33 =	vtrunc.f32 v32;
	v35 =	vadd.s32 v7, v23  }
0xe8: {  	v36 =	vmul.u32 $0xF0, v13;
	(erf) = vpow2.f32 v20;
	v21 =	vcvt.f32.s32 v33  }
0xe9: {  	v43 =	vmul.u32 $0xF0, v8;
	[tilespmem:s8+$0x116C0] =	vst v35;
	v3 =	vadd.s32 v3, v4;
	v37 =	vpop (erf);
	(erf) = vpow2.f32 v17  }
0xea: {  	v34 =	vld [tilespmem:s8+$0x13700];
	v44 =	vsel vm0, v16, v18;
	v6 =	vadd.s32 v6, v36;
	[tilespmem:s8+$0x116D0] =	vst v3;
	v21 =	vmul.u32 $0xF0, v21  }
0xeb: {  	v2 =	vadd.s32 v2, v43;
	v3 =	vsub.f32 v44, v1;
	[tilespmem:s8+$0x116E0] =	vst v6;
	v6 =	vmul.f32 $9.999999740e-05, v47  }
0xec: {  	[tilespmem:s8+$0x116A0] =	vst v2;
	v39 =	vadd.s32 v19, v21  }
0xed: {  	v3 =	vmul.f32 $1.442695020e+00, v3;
	v6 =	vtrunc.f32 v6;
	[tilespmem:s8+$0x11700] =	vst v39  }
0xee: {  	v48 =	vmul.f32 $1.442695020e+00, v11;
	v2 =	vsub.f32 v14, v1;
	v6 =	vcvt.f32.s32 v6;
	v40 =	vpop (erf);
	[tilespmem:s8+$0x156B0] =	vst v37  }
0xef: {  	(erf) = vpow2.f32 v3;
	v41 =	vmul.f32 v40, v34;
	v42 =	vpop (erf);
	[tilespmem:s8+$0x15700] =	vst v40  }
0xf0: {  	v2 =	vmul.f32 $1.442695020e+00, v2;
	v3 =	vld [tilespmem:s8+$0x136B0];
	(erf) = vpow2.f32 v48;
	[tilespmem:s8+$0x156A0] =	vst v42  }
0xf1: {  	v6 =	vmul.u32 $0xF0, v6;
	v45 =	vmul.f32 v42, v15;
	v46 =	vpop (erf);
	[tilespmem:s8+$0x16700] =	vst v41  }
0xf2: {  	[tilespmem:s8+$0x15710] =	vst v46;
	v49 =	vpop (erf);
	(erf) = vpow2.f32 v2  }
0xf3: {  	v51 =	vadd.s32 v5, v6;
	[tilespmem:s8+$0x166A0] =	vst v45;
	v2 =	vmul.f32 v49, v10  }
0xf4: {  	v50 =	vld [tilespmem:s8+$0x136D0];
	v4 =	vmul.f32 v46, v9;
	[tilespmem:s8+$0x116B0] =	vst v51  }
0xf5: {  	[tilespmem:s8+$0x166F0] =	vst v2;
	v2 =	vmul.f32 v37, v3  }
0xf6: {  	[tilespmem:s8+$0x16710] =	vst v4;
	v3 =	vld [tilespmem:s8+$0x136E0]  }
0xf7: {  	[tilespmem:s8+$0x166B0] =	vst v2;
	v2 =	vld [tilespmem:s8+$0x136C0]  }
0xf8: {  	[tilespmem:s8+$0x156F0] =	vst v49;
	v52 =	vpop (erf)  }
0xf9: {  	v53 =	vpop (erf);
	v54 =	vmul.f32 v52, v50;
	[tilespmem:s8+$0x156D0] =	vst v52  }
0xfa: {  	[tilespmem:s8+$0x156E0] =	vst v53  }
0xfb: {  	[tilespmem:s8+$0x166D0] =	vst v54;
	v3 =	vmul.f32 v53, v3;
	v55 =	vpop (erf)  }
0xfc: {  	[tilespmem:s8+$0x156C0] =	vst v55;
	v2 =	vmul.f32 v55, v2  }
0xfd: {  	[tilespmem:s8+$0x166E0] =	vst v3  }
0xfe: {  	[tilespmem:s8+$0x166C0] =	vst v2  }
0xff: {  	v2 =	vld [tilespmem:$0x13620]  }
0x100: {  	v3 =	vld [tilespmem:$0x15620];
	_ =	sdelay $0x1  }
0x101: {  	v56 =	vld [tilespmem:$0x13630]  }
0x102: {  	v5 =	vld [tilespmem:$0x15630];
	_ =	sdelay $0x1  }
0x103: {  	v2 =	vadd.f32 v3, v2;
	_ =	sdelay $0x1  }
0x104: {  	v3 =	vmul.f32 $2.000000030e-01, v2  }
0x105: {  	v4 =	vadd.f32 v5, v56;
	vm14 =	vge.f32 v2, $0.0e+00  }
0x106: {  	v2 =	vsel vm14, v2, v3  }
0x107: {  	v3 =	vmul.f32 $2.000000030e-01, v4;
	v2 =	vsub.f32 v2, v1  }
0x108: {  	vm15 =	vge.f32 v4, $0.0e+00  }
0x109: {  	v57 =	vld [tilespmem:$0x11620];
	v3 =	vsel vm15, v4, v3;
	v2 =	vmul.f32 $1.442695020e+00, v2  }
0x10a: {  	v3 =	vsub.f32 v3, v1  }
0x10b: {  	(erf) = vpow2.f32 v2  }
0x10c: {  	v2 =	vmul.f32 $1.442695020e+00, v3;
	v3 =	vld [tilespmem:$0x11630];
	_ =	sdelay $0x1  }
0x10d: {  	v58 =	vcvt.s32.f32 v57;
	(erf) = vpow2.f32 v2;
	_ =	sdelay $0x1  }
0x10e: {  	v4 =	vmul.f32 $9.999999740e-05, v58;
	v2 =	vld [tilespmem:$0x14620]  }
0x10f: {  	v59 =	vcvt.s32.f32 v3  }
0x110: {  	v4 =	vtrunc.f32 v4  }
0x111: {  	v60 =	vld [tilespmem:$0x14630];
	v4 =	vcvt.f32.s32 v4;
	v6 =	vmul.f32 $9.999999740e-05, v59  }
0x112: {  	v61 =	vpop (erf)  }
0x113: {  	v4 =	vmul.u32 $0xF0, v4;
	v6 =	vtrunc.f32 v6;
	v2 =	vmul.f32 v61, v2  }
0x114: {  	[tilespmem:$0x16620] =	vst v61;
	v6 =	vcvt.f32.s32 v6  }
0x115: {  	v62 =	vpop (erf);
	[tilespmem:$0x17620] =	vst v2;
	v2 =	vadd.s32 v57, v4  }
0x116: {  	v63 =	vmul.u32 $0xF0, v6;
	[tilespmem:$0x12620] =	vst v2;
	v2 =	vmul.f32 v62, v60  }
0x117: {  	[tilespmem:$0x16630] =	vst v62  }
0x118: {  	[tilespmem:$0x17630] =	vst v2;
	v2 =	vadd.s32 v3, v63  }
0x119: {  	[tilespmem:$0x12630] =	vst v2  }
0x11a: {  	[spmem:s7] =	stream.indirect.scatter.add.f32 [tilespmem:s19], [sflag:$0x4], $0x1, s17, s26, $0xb8;
	[tilespmem:$0x190A0] =	vst v63  }
0x11b: {  	s12 =	sadd.s32 $0x1, s12;
	_ =	swait.ge [sflag:s23], $0xFA0  }
0x11c: {  	p0 =	sne.s32 s12, $0x19;
	[sflag:s23] =	ssyncset.done $0x0  }
.Ltmp1:
0x11d: {  	[sflag:s23] =	ssyncadd.s32 $0xFFFFF060;
	(pc) =	sbr.rel @p0 .LBB2_2-.Ltmp1, $4  }
0x11e: {  	[spmem:s9] =	stream.indirect.scatter.add.f32 [tilespmem:s31], [sflag:$0x4], $0x1, s17, s26, $0xb8;
	[tilespmem:$0x190A0] =	vst v63  }
0x11f: {  	_ =	swait.ge [sflag:s23], $0xFA0  }
0x120: {  	[sflag:s23] =	ssyncset.done $0x0  }
0x121: {  	s8 =	simm.s32 $0x0;
	[sflag:s23] =	ssyncadd.s32 $0xFFFFF060  }
0x122: {  	s12 =	simm.s32 $0x0;
	s0 =	simm.s32 $0x177A0  }
.LBB2_6:
0x123: {  	s6 =	sadd.s32 s15, s12  }
0x124: {  	s6 =	smul.u32 $0xFA0, s6;
	_ =	sdelay $0x1  }
0x125: {  	s6 =	sshrl.u32 s6, $0x3  }
0x126: {  	s6 =	sadd.s32 s21, s6  }
0x127: {  	[tilespmem:s24], [sflag:$0x4] =	stream.linear.gather [hbm4b:s6+s8], $0xFA0, $0x38;
	[tilespmem:$0x190A0] =	vst v63  }
0x128: {  	_ =	swait.ge [sflag:s23], $0xFA0  }
0x129: {  	[sflag:s23] =	ssyncset.done $0x0  }
0x12a: {  	s6 =	sadd.s32 $0x61A80, s6;
	[sflag:s23] =	ssyncadd.s32 $0xFFFFF060  }
0x12b: {  	[tilespmem:s25], [sflag:$0x4] =	stream.linear.gather [hbm4b:s6+s8], $0xFA0, $0x38;
	[tilespmem:$0x190A0] =	vst v63  }
0x12c: {  	_ =	swait.ge [sflag:s23], $0xFA0  }
0x12d: {  	[sflag:s23] =	ssyncset.done $0x0  }
0x12e: {  	[sflag:s23] =	ssyncadd.s32 $0xFFFFF060  }
0x12f: {  	[tilespmem:s28], [sflag:$0x1] =	stream.indirect.gather [spmem:s3], $0x1, s24, s26, $0xb8;
	[tilespmem:$0x190A0] =	vst v63  }
0x130: {  	_ = 	snop  }
0x131: {  	[tilespmem:s29], [sflag:$0x2] =	stream.indirect.gather [spmem:s5], $0x1, s24, s26, $0xb8;
	[tilespmem:$0x190A0] =	vst v63  }
0x132: {  	_ = 	snop  }
0x133: {  	[tilespmem:s30], [sflag:$0x3] =	stream.indirect.gather [spmem:s4], $0x1, s25, s26, $0xb8;
	[tilespmem:$0x190A0] =	vst v63  }
0x134: {  	_ =	swait.ge [sflag:s13], $0xFA0  }
0x135: {  	[sflag:s13] =	ssyncset.done $0x0  }
0x136: {  	[sflag:s13] =	ssyncadd.s32 $0xFFFFF060  }
0x137: {  	_ =	swait.ge [sflag:s14], $0xFA0  }
0x138: {  	[sflag:s14] =	ssyncset.done $0x0  }
0x139: {  	[sflag:s14] =	ssyncadd.s32 $0xFFFFF060  }
0x13a: {  	_ =	swait.ge [sflag:s16], $0xFA0  }
0x13b: {  	[sflag:s16] =	ssyncset.done $0x0  }
0x13c: {  	s18 =	simm.s32 $0x0;
	[sflag:s16] =	ssyncadd.s32 $0xFFFFF060  }
0x13d: {  	v3 =	vld [tilespmem:s18+$0x10710]  }
0x13e: {  	v4 =	vld [tilespmem:s18+$0x14710]  }
0x13f: {  	v8 =	vld [tilespmem:s18+$0x106F0]  }
0x140: {  	v1 =	vld [tilespmem:s18+$0x106A0]  }
0x141: {  	v9 =	vld [tilespmem:s18+$0x146F0]  }
0x142: {  	v10 =	vld [tilespmem:s18+$0x146B0]  }
0x143: {  	v2 =	vld [tilespmem:s18+$0x106D0]  }
0x144: {  	v11 =	vld [tilespmem:s18+$0x14700]  }
0x145: {  	v14 =	vld [tilespmem:s18+$0x126A0]  }
0x146: {  	v16 =	vld [tilespmem:s18+$0x146A0]  }
0x147: {  	v17 =	vld [tilespmem:s18+$0x126F0]  }
0x148: {  	v21 =	vld [tilespmem:s18+$0x126B0]  }
0x149: {  	v19 =	vld [tilespmem:s18+$0x12710]  }
0x14a: {  	v23 =	vld [tilespmem:s18+$0x12700]  }
0x14b: {  	v7 =	vcvt.s32.f32 v3;
	v12 =	vcvt.s32.f32 v8  }
0x14c: {  	v15 =	vcvt.s32.f32 v1;
	v20 =	vcvt.s32.f32 v2;
	v14 =	vadd.f32 v16, v14  }
0x14d: {  	v6 =	vld [tilespmem:s18+$0x106C0];
	v9 =	vadd.f32 v9, v17;
	v10 =	vadd.f32 v10, v21;
	v7 =	vmul.f32 $9.999999740e-05, v7  }
0x14e: {  	v4 =	vadd.f32 v4, v19;
	v12 =	vmul.f32 $9.999999740e-05, v12;
	v15 =	vmul.f32 $9.999999740e-05, v15  }
0x14f: {  	v5 =	vld [tilespmem:s18+$0x106E0];
	v19 =	vadd.f32 v11, v23;
	v27 =	vmul.f32 $2.000000030e-01, v14;
	v16 =	vmul.f32 $9.999999740e-05, v20  }
0x150: {  	vm0 =	vge.f32 v14, $0.0e+00;
	v20 =	vmul.f32 $2.000000030e-01, v9;
	v23 =	vmul.f32 $2.000000030e-01, v10  }
0x151: {  	v24 =	vld [tilespmem:s18+$0x126E0];
	vm1 =	vge.f32 v9, $0.0e+00;
	v18 =	vtrunc.f32 v7;
	v7 =	vtrunc.f32 v12  }
0x152: {  	v17 =	vld [tilespmem:s18+$0x146E0];
	vm12 =	vge.f32 v19, $0.0e+00;
	v12 =	vcvt.s32.f32 v6;
	v11 =	vtrunc.f32 v16  }
0x153: {  	v21 =	vld [tilespmem:s18+$0x146C0];
	v16 =	vsel vm1, v9, v20;
	v22 =	vcvt.f32.s32 v7;
	v7 =	vtrunc.f32 v15  }
0x154: {  	v14 =	vsel vm0, v14, v27;
	v15 =	vcvt.s32.f32 v5;
	v26 =	vcvt.f32.s32 v18;
	v18 =	vld [tilespmem:s18+$0x126C0]  }
0x155: {  	v13 =	vld [tilespmem:s18+$0x146D0];
	v9 =	vmul.f32 $2.000000030e-01, v19;
	v27 =	vmul.f32 $2.000000030e-01, v4;
	v20 =	vsub.f32 v14, v0  }
0x156: {  	v25 =	vmul.f32 $9.999999740e-05, v12;
	v12 =	vmul.f32 $9.999999740e-05, v15;
	v15 =	vld [tilespmem:s18+$0x126D0];
	v14 =	vmul.u32 $0xF0, v22  }
0x157: {  	vm13 =	vge.f32 v10, $0.0e+00;
	vm2 =	vge.f32 v4, $0.0e+00;
	v24 =	vadd.f32 v17, v24  }
0x158: {  	v22 =	vsel vm2, v4, v27;
	v27 =	vadd.s32 v8, v14;
	v8 =	vsel vm12, v19, v9  }
0x159: {  	v9 =	vsel vm13, v10, v23;
	v14 =	vsub.f32 v22, v0;
	v21 =	vadd.f32 v21, v18  }
0x15a: {  	vm14 =	vge.f32 v24, $0.0e+00;
	v18 =	vld [tilespmem:s18+$0x10700];
	v19 =	vsub.f32 v8, v0;
	v22 =	vsub.f32 v9, v0  }
0x15b: {  	v15 =	vadd.f32 v13, v15;
	v13 =	vmul.f32 $2.000000030e-01, v24;
	v10 =	vmul.f32 $2.000000030e-01, v21  }
0x15c: {  	v4 =	vld [tilespmem:s18+$0x106B0];
	vm15 =	vge.f32 v21, $0.0e+00;
	v23 =	vmul.f32 $1.442695020e+00, v22;
	v22 =	vtrunc.f32 v25  }
0x15d: {  	v8 =	vld [tilespmem:s18+$0x13710];
	v22 =	vcvt.f32.s32 v22;
	v17 =	vmul.f32 $2.000000030e-01, v15;
	v24 =	vsel vm14, v24, v13  }
0x15e: {  	v9 =	vld [tilespmem:s18+$0x136F0];
	v13 =	vsel vm15, v21, v10;
	v21 =	vmul.f32 $1.442695020e+00, v19;
	v19 =	vmul.f32 $1.442695020e+00, v14  }
0x15f: {  	s6 =	simm.s32 $0x200;
	[tilespmem:s18+$0x116F0] =	vst v27;
	v14 =	vld [tilespmem:s18+$0x136A0];
	v10 =	vsub.f32 v24, v0;
	v25 =	vcvt.s32.f32 v18;
	v24 =	vmul.u32 $0xF0, v26  }
.LBB2_7:
0x160: {  	s22 =	sshra.s32 s6, $0x2;
	p0 =	sne.s32 s6, $0x3C00;
	s6 =	sadd.s32 $0x200, s6;
	v20 =	vmul.f32 $1.442695020e+00, v20;
	v26 =	vsub.f32 v13, v0;
	vm0 =	vge.f32 v15, $0.0e+00;
	v27 =	vld [tilespmem:s18+$0x13700]  }
0x161: {  	v25 =	vmul.f32 $9.999999740e-05, v25;
	v13 =	vadd.s32 v3, v24;
	v3 =	vld [tilespmem:s22+$0x10710];
	(erf) = vpow2.f32 v23  }
0x162: {  	v12 =	vtrunc.f32 v12;
	v16 =	vsub.f32 v16, v0;
	v23 =	vld [tilespmem:s22+$0x14710];
	[tilespmem:s18+$0x11710] =	vst v13;
	(erf) = vpow2.f32 v21  }
0x163: {  	v21 =	vmul.u32 $0xF0, v22;
	v13 =	vld [tilespmem:s22+$0x106F0];
	v22 =	vtrunc.f32 v25;
	(erf) = vpow2.f32 v20  }
0x164: {  	v15 =	vsel vm0, v15, v17;
	v16 =	vmul.f32 $1.442695020e+00, v16;
	v20 =	vld [tilespmem:s22+$0x106A0];
	v17 =	vcvt.f32.s32 v22  }
0x165: {  	v24 =	vcvt.s32.f32 v4;
	v12 =	vcvt.f32.s32 v12;
	v6 =	vadd.s32 v6, v21;
	v22 =	vld [tilespmem:s22+$0x146F0]  }
0x166: {  	v21 =	vld [tilespmem:s22+$0x146B0];
	v25 =	vcvt.s32.f32 v3;
	[tilespmem:s18+$0x116C0] =	vst v6;
	v6 =	vsub.f32 v15, v0;
	v15 =	vmul.u32 $0xF0, v17  }
0x167: {  	v11 =	vcvt.f32.s32 v11;
	v26 =	vmul.f32 $1.442695020e+00, v26;
	v12 =	vmul.u32 $0xF0, v12;
	v17 =	vld [tilespmem:s22+$0x106E0]  }
0x168: {  	v7 =	vcvt.f32.s32 v7;
	v28 =	vld [tilespmem:s22+$0x106B0];
	v25 =	vmul.f32 $9.999999740e-05, v25  }
0x169: {  	v31 =	vmul.f32 $1.442695020e+00, v6;
	v15 =	vadd.s32 v18, v15;
	v29 =	vcvt.s32.f32 v20;
	v30 =	vld [tilespmem:s22+$0x106D0]  }
0x16a: {  	v11 =	vmul.u32 $0xF0, v11;
	v24 =	vmul.f32 $9.999999740e-05, v24;
	v18 =	vcvt.s32.f32 v13;
	v6 =	vld [tilespmem:s22+$0x106C0];
	v32 =	vpop (erf)  }
0x16b: {  	v34 =	vadd.s32 v5, v12;
	v29 =	vmul.f32 $9.999999740e-05, v29;
	v33 =	vld [tilespmem:s22+$0x14700];
	[tilespmem:s18+$0x11700] =	vst v15;
	v12 =	vpop (erf);
	(erf) = vpow2.f32 v19  }
0x16c: {  	v11 =	vadd.s32 v2, v11;
	v18 =	vmul.f32 $9.999999740e-05, v18;
	v15 =	vld [tilespmem:s22+$0x146D0];
	[tilespmem:s18+$0x116E0] =	vst v34;
	v34 =	vmul.f32 v12, v27;
	v19 =	vpop (erf)  }
0x16d: {  	v7 =	vmul.u32 $0xF0, v7;
	v25 =	vtrunc.f32 v25;
	v5 =	vmovc v17;
	v27 =	vld [tilespmem:s22+$0x126A0];
	[tilespmem:s18+$0x156A0] =	vst v19;
	(erf) = vpow2.f32 v16  }
0x16e: {  	v17 =	vtrunc.f32 v18;
	v18 =	vtrunc.f32 v24;
	v16 =	vld [tilespmem:s22+$0x146A0];
	[tilespmem:s18+$0x16700] =	vst v34;
	v2 =	vmov v30  }
0x16f: {  	v17 =	vcvt.f32.s32 v17;
	v34 =	vadd.s32 v1, v7;
	v1 =	vmovc v20;
	v24 =	vcvt.s32.f32 v2;
	v30 =	vld [tilespmem:s22+$0x126F0];
	[tilespmem:s18+$0x116D0] =	vst v11  }
0x170: {  	v7 =	vtrunc.f32 v29;
	v11 =	vcvt.s32.f32 v6;
	v20 =	vld [tilespmem:s22+$0x12710];
	[tilespmem:s18+$0x15700] =	vst v12  }
0x171: {  	v35 =	vcvt.f32.s32 v25;
	v12 =	vcvt.f32.s32 v18;
	v29 =	vld [tilespmem:s22+$0x126B0];
	[tilespmem:s18+$0x116A0] =	vst v34  }
0x172: {  	v14 =	vmul.f32 v19, v14;
	v25 =	vmul.f32 $9.999999740e-05, v11;
	v11 =	vld [tilespmem:s22+$0x12700]  }
0x173: {  	v18 =	vadd.f32 v16, v27;
	v19 =	vld [tilespmem:s22+$0x126C0];
	v16 =	vcvt.s32.f32 v5;
	(erf) = vpow2.f32 v31  }
0x174: {  	v36 =	vmul.f32 $1.442695020e+00, v10;
	v27 =	vld [tilespmem:s22+$0x126E0];
	v22 =	vadd.f32 v22, v30;
	[tilespmem:s18+$0x166A0] =	vst v14;
	v14 =	vmul.u32 $0xF0, v12;
	v30 =	vpop (erf)  }
0x175: {  	vm0 =	vge.f32 v18, $0.0e+00;
	v31 =	vmul.f32 $2.000000030e-01, v18;
	v34 =	vld [tilespmem:s22+$0x126D0];
	v12 =	vmul.f32 $9.999999740e-05, v16;
	[tilespmem:s18+$0x15710] =	vst v30  }
0x176: {  	v16 =	vmul.f32 $9.999999740e-05, v24;
	v23 =	vadd.f32 v23, v20;
	v20 =	vld [tilespmem:s18+$0x136B0];
	(erf) = vpow2.f32 v36;
	v10 =	vpop (erf)  }
0x177: {  	v21 =	vadd.f32 v21, v29;
	v24 =	vld [tilespmem:s22+$0x146E0];
	[tilespmem:s18+$0x156B0] =	vst v32;
	v9 =	vmul.f32 v10, v9;
	(erf) = vpow2.f32 v26  }
0x178: {  	vm1 =	vge.f32 v22, $0.0e+00;
	v26 =	vmul.f32 $2.000000030e-01, v22;
	v29 =	vadd.f32 v33, v11;
	v33 =	vld [tilespmem:s18+$0x136D0];
	[tilespmem:s18+$0x156F0] =	vst v10  }
0x179: {  	v14 =	vadd.s32 v4, v14;
	v4 =	vmovc v28;
	v11 =	vtrunc.f32 v16;
	v10 =	vmul.f32 $2.000000030e-01, v21  }
0x17a: {  	v8 =	vmul.f32 v30, v8;
	v16 =	vsel vm1, v22, v26;
	v22 =	vmul.f32 $2.000000030e-01, v29;
	v28 =	vld [tilespmem:s22+$0x146C0];
	[tilespmem:s18+$0x166F0] =	vst v9  }
0x17b: {  	v9 =	vsel vm0, v18, v31;
	vm0 =	vge.f32 v29, $0.0e+00;
	v18 =	vmul.f32 v32, v20  }
0x17c: {  	vm1 =	vge.f32 v21, $0.0e+00;
	v26 =	vmul.f32 $2.000000030e-01, v23;
	v24 =	vadd.f32 v24, v27;
	v27 =	vld [tilespmem:s18+$0x136E0];
	v30 =	vpop (erf)  }
0x17d: {  	v15 =	vadd.f32 v15, v34;
	v20 =	vsub.f32 v9, v0;
	[tilespmem:s18+$0x166B0] =	vst v18;
	v9 =	vld [tilespmem:s18+$0x136C0];
	v31 =	vmul.f32 v30, v33  }
0x17e: {  	vm2 =	vge.f32 v23, $0.0e+00;
	v18 =	vmul.u32 $0xF0, v17;
	v32 =	vmul.f32 $2.000000030e-01, v24;
	[tilespmem:s18+$0x16710] =	vst v8  }
0x17f: {  	v17 =	vmul.f32 $2.000000030e-01, v15;
	v8 =	vadd.f32 v28, v19;
	v19 =	vsel vm2, v23, v26;
	[tilespmem:s18+$0x116B0] =	vst v14;
	v14 =	vpop (erf)  }
0x180: {  	vm2 =	vge.f32 v24, $0.0e+00;
	v26 =	vadd.s32 v13, v18;
	v13 =	vsel vm0, v29, v22;
	[tilespmem:s18+$0x156E0] =	vst v14;
	v22 =	vpop (erf)  }
0x181: {  	v10 =	vsel vm1, v21, v10;
	v19 =	vsub.f32 v19, v0;
	v21 =	vmul.f32 $2.000000030e-01, v8;
	v18 =	vld [tilespmem:s22+$0x10700];
	[tilespmem:s18+$0x156C0] =	vst v22  }
.Ltmp2:
0x182: {  	v10 =	vsub.f32 v10, v0;
	v23 =	vsub.f32 v13, v0;
	v9 =	vmul.f32 v22, v9;
	[tilespmem:s18+$0x166D0] =	vst v31;
	(pc) =	sbr.rel @p0 .LBB2_7-.Ltmp2, $4  }
0x183: {  	vm0 =	vge.f32 v8, $0.0e+00;
	v14 =	vmul.f32 v14, v27;
	v22 =	vsel vm2, v24, v32;
	[tilespmem:s18+$0x156D0] =	vst v30  }
0x184: {  	v19 =	vmul.f32 $1.442695020e+00, v19;
	v13 =	vsel vm0, v8, v21;
	v21 =	vmul.f32 $1.442695020e+00, v23;
	v8 =	vld [tilespmem:s22+$0x13710];
	[tilespmem:s18+$0x166C0] =	vst v9  }
0x185: {  	v24 =	vtrunc.f32 v25;
	v23 =	vmul.f32 $1.442695020e+00, v10;
	v10 =	vsub.f32 v22, v0;
	v9 =	vld [tilespmem:s22+$0x136F0];
	[tilespmem:s18+$0x166E0] =	vst v14;
	s18 =	smov.u32 s22  }
0x186: {  	v22 =	vcvt.f32.s32 v24;
	v24 =	vmul.u32 $0xF0, v35;
	v14 =	vld [tilespmem:s18+$0x136A0];
	[tilespmem:s18+$0x116F0] =	vst v26;
	v25 =	vcvt.s32.f32 v18  }
0x187: {  	(erf) = vpow2.f32 v23  }
0x188: {  	v20 =	vmul.f32 $1.442695020e+00, v20  }
0x189: {  	(erf) = vpow2.f32 v21  }
0x18a: {  	v12 =	vtrunc.f32 v12;
	v22 =	vmul.u32 $0xF0, v22;
	(erf) = vpow2.f32 v20  }
0x18b: {  	v16 =	vsub.f32 v16, v0;
	v41 =	vmul.f32 $9.999999740e-05, v25;
	v3 =	vadd.s32 v3, v24  }
0x18c: {  	v7 =	vcvt.f32.s32 v7;
	v12 =	vcvt.f32.s32 v12;
	[tilespmem:s18+$0x11710] =	vst v3;
	v3 =	vadd.s32 v6, v22  }
0x18d: {  	vm0 =	vge.f32 v15, $0.0e+00;
	v42 =	vtrunc.f32 v41;
	[tilespmem:s18+$0x116C0] =	vst v3;
	v3 =	vcvt.f32.s32 v11  }
0x18e: {  	v16 =	vmul.f32 $1.442695020e+00, v16;
	v44 =	vmul.u32 $0xF0, v12;
	v20 =	vcvt.f32.s32 v42  }
0x18f: {  	v51 =	vcvt.s32.f32 v4;
	(erf) = vpow2.f32 v19;
	v3 =	vmul.u32 $0xF0, v3  }
0x190: {  	v5 =	vadd.s32 v5, v44;
	v20 =	vmul.u32 $0xF0, v20;
	v45 =	vpop (erf);
	(erf) = vpow2.f32 v16  }
0x191: {  	v43 =	vld [tilespmem:s18+$0x13700];
	v50 =	vsel vm0, v15, v17;
	[tilespmem:s18+$0x116E0] =	vst v5;
	v5 =	vmul.f32 $9.999999740e-05, v51;
	v2 =	vadd.s32 v2, v3  }
0x192: {  	v46 =	vadd.s32 v18, v20;
	v3 =	vmul.u32 $0xF0, v7;
	[tilespmem:s18+$0x116D0] =	vst v2;
	v2 =	vsub.f32 v50, v0;
	v47 =	vpop (erf)  }
0x193: {  	v5 =	vtrunc.f32 v5;
	[tilespmem:s18+$0x11700] =	vst v46;
	v49 =	vpop (erf)  }
0x194: {  	v1 =	vadd.s32 v1, v3;
	[tilespmem:s18+$0x156B0] =	vst v45;
	v2 =	vmul.f32 $1.442695020e+00, v2;
	v3 =	vmul.f32 v49, v14  }
0x195: {  	v52 =	vmul.f32 $1.442695020e+00, v10;
	v5 =	vcvt.f32.s32 v5;
	[tilespmem:s18+$0x116A0] =	vst v1;
	v1 =	vsub.f32 v13, v0  }
0x196: {  	v48 =	vmul.f32 v47, v43;
	[tilespmem:s18+$0x15700] =	vst v47;
	(erf) = vpow2.f32 v2  }
0x197: {  	v5 =	vmul.u32 $0xF0, v5;
	[tilespmem:s18+$0x156A0] =	vst v49;
	v1 =	vmul.f32 $1.442695020e+00, v1;
	v2 =	vld [tilespmem:s18+$0x136B0];
	(erf) = vpow2.f32 v52  }
0x198: {  	[tilespmem:s18+$0x166A0] =	vst v3;
	v3 =	vpop (erf)  }
0x199: {  	[tilespmem:s18+$0x16700] =	vst v48;
	v55 =	vadd.s32 v4, v5;
	v53 =	vpop (erf);
	(erf) = vpow2.f32 v1  }
0x19a: {  	[tilespmem:s18+$0x116B0] =	vst v55;
	v1 =	vmul.f32 v53, v9  }
0x19b: {  	v54 =	vld [tilespmem:s18+$0x136D0];
	[tilespmem:s18+$0x15710] =	vst v3  }
0x19c: {  	v3 =	vmul.f32 v3, v8;
	[tilespmem:s18+$0x166F0] =	vst v1;
	v1 =	vmul.f32 v45, v2  }
0x19d: {  	[tilespmem:s18+$0x156F0] =	vst v53;
	v2 =	vld [tilespmem:s18+$0x136E0]  }
0x19e: {  	[tilespmem:s18+$0x166B0] =	vst v1;
	v1 =	vld [tilespmem:s18+$0x136C0]  }
0x19f: {  	[tilespmem:s18+$0x16710] =	vst v3;
	v56 =	vpop (erf)  }
0x1a0: {  	v3 =	vpop (erf);
	v57 =	vmul.f32 v56, v54;
	[tilespmem:s18+$0x156D0] =	vst v56  }
0x1a1: {  	[tilespmem:s18+$0x156E0] =	vst v3  }
0x1a2: {  	[tilespmem:s18+$0x166D0] =	vst v57;
	v2 =	vmul.f32 v3, v2;
	v58 =	vpop (erf)  }
0x1a3: {  	[tilespmem:s18+$0x156C0] =	vst v58;
	v1 =	vmul.f32 v58, v1  }
0x1a4: {  	[tilespmem:s18+$0x166E0] =	vst v2  }
0x1a5: {  	[tilespmem:s18+$0x166C0] =	vst v1  }
0x1a6: {  	v1 =	vld [tilespmem:$0x13620]  }
0x1a7: {  	v2 =	vld [tilespmem:$0x15620];
	_ =	sdelay $0x1  }
0x1a8: {  	v3 =	vld [tilespmem:$0x13630]  }
0x1a9: {  	v4 =	vld [tilespmem:$0x15630];
	_ =	sdelay $0x1  }
0x1aa: {  	v1 =	vadd.f32 v2, v1;
	_ =	sdelay $0x1  }
0x1ab: {  	v2 =	vmul.f32 $2.000000030e-01, v1  }
0x1ac: {  	v3 =	vadd.f32 v4, v3;
	vm14 =	vge.f32 v1, $0.0e+00  }
0x1ad: {  	v1 =	vsel vm14, v1, v2  }
0x1ae: {  	v59 =	vld [tilespmem:$0x11620];
	v2 =	vmul.f32 $2.000000030e-01, v3;
	v1 =	vsub.f32 v1, v0  }
0x1af: {  	vm15 =	vge.f32 v3, $0.0e+00  }
0x1b0: {  	v2 =	vsel vm15, v3, v2;
	v1 =	vmul.f32 $1.442695020e+00, v1  }
0x1b1: {  	v2 =	vsub.f32 v2, v0  }
0x1b2: {  	(erf) = vpow2.f32 v1  }
0x1b3: {  	v3 =	vcvt.s32.f32 v59;
	v1 =	vmul.f32 $1.442695020e+00, v2;
	v2 =	vld [tilespmem:$0x11630];
	_ =	sdelay $0x1  }
0x1b4: {  	v3 =	vmul.f32 $9.999999740e-05, v3;
	(erf) = vpow2.f32 v1;
	_ =	sdelay $0x1  }
0x1b5: {  	v3 =	vtrunc.f32 v3;
	v1 =	vld [tilespmem:$0x14620]  }
0x1b6: {  	v3 =	vcvt.f32.s32 v3;
	v60 =	vcvt.s32.f32 v2;
	_ =	sdelay $0x1  }
0x1b7: {  	v61 =	vld [tilespmem:$0x14630];
	v3 =	vmul.u32 $0xF0, v3;
	v5 =	vmul.f32 $9.999999740e-05, v60  }
0x1b8: {  	v62 =	vpop (erf)  }
0x1b9: {  	v5 =	vtrunc.f32 v5;
	v1 =	vmul.f32 v62, v1  }
0x1ba: {  	[tilespmem:$0x16620] =	vst v62;
	v5 =	vcvt.f32.s32 v5  }
0x1bb: {  	[tilespmem:$0x17620] =	vst v1;
	v1 =	vadd.s32 v59, v3;
	v3 =	vpop (erf)  }
0x1bc: {  	v63 =	vmul.u32 $0xF0, v5;
	[tilespmem:$0x12620] =	vst v1;
	v1 =	vmul.f32 v3, v61  }
0x1bd: {  	[tilespmem:$0x16630] =	vst v3  }
0x1be: {  	[tilespmem:$0x17630] =	vst v1;
	v1 =	vadd.s32 v2, v63  }
0x1bf: {  	[tilespmem:$0x12630] =	vst v1  }
0x1c0: {  	[spmem:s10] =	stream.indirect.scatter.add.f32 [tilespmem:s19], [sflag:$0x4], $0x1, s17, s26, $0xb8;
	[tilespmem:$0x190A0] =	vst v63  }
0x1c1: {  	s12 =	sadd.s32 $0x1, s12;
	_ =	swait.ge [sflag:s23], $0xFA0  }
0x1c2: {  	p0 =	sne.s32 s12, $0x19;
	[sflag:s23] =	ssyncset.done $0x0  }
.Ltmp3:
0x1c3: {  	[sflag:s23] =	ssyncadd.s32 $0xFFFFF060;
	(pc) =	sbr.rel @p0 .LBB2_6-.Ltmp3, $4  }
0x1c4: {  	[spmem:s11] =	stream.indirect.scatter.add.f32 [tilespmem:s31], [sflag:$0x4], $0x1, s17, s26, $0xb8;
	[tilespmem:$0x190A0] =	vst v63  }
0x1c5: {  	_ =	swait.ge [sflag:s23], $0xFA0  }
0x1c6: {  	[sflag:s23] =	ssyncset.done $0x0  }
0x1c7: {  	[sflag:s23] =	ssyncadd.s32 $0xFFFFF060  }
0x1c8: {  	[bflag:$0x0] =	sbarrier.arrive $0xFFFF  }
0x1c9: {  	s18 =	rddreg [dreg:$0x1c]  }
0x1ca: {  	[tilespmem:s0], [sflag:$0x4] =	stream.linear.gather [spmem:s18], $0x1900, $0x38;
	[tilespmem:$0x190A0] =	vst v63  }
0x1cb: {  	_ =	swait.ge [sflag:s23], $0x1900  }
0x1cc: {  	s12 =	sld [smem:$0x7F8]  }
0x1cd: {  	[sflag:s23] =	ssyncset.done $0x0  }
0x1ce: {  	s22 =	simm.s32 $0x0;
	s1 =	simm.s32 $0x177A0;
	[sflag:s23] =	ssyncadd.s32 $0xFFFFE700  }
0x1cf: {  	[hbm4b:s12+s22] =	stream.linear.scatter [tilespmem:s1], [sflag:$0x4], $0x1900, $0x38;
	[tilespmem:$0x190A0] =	vst v63  }
0x1d0: {  	_ =	swait.ge [sflag:s23], $0x1900  }
0x1d1: {  	[sflag:s23] =	ssyncset.done $0x0  }
0x1d2: {  	s8 =	rddreg [dreg:$0x1d];
	[sflag:s23] =	ssyncadd.s32 $0xFFFFE700  }
0x1d3: {  	[tilespmem:s1], [sflag:$0x4] =	stream.linear.gather [spmem:s8], $0x1900, $0x38;
	[tilespmem:$0x190A0] =	vst v63  }
0x1d4: {  	_ =	swait.ge [sflag:s23], $0x1900  }
0x1d5: {  	s2 =	sld [smem:$0x7F9]  }
0x1d6: {  	[sflag:s23] =	ssyncset.done $0x0  }
0x1d7: {  	[sflag:s23] =	ssyncadd.s32 $0xFFFFE700  }
0x1d8: {  	[hbm4b:s2+s22] =	stream.linear.scatter [tilespmem:s1], [sflag:$0x4], $0x1900, $0x38;
	[tilespmem:$0x190A0] =	vst v63  }
0x1d9: {  	_ =	swait.ge [sflag:s23], $0x1900  }
0x1da: {  	[sflag:s23] =	ssyncset.done $0x0  }
0x1db: {  	s12 =	rddreg [dreg:$0x1e];
	[sflag:s23] =	ssyncadd.s32 $0xFFFFE700  }
0x1dc: {  	[tilespmem:s1], [sflag:$0x4] =	stream.linear.gather [spmem:s12], $0x1900, $0x38;
	[tilespmem:$0x190A0] =	vst v63  }
0x1dd: {  	_ =	swait.ge [sflag:s23], $0x1900  }
0x1de: {  	s6 =	sld [smem:$0x7FA]  }
0x1df: {  	[sflag:s23] =	ssyncset.done $0x0  }
0x1e0: {  	[sflag:s23] =	ssyncadd.s32 $0xFFFFE700  }
0x1e1: {  	[hbm4b:s6+s22] =	stream.linear.scatter [tilespmem:s1], [sflag:$0x4], $0x1900, $0x38;
	[tilespmem:$0x190A0] =	vst v63  }
0x1e2: {  	_ =	swait.ge [sflag:s23], $0x1900  }
0x1e3: {  	[sflag:s23] =	ssyncset.done $0x0  }
0x1e4: {  	s0 =	rddreg [dreg:$0x1f];
	[sflag:s23] =	ssyncadd.s32 $0xFFFFE700  }
0x1e5: {  	[tilespmem:s1], [sflag:$0x4] =	stream.linear.gather [spmem:s0], $0x1900, $0x38;
	[tilespmem:$0x190A0] =	vst v63  }
0x1e6: {  	_ =	swait.ge [sflag:s23], $0x1900  }
0x1e7: {  	s6 =	sld [smem:$0x7FB]  }
0x1e8: {  	[sflag:s23] =	ssyncset.done $0x0  }
0x1e9: {  	[sflag:s23] =	ssyncadd.s32 $0xFFFFE700  }
0x1ea: {  	[hbm4b:s6+s22] =	stream.linear.scatter [tilespmem:s1], [sflag:$0x4], $0x1900, $0x38;
	[tilespmem:$0x190A0] =	vst v63  }
0x1eb: {  	_ =	swait.ge [sflag:s23], $0x1900  }
0x1ec: {  	s2 =	sld [smem:$0x7FD]  }
0x1ed: {  	s6 =	sld [smem:$0x7FC];
	_ =	sdelay $0x1  }
0x1ee: {  	s2 =	sadd.s32 $0x1, s2  }
0x1ef: {  	p0 =	sne.s32 s2, s6  }
.Ltmp4:
0x1f0: {  	_ = 	snop;
	(pc) =	sbr.rel @p0 .LBB2_1-.Ltmp4, $4  }
0x1f1: {  	_ = 	snop  }
0x1f2: {  	[sflag:s23] =	ssyncset.done $0x0  }
0x1f3: {  	[sflag:s23] =	ssyncadd.s32 $0xFFFFE700;
	[smem:$0x7FD] =	sst s2  }
0x1f4: {  	s2 =	rddreg [dreg:$0x4]  }
0x1f5: {  	_ =	sfence.sel $0x180000  }
0x1f6: {  	[bflag:$0x0] =	sbarrier.arrive $0xFFFF  }
0x1f7: {  	_ =	strace $0x90000047  }
0x1f8: {  	s0 =	stileid.u32;
	[bflag:$0x2] =	sbarrier.arrive $0xFFFF  }
0x1f9: {  	p0 =	sne.s32 s0, $0x0;
	s0 =	rddreg [dreg:$0xc]  }
0x1fa: {  	s0 =	sadd.s32 @!p0 $0x100000, s0  }
0x1fb: {  	[sflag:s0] =	ssyncadd.tile.s32 @!p0 $0x1;
	_ =	shalt  }
.Lfunc_end2:
_tile_overlayer_lowered:
.L_overlay_start_2:
0x1fc: {  	(tag) =	ssettag $0x2  }
0x1fd: {  	s0 =	rddreg [dreg:$0x0];
	s2 =	stileid.u32  }
0x1fe: {  	s1 =	rddreg [dreg:$0x1];
	p0 =	sne.s32 s2, $0x0  }
0x1ff: {  	s3 =	rddreg [dreg:$0x2];
	[bflag:$0x3] =	sbarrier.arrive $0xFFFF;
	s2 =	simm.s32 @!p0 $0x1C04  }
0x200: {  	[timem:s3], [sflag:s2] =	dma.local @!p0 [hbm:s0], s1  }
0x201: {  	s0 =	simm.s32 @!p0 $0x4  }
0x202: {  	_ =	swait.ge @!p0 [sflag:s0], s1  }
0x203: {  	s1 =	ssub.s32 @!p0 $0x0, s1;
	[sflag:s0] =	ssyncset.done @!p0 $0x0  }
0x204: {  	[sflag:s0] =	ssyncadd.s32 @!p0 s1  }
0x205: {  	[bflag:$0x3] =	sbarrier.arrive $0xFFFF  }
0x206: {  	_ =	shalt  }

</sc_bundles>
